<compile_context>
chip_gen: v7x
topology: tpu7x:2x2x1
jax: 0.10.2.dev20260603
libtpu: 0.0.44.dev20260713+nightly
codegen_flags: <defaults>
</compile_context>

<pallas_src>
import functools

import jax
import jax.numpy as jnp
from jax import lax
from jax.experimental import pallas as pl
from jax.experimental.pallas import tpu as pltpu
from jax.experimental.pallas import tpu_sc as plsc

NC = 2
NS = 16
NW = NC * NS
LANES = 16

K = 26
TPAD = 688


def _sc_call(nt, nbt, dt4, et4, la, lb):
    mesh = plsc.VectorSubcoreMesh(
        core_axis_name="c", subcore_axis_name="s", num_cores=NC, num_subcores=NS
    )

    @functools.partial(
        pl.kernel,
        mesh=mesh,
        out_type=jax.ShapeDtypeStruct((K, nt, nbt, 8, 128), jnp.float32),
        scratch_types=[
            pltpu.VMEM((TPAD,), jnp.float32),
            pltpu.VMEM((TPAD,), jnp.float32),
            pltpu.VMEM((nt, 8, 128), jnp.float32),
            pltpu.VMEM((nt, 8, 128), jnp.int32),
            pltpu.VMEM((K, 8, 128), jnp.float32),
            pltpu.VMEM((K, 8, 128), jnp.float32),
            pltpu.SemaphoreType.DMA,
            pltpu.SemaphoreType.DMA,
        ],
        compiler_params=pltpu.CompilerParams(needs_layout_passes=False),
    )
    def run(dt_hbm, et_hbm, la_hbm, lb_hbm, out_hbm,
            tbl_a, tbl_nb, dt_v, et_v, ob0, ob1, sem0, sem1):
        wid = lax.axis_index("s") * NC + lax.axis_index("c")
        pltpu.sync_copy(dt_hbm.at[:, wid], dt_v)
        pltpu.sync_copy(et_hbm.at[:, wid], et_v)
        pltpu.sync_copy(la_hbm, tbl_a)
        pltpu.sync_copy(lb_hbm, tbl_nb)
        for t in range(TPAD // LANES):
            s = pl.ds(t * LANES, LANES)
            tbl_a[s] = jnp.exp(tbl_a[s])
            tbl_nb[s] = -jnp.exp(tbl_nb[s])

        bufs = (ob0, ob1)
        sems = (sem0, sem1)

        def compute(t, ob):
            @plsc.parallel_loop(0, 16)
            def vstep(sp):
                s = sp >> 1
                lq = sp & 1
                lanes = [pl.ds(lq * (4 * LANES) + j * LANES, LANES) for j in range(4)]
                dts = [dt_v[t, s, ln] for ln in lanes]
                tis = [et_v[t, s, ln] * K for ln in lanes]

                @plsc.parallel_loop(0, K, unroll=2)
                def kstep(k):
                    for ln, dtv, ti in zip(lanes, dts, tis):
                        a = plsc.load_gather(tbl_a, [ti + k])
                        nb = plsc.load_gather(tbl_nb, [ti + k])
                        ob[k, s, ln] = a * jnp.exp(nb * dtv)

        def start_out(t, b):
            pltpu.async_copy(bufs[b], out_hbm.at[:, t, wid], sems[b])

        def wait_out(b):
            pltpu.make_async_copy(bufs[b], out_hbm.at[:, 0, wid], sems[b]).wait()

        def pair(i, carry):
            t0 = 2 * i

            @pl.when(i > 0)
            def _():
                wait_out(0)

            compute(t0, ob0)
            start_out(t0, 0)

            @pl.when(i > 0)
            def _():
                wait_out(1)

            compute(t0 + 1, ob1)
            start_out(t0 + 1, 1)
            return carry

        lax.fori_loop(0, nt // 2, pair, 0)
        wait_out(0)
        compute(nt - 1, ob0)
        start_out(nt - 1, 0)
        wait_out(0)
        wait_out(1)

    return run(dt4, et4, la, lb)


def kernel(dt, event_types, log_alpha, log_beta):
    batch, nev = dt.shape
    nt = nev // 8
    nbt = batch // 128
    dt4 = dt.reshape(nbt, 128, nt, 8).transpose(2, 0, 3, 1)
    et4 = (
        event_types.astype(jnp.int32).reshape(nbt, 128, nt, 8).transpose(2, 0, 3, 1)
    )
    pad = TPAD - K * K
    la = jnp.pad(log_alpha.reshape(-1), (0, pad))
    lb = jnp.pad(log_beta.reshape(-1), (0, pad))
    arr = _sc_call(nt, nbt, dt4, et4, la, lb)
    return arr.transpose(2, 4, 1, 3, 0).reshape(batch, nev, K)

# --- scband reference (transcript-rebuilt; emitter-appended) ---
"""Pipeline reference for scband-exponential-kernel-41850161332296 (READ-ONLY COPY).

The authoritative reference and input builder live on the scoring server;
editing this copy changes nothing except your own understanding.
"""

import jax, jax.numpy as jnp
import numpy as np

NUM_EVENT_TYPES = 26
INIT_ALPHA = 0.5
INIT_BETA = 1.0


def setup_inputs(seed: int = 0) -> dict:
    key = jax.random.key(seed)
    k1, k2 = jax.random.split(key, 2)
    dt = jax.random.uniform(k1, (4096, 200), dtype=jnp.float32)
    event_types = jax.random.randint(k2, (4096, 200), 0, NUM_EVENT_TYPES, dtype=jnp.int64)
    log_alpha = jnp.log(jnp.ones((NUM_EVENT_TYPES, NUM_EVENT_TYPES), dtype=jnp.float32) * INIT_ALPHA)
    log_beta = jnp.log(jnp.ones((NUM_EVENT_TYPES, NUM_EVENT_TYPES), dtype=jnp.float32) * INIT_BETA)
    return {"dt": dt, "event_types": event_types, "log_alpha": log_alpha, "log_beta": log_beta}


def reference(dt, event_types, log_alpha, log_beta):
    # alpha/beta matrices (positive via exp)
    alpha = jnp.exp(log_alpha)  # [K, K]
    beta = jnp.exp(log_beta)    # [K, K]
    # Row-gather by past event type -> [batch, num_events, K]
    alpha_vals = jnp.take(alpha, event_types, axis=0)
    beta_vals = jnp.take(beta, event_types, axis=0)
    dt_expanded = dt[..., None]  # [batch, num_events, 1]
    kernel = alpha_vals * jnp.exp(-beta_vals * dt_expanded)
    return kernel

if __name__ == "__main__":
    import jax
    _d = setup_inputs()
    print(jax.jit(kernel)(*tuple(_d.values())))

</pallas_src>

<mosaic_0001>
#map = affine_map<(d0, d1) -> (0, 0, 0, 0)>
#map1 = affine_map<(d0, d1) -> (0)>
#map2 = affine_map<(d0, d1) -> (0, 0, 0, 0, 0)>
module attributes {stable_mosaic.version = 14 : i64} {
  func.func @run(%arg0: i32, %arg1: i32, %arg2: memref<25x32x8x128xf32, #tpu.memory_space<hbm>>, %arg3: memref<25x32x8x128xi32, #tpu.memory_space<hbm>>, %arg4: memref<688xf32, #tpu.memory_space<hbm>>, %arg5: memref<688xf32, #tpu.memory_space<hbm>>, %arg6: memref<26x25x32x8x128xf32, #tpu.memory_space<hbm>>, %arg7: memref<688xf32, #tpu.memory_space<vmem>>, %arg8: memref<688xf32, #tpu.memory_space<vmem>>, %arg9: memref<25x8x128xf32, #tpu.memory_space<vmem>>, %arg10: memref<25x8x128xi32, #tpu.memory_space<vmem>>, %arg11: memref<26x8x128xf32, #tpu.memory_space<vmem>>, %arg12: memref<26x8x128xf32, #tpu.memory_space<vmem>>, %arg13: memref<!tpu.dma_semaphore, #tpu.memory_space<semaphore_mem>>, %arg14: memref<!tpu.dma_semaphore, #tpu.memory_space<semaphore_mem>>) attributes {dimension_semantics = [#tpu.dimension_semantics<core_parallel>, #tpu.dimension_semantics<subcore_parallel>], iteration_bounds = array<i64: 2, 16>, scalar_prefetch = 0 : i64, scratch_operands = 8 : i64, tpu.core_type = #tpu.core_type<sc_vector_subcore>, window_params = [{transform_indices = #map}, {transform_indices = #map}, {transform_indices = #map1}, {transform_indices = #map1}, {transform_indices = #map2}]} {
    %mul3A = arith.constant 2 : i32
    %mul3A_0 = arith.muli %arg1, %mul3A : i32
    %add3A = arith.addi %mul3A_0, %arg0 : i32
    "tpu.region"() ({
      %run_scoped3A = tpu.sem_alloc : memref<!tpu.dma_semaphore, #tpu.memory_space<semaphore_mem>>
      %dma_start3A_605 = arith.constant 0 : i32
      %dma_start3A_606 = arith.constant 0 : i32
      %dma_start3A_607 = arith.constant 0 : i32
      %dma_start3A_608 = tpu.memref_slice %arg2[%dma_start3A_605, %add3A, %dma_start3A_606, %dma_start3A_607] : memref<25x32x8x128xf32, #tpu.memory_space<hbm>> -> memref<25x1x8x128xf32, #tpu.memory_space<hbm>>
      %dma_start3A_609 = tpu.memref_squeeze %dma_start3A_608 : memref<25x1x8x128xf32, #tpu.memory_space<hbm>> -> memref<25x8x128xf32, #tpu.memory_space<hbm>>
      %dma_start3A_610 = arith.constant 0 : i32
      %dma_start3A_611 = arith.constant 0 : i32
      %dma_start3A_612 = arith.constant 0 : i32
      %dma_start3A_613 = tpu.memref_slice %arg2[%dma_start3A_610, %add3A, %dma_start3A_611, %dma_start3A_612] : memref<25x32x8x128xf32, #tpu.memory_space<hbm>> -> memref<25x1x8x128xf32, #tpu.memory_space<hbm>>
      %dma_start3A_614 = tpu.memref_squeeze %dma_start3A_613 : memref<25x1x8x128xf32, #tpu.memory_space<hbm>> -> memref<25x8x128xf32, #tpu.memory_space<hbm>>
      tpu.enqueue_dma source(%dma_start3A_614 : memref<25x8x128xf32, #tpu.memory_space<hbm>>) target(%arg9 : memref<25x8x128xf32, #tpu.memory_space<vmem>>) target_semaphore(%run_scoped3A : memref<!tpu.dma_semaphore, #tpu.memory_space<semaphore_mem>>)
      %dma_wait3A_615 = arith.constant 0 : i32
      %dma_wait3A_616 = arith.constant 0 : i32
      %dma_wait3A_617 = arith.constant 0 : i32
      %dma_wait3A_618 = tpu.memref_slice %arg2[%dma_wait3A_615, %add3A, %dma_wait3A_616, %dma_wait3A_617] : memref<25x32x8x128xf32, #tpu.memory_space<hbm>> -> memref<25x1x8x128xf32, #tpu.memory_space<hbm>>
      %dma_wait3A_619 = tpu.memref_squeeze %dma_wait3A_618 : memref<25x1x8x128xf32, #tpu.memory_space<hbm>> -> memref<25x8x128xf32, #tpu.memory_space<hbm>>
      %dma_wait3A_620 = arith.constant 0 : i32
      %dma_wait3A_621 = arith.constant 0 : i32
      %dma_wait3A_622 = arith.constant 0 : i32
      %dma_wait3A_623 = tpu.memref_slice %arg2[%dma_wait3A_620, %add3A, %dma_wait3A_621, %dma_wait3A_622] : memref<25x32x8x128xf32, #tpu.memory_space<hbm>> -> memref<25x1x8x128xf32, #tpu.memory_space<hbm>>
      %dma_wait3A_624 = tpu.memref_squeeze %dma_wait3A_623 : memref<25x1x8x128xf32, #tpu.memory_space<hbm>> -> memref<25x8x128xf32, #tpu.memory_space<hbm>>
      tpu.wait_dma2 semaphore(%run_scoped3A : memref<!tpu.dma_semaphore, #tpu.memory_space<semaphore_mem>>) src(%dma_wait3A_624 : memref<25x8x128xf32, #tpu.memory_space<hbm>>) dst(%arg9 : memref<25x8x128xf32, #tpu.memory_space<vmem>>)
      tpu.yield
    }) : () -> ()
    "tpu.region"() ({
      %run_scoped3A = tpu.sem_alloc : memref<!tpu.dma_semaphore, #tpu.memory_space<semaphore_mem>>
      %dma_start3A_605 = arith.constant 0 : i32
      %dma_start3A_606 = arith.constant 0 : i32
      %dma_start3A_607 = arith.constant 0 : i32
      %dma_start3A_608 = tpu.memref_slice %arg3[%dma_start3A_605, %add3A, %dma_start3A_606, %dma_start3A_607] : memref<25x32x8x128xi32, #tpu.memory_space<hbm>> -> memref<25x1x8x128xi32, #tpu.memory_space<hbm>>
      %dma_start3A_609 = tpu.memref_squeeze %dma_start3A_608 : memref<25x1x8x128xi32, #tpu.memory_space<hbm>> -> memref<25x8x128xi32, #tpu.memory_space<hbm>>
      %dma_start3A_610 = arith.constant 0 : i32
      %dma_start3A_611 = arith.constant 0 : i32
      %dma_start3A_612 = arith.constant 0 : i32
      %dma_start3A_613 = tpu.memref_slice %arg3[%dma_start3A_610, %add3A, %dma_start3A_611, %dma_start3A_612] : memref<25x32x8x128xi32, #tpu.memory_space<hbm>> -> memref<25x1x8x128xi32, #tpu.memory_space<hbm>>
      %dma_start3A_614 = tpu.memref_squeeze %dma_start3A_613 : memref<25x1x8x128xi32, #tpu.memory_space<hbm>> -> memref<25x8x128xi32, #tpu.memory_space<hbm>>
      tpu.enqueue_dma source(%dma_start3A_614 : memref<25x8x128xi32, #tpu.memory_space<hbm>>) target(%arg10 : memref<25x8x128xi32, #tpu.memory_space<vmem>>) target_semaphore(%run_scoped3A : memref<!tpu.dma_semaphore, #tpu.memory_space<semaphore_mem>>)
      %dma_wait3A_615 = arith.constant 0 : i32
      %dma_wait3A_616 = arith.constant 0 : i32
      %dma_wait3A_617 = arith.constant 0 : i32
      %dma_wait3A_618 = tpu.memref_slice %arg3[%dma_wait3A_615, %add3A, %dma_wait3A_616, %dma_wait3A_617] : memref<25x32x8x128xi32, #tpu.memory_space<hbm>> -> memref<25x1x8x128xi32, #tpu.memory_space<hbm>>
      %dma_wait3A_619 = tpu.memref_squeeze %dma_wait3A_618 : memref<25x1x8x128xi32, #tpu.memory_space<hbm>> -> memref<25x8x128xi32, #tpu.memory_space<hbm>>
      %dma_wait3A_620 = arith.constant 0 : i32
      %dma_wait3A_621 = arith.constant 0 : i32
      %dma_wait3A_622 = arith.constant 0 : i32
      %dma_wait3A_623 = tpu.memref_slice %arg3[%dma_wait3A_620, %add3A, %dma_wait3A_621, %dma_wait3A_622] : memref<25x32x8x128xi32, #tpu.memory_space<hbm>> -> memref<25x1x8x128xi32, #tpu.memory_space<hbm>>
      %dma_wait3A_624 = tpu.memref_squeeze %dma_wait3A_623 : memref<25x1x8x128xi32, #tpu.memory_space<hbm>> -> memref<25x8x128xi32, #tpu.memory_space<hbm>>
      tpu.wait_dma2 semaphore(%run_scoped3A : memref<!tpu.dma_semaphore, #tpu.memory_space<semaphore_mem>>) src(%dma_wait3A_624 : memref<25x8x128xi32, #tpu.memory_space<hbm>>) dst(%arg10 : memref<25x8x128xi32, #tpu.memory_space<vmem>>)
      tpu.yield
    }) : () -> ()
    "tpu.region"() ({
      %run_scoped3A = tpu.sem_alloc : memref<!tpu.dma_semaphore, #tpu.memory_space<semaphore_mem>>
      tpu.enqueue_dma source(%arg4 : memref<688xf32, #tpu.memory_space<hbm>>) target(%arg7 : memref<688xf32, #tpu.memory_space<vmem>>) target_semaphore(%run_scoped3A : memref<!tpu.dma_semaphore, #tpu.memory_space<semaphore_mem>>)
      tpu.wait_dma2 semaphore(%run_scoped3A : memref<!tpu.dma_semaphore, #tpu.memory_space<semaphore_mem>>) src(%arg4 : memref<688xf32, #tpu.memory_space<hbm>>) dst(%arg7 : memref<688xf32, #tpu.memory_space<vmem>>)
      tpu.yield
    }) : () -> ()
    "tpu.region"() ({
      %run_scoped3A = tpu.sem_alloc : memref<!tpu.dma_semaphore, #tpu.memory_space<semaphore_mem>>
      tpu.enqueue_dma source(%arg5 : memref<688xf32, #tpu.memory_space<hbm>>) target(%arg8 : memref<688xf32, #tpu.memory_space<vmem>>) target_semaphore(%run_scoped3A : memref<!tpu.dma_semaphore, #tpu.memory_space<semaphore_mem>>)
      tpu.wait_dma2 semaphore(%run_scoped3A : memref<!tpu.dma_semaphore, #tpu.memory_space<semaphore_mem>>) src(%arg5 : memref<688xf32, #tpu.memory_space<hbm>>) dst(%arg8 : memref<688xf32, #tpu.memory_space<vmem>>)
      tpu.yield
    }) : () -> ()
    %get3A = arith.constant 0 : index
    %get3A_1 = tpu.vector_load %arg7[%get3A] {strides = array<i32>} : memref<688xf32, #tpu.memory_space<vmem>>, vector<16xf32>,
    %exp3A = math.exp %get3A_1 : vector<16xf32>
    %swap3A = arith.constant 0 : index
    %swap3A_2 = tpu.vector_load %arg7[%swap3A] {strides = array<i32>} : memref<688xf32, #tpu.memory_space<vmem>>, vector<16xf32>,
    tpu.vector_store %arg7[%swap3A], %exp3A {strides = array<i32>} : memref<688xf32, #tpu.memory_space<vmem>>, vector<16xf32>,
    %get3A_3 = arith.constant 0 : index
    %get3A_4 = tpu.vector_load %arg8[%get3A_3] {strides = array<i32>} : memref<688xf32, #tpu.memory_space<vmem>>, vector<16xf32>,
    %exp3A_5 = math.exp %get3A_4 : vector<16xf32>
    %neg3A = arith.constant 0.000000e+00 : f32
    %neg3A_6 = vector.broadcast %neg3A : f32 to vector<16xf32>
    %neg3A_7 = arith.subf %neg3A_6, %exp3A_5 : vector<16xf32>
    %swap3A_8 = arith.constant 0 : index
    %swap3A_9 = tpu.vector_load %arg8[%swap3A_8] {strides = array<i32>} : memref<688xf32, #tpu.memory_space<vmem>>, vector<16xf32>,
    tpu.vector_store %arg8[%swap3A_8], %neg3A_7 {strides = array<i32>} : memref<688xf32, #tpu.memory_space<vmem>>, vector<16xf32>,
    %get3A_10 = arith.constant 16 : index
    %get3A_11 = tpu.vector_load %arg7[%get3A_10] {strides = array<i32>} : memref<688xf32, #tpu.memory_space<vmem>>, vector<16xf32>,
    %exp3A_12 = math.exp %get3A_11 : vector<16xf32>
    %swap3A_13 = arith.constant 16 : index
    %swap3A_14 = tpu.vector_load %arg7[%swap3A_13] {strides = array<i32>} : memref<688xf32, #tpu.memory_space<vmem>>, vector<16xf32>,
    tpu.vector_store %arg7[%swap3A_13], %exp3A_12 {strides = array<i32>} : memref<688xf32, #tpu.memory_space<vmem>>, vector<16xf32>,
    %get3A_15 = arith.constant 16 : index
    %get3A_16 = tpu.vector_load %arg8[%get3A_15] {strides = array<i32>} : memref<688xf32, #tpu.memory_space<vmem>>, vector<16xf32>,
    %exp3A_17 = math.exp %get3A_16 : vector<16xf32>
    %neg3A_18 = arith.constant 0.000000e+00 : f32
    %neg3A_19 = vector.broadcast %neg3A_18 : f32 to vector<16xf32>
    %neg3A_20 = arith.subf %neg3A_19, %exp3A_17 : vector<16xf32>
    %swap3A_21 = arith.constant 16 : index
    %swap3A_22 = tpu.vector_load %arg8[%swap3A_21] {strides = array<i32>} : memref<688xf32, #tpu.memory_space<vmem>>, vector<16xf32>,
    tpu.vector_store %arg8[%swap3A_21], %neg3A_20 {strides = array<i32>} : memref<688xf32, #tpu.memory_space<vmem>>, vector<16xf32>,
    %get3A_23 = arith.constant 32 : index
    %get3A_24 = tpu.vector_load %arg7[%get3A_23] {strides = array<i32>} : memref<688xf32, #tpu.memory_space<vmem>>, vector<16xf32>,
    %exp3A_25 = math.exp %get3A_24 : vector<16xf32>
    %swap3A_26 = arith.constant 32 : index
    %swap3A_27 = tpu.vector_load %arg7[%swap3A_26] {strides = array<i32>} : memref<688xf32, #tpu.memory_space<vmem>>, vector<16xf32>,
    tpu.vector_store %arg7[%swap3A_26], %exp3A_25 {strides = array<i32>} : memref<688xf32, #tpu.memory_space<vmem>>, vector<16xf32>,
    %get3A_28 = arith.constant 32 : index
    %get3A_29 = tpu.vector_load %arg8[%get3A_28] {strides = array<i32>} : memref<688xf32, #tpu.memory_space<vmem>>, vector<16xf32>,
    %exp3A_30 = math.exp %get3A_29 : vector<16xf32>
    %neg3A_31 = arith.constant 0.000000e+00 : f32
    %neg3A_32 = vector.broadcast %neg3A_31 : f32 to vector<16xf32>
    %neg3A_33 = arith.subf %neg3A_32, %exp3A_30 : vector<16xf32>
    %swap3A_34 = arith.constant 32 : index
    %swap3A_35 = tpu.vector_load %arg8[%swap3A_34] {strides = array<i32>} : memref<688xf32, #tpu.memory_space<vmem>>, vector<16xf32>,
    tpu.vector_store %arg8[%swap3A_34], %neg3A_33 {strides = array<i32>} : memref<688xf32, #tpu.memory_space<vmem>>, vector<16xf32>,
    %get3A_36 = arith.constant 48 : index
    %get3A_37 = tpu.vector_load %arg7[%get3A_36] {strides = array<i32>} : memref<688xf32, #tpu.memory_space<vmem>>, vector<16xf32>,
    %exp3A_38 = math.exp %get3A_37 : vector<16xf32>
    %swap3A_39 = arith.constant 48 : index
    %swap3A_40 = tpu.vector_load %arg7[%swap3A_39] {strides = array<i32>} : memref<688xf32, #tpu.memory_space<vmem>>, vector<16xf32>,
    tpu.vector_store %arg7[%swap3A_39], %exp3A_38 {strides = array<i32>} : memref<688xf32, #tpu.memory_space<vmem>>, vector<16xf32>,
    %get3A_41 = arith.constant 48 : index
    %get3A_42 = tpu.vector_load %arg8[%get3A_41] {strides = array<i32>} : memref<688xf32, #tpu.memory_space<vmem>>, vector<16xf32>,
    %exp3A_43 = math.exp %get3A_42 : vector<16xf32>
    %neg3A_44 = arith.constant 0.000000e+00 : f32
    %neg3A_45 = vector.broadcast %neg3A_44 : f32 to vector<16xf32>
    %neg3A_46 = arith.subf %neg3A_45, %exp3A_43 : vector<16xf32>
    %swap3A_47 = arith.constant 48 : index
    %swap3A_48 = tpu.vector_load %arg8[%swap3A_47] {strides = array<i32>} : memref<688xf32, #tpu.memory_space<vmem>>, vector<16xf32>,
    tpu.vector_store %arg8[%swap3A_47], %neg3A_46 {strides = array<i32>} : memref<688xf32, #tpu.memory_space<vmem>>, vector<16xf32>,
    %get3A_49 = arith.constant 64 : index
    %get3A_50 = tpu.vector_load %arg7[%get3A_49] {strides = array<i32>} : memref<688xf32, #tpu.memory_space<vmem>>, vector<16xf32>,
    %exp3A_51 = math.exp %get3A_50 : vector<16xf32>
    %swap3A_52 = arith.constant 64 : index
    %swap3A_53 = tpu.vector_load %arg7[%swap3A_52] {strides = array<i32>} : memref<688xf32, #tpu.memory_space<vmem>>, vector<16xf32>,
    tpu.vector_store %arg7[%swap3A_52], %exp3A_51 {strides = array<i32>} : memref<688xf32, #tpu.memory_space<vmem>>, vector<16xf32>,
    %get3A_54 = arith.constant 64 : index
    %get3A_55 = tpu.vector_load %arg8[%get3A_54] {strides = array<i32>} : memref<688xf32, #tpu.memory_space<vmem>>, vector<16xf32>,
    %exp3A_56 = math.exp %get3A_55 : vector<16xf32>
    %neg3A_57 = arith.constant 0.000000e+00 : f32
    %neg3A_58 = vector.broadcast %neg3A_57 : f32 to vector<16xf32>
    %neg3A_59 = arith.subf %neg3A_58, %exp3A_56 : vector<16xf32>
    %swap3A_60 = arith.constant 64 : index
    %swap3A_61 = tpu.vector_load %arg8[%swap3A_60] {strides = array<i32>} : memref<688xf32, #tpu.memory_space<vmem>>, vector<16xf32>,
    tpu.vector_store %arg8[%swap3A_60], %neg3A_59 {strides = array<i32>} : memref<688xf32, #tpu.memory_space<vmem>>, vector<16xf32>,
    %get3A_62 = arith.constant 80 : index
    %get3A_63 = tpu.vector_load %arg7[%get3A_62] {strides = array<i32>} : memref<688xf32, #tpu.memory_space<vmem>>, vector<16xf32>,
    %exp3A_64 = math.exp %get3A_63 : vector<16xf32>
    %swap3A_65 = arith.constant 80 : index
    %swap3A_66 = tpu.vector_load %arg7[%swap3A_65] {strides = array<i32>} : memref<688xf32, #tpu.memory_space<vmem>>, vector<16xf32>,
    tpu.vector_store %arg7[%swap3A_65], %exp3A_64 {strides = array<i32>} : memref<688xf32, #tpu.memory_space<vmem>>, vector<16xf32>,
    %get3A_67 = arith.constant 80 : index
    %get3A_68 = tpu.vector_load %arg8[%get3A_67] {strides = array<i32>} : memref<688xf32, #tpu.memory_space<vmem>>, vector<16xf32>,
    %exp3A_69 = math.exp %get3A_68 : vector<16xf32>
    %neg3A_70 = arith.constant 0.000000e+00 : f32
    %neg3A_71 = vector.broadcast %neg3A_70 : f32 to vector<16xf32>
    %neg3A_72 = arith.subf %neg3A_71, %exp3A_69 : vector<16xf32>
    %swap3A_73 = arith.constant 80 : index
    %swap3A_74 = tpu.vector_load %arg8[%swap3A_73] {strides = array<i32>} : memref<688xf32, #tpu.memory_space<vmem>>, vector<16xf32>,
    tpu.vector_store %arg8[%swap3A_73], %neg3A_72 {strides = array<i32>} : memref<688xf32, #tpu.memory_space<vmem>>, vector<16xf32>,
    %get3A_75 = arith.constant 96 : index
    %get3A_76 = tpu.vector_load %arg7[%get3A_75] {strides = array<i32>} : memref<688xf32, #tpu.memory_space<vmem>>, vector<16xf32>,
    %exp3A_77 = math.exp %get3A_76 : vector<16xf32>
    %swap3A_78 = arith.constant 96 : index
    %swap3A_79 = tpu.vector_load %arg7[%swap3A_78] {strides = array<i32>} : memref<688xf32, #tpu.memory_space<vmem>>, vector<16xf32>,
    tpu.vector_store %arg7[%swap3A_78], %exp3A_77 {strides = array<i32>} : memref<688xf32, #tpu.memory_space<vmem>>, vector<16xf32>,
    %get3A_80 = arith.constant 96 : index
    %get3A_81 = tpu.vector_load %arg8[%get3A_80] {strides = array<i32>} : memref<688xf32, #tpu.memory_space<vmem>>, vector<16xf32>,
    %exp3A_82 = math.exp %get3A_81 : vector<16xf32>
    %neg3A_83 = arith.constant 0.000000e+00 : f32
    %neg3A_84 = vector.broadcast %neg3A_83 : f32 to vector<16xf32>
    %neg3A_85 = arith.subf %neg3A_84, %exp3A_82 : vector<16xf32>
    %swap3A_86 = arith.constant 96 : index
    %swap3A_87 = tpu.vector_load %arg8[%swap3A_86] {strides = array<i32>} : memref<688xf32, #tpu.memory_space<vmem>>, vector<16xf32>,
    tpu.vector_store %arg8[%swap3A_86], %neg3A_85 {strides = array<i32>} : memref<688xf32, #tpu.memory_space<vmem>>, vector<16xf32>,
    %get3A_88 = arith.constant 112 : index
    %get3A_89 = tpu.vector_load %arg7[%get3A_88] {strides = array<i32>} : memref<688xf32, #tpu.memory_space<vmem>>, vector<16xf32>,
    %exp3A_90 = math.exp %get3A_89 : vector<16xf32>
    %swap3A_91 = arith.constant 112 : index
    %swap3A_92 = tpu.vector_load %arg7[%swap3A_91] {strides = array<i32>} : memref<688xf32, #tpu.memory_space<vmem>>, vector<16xf32>,
    tpu.vector_store %arg7[%swap3A_91], %exp3A_90 {strides = array<i32>} : memref<688xf32, #tpu.memory_space<vmem>>, vector<16xf32>,
    %get3A_93 = arith.constant 112 : index
    %get3A_94 = tpu.vector_load %arg8[%get3A_93] {strides = array<i32>} : memref<688xf32, #tpu.memory_space<vmem>>, vector<16xf32>,
    %exp3A_95 = math.exp %get3A_94 : vector<16xf32>
    %neg3A_96 = arith.constant 0.000000e+00 : f32
    %neg3A_97 = vector.broadcast %neg3A_96 : f32 to vector<16xf32>
    %neg3A_98 = arith.subf %neg3A_97, %exp3A_95 : vector<16xf32>
    %swap3A_99 = arith.constant 112 : index
    %swap3A_100 = tpu.vector_load %arg8[%swap3A_99] {strides = array<i32>} : memref<688xf32, #tpu.memory_space<vmem>>, vector<16xf32>,
    tpu.vector_store %arg8[%swap3A_99], %neg3A_98 {strides = array<i32>} : memref<688xf32, #tpu.memory_space<vmem>>, vector<16xf32>,
    %get3A_101 = arith.constant 128 : index
    %get3A_102 = tpu.vector_load %arg7[%get3A_101] {strides = array<i32>} : memref<688xf32, #tpu.memory_space<vmem>>, vector<16xf32>,
    %exp3A_103 = math.exp %get3A_102 : vector<16xf32>
    %swap3A_104 = arith.constant 128 : index
    %swap3A_105 = tpu.vector_load %arg7[%swap3A_104] {strides = array<i32>} : memref<688xf32, #tpu.memory_space<vmem>>, vector<16xf32>,
    tpu.vector_store %arg7[%swap3A_104], %exp3A_103 {strides = array<i32>} : memref<688xf32, #tpu.memory_space<vmem>>, vector<16xf32>,
    %get3A_106 = arith.constant 128 : index
    %get3A_107 = tpu.vector_load %arg8[%get3A_106] {strides = array<i32>} : memref<688xf32, #tpu.memory_space<vmem>>, vector<16xf32>,
    %exp3A_108 = math.exp %get3A_107 : vector<16xf32>
    %neg3A_109 = arith.constant 0.000000e+00 : f32
    %neg3A_110 = vector.broadcast %neg3A_109 : f32 to vector<16xf32>
    %neg3A_111 = arith.subf %neg3A_110, %exp3A_108 : vector<16xf32>
    %swap3A_112 = arith.constant 128 : index
    %swap3A_113 = tpu.vector_load %arg8[%swap3A_112] {strides = array<i32>} : memref<688xf32, #tpu.memory_space<vmem>>, vector<16xf32>,
    tpu.vector_store %arg8[%swap3A_112], %neg3A_111 {strides = array<i32>} : memref<688xf32, #tpu.memory_space<vmem>>, vector<16xf32>,
    %get3A_114 = arith.constant 144 : index
    %get3A_115 = tpu.vector_load %arg7[%get3A_114] {strides = array<i32>} : memref<688xf32, #tpu.memory_space<vmem>>, vector<16xf32>,
    %exp3A_116 = math.exp %get3A_115 : vector<16xf32>
    %swap3A_117 = arith.constant 144 : index
    %swap3A_118 = tpu.vector_load %arg7[%swap3A_117] {strides = array<i32>} : memref<688xf32, #tpu.memory_space<vmem>>, vector<16xf32>,
    tpu.vector_store %arg7[%swap3A_117], %exp3A_116 {strides = array<i32>} : memref<688xf32, #tpu.memory_space<vmem>>, vector<16xf32>,
    %get3A_119 = arith.constant 144 : index
    %get3A_120 = tpu.vector_load %arg8[%get3A_119] {strides = array<i32>} : memref<688xf32, #tpu.memory_space<vmem>>, vector<16xf32>,
    %exp3A_121 = math.exp %get3A_120 : vector<16xf32>
    %neg3A_122 = arith.constant 0.000000e+00 : f32
    %neg3A_123 = vector.broadcast %neg3A_122 : f32 to vector<16xf32>
    %neg3A_124 = arith.subf %neg3A_123, %exp3A_121 : vector<16xf32>
    %swap3A_125 = arith.constant 144 : index
    %swap3A_126 = tpu.vector_load %arg8[%swap3A_125] {strides = array<i32>} : memref<688xf32, #tpu.memory_space<vmem>>, vector<16xf32>,
    tpu.vector_store %arg8[%swap3A_125], %neg3A_124 {strides = array<i32>} : memref<688xf32, #tpu.memory_space<vmem>>, vector<16xf32>,
    %get3A_127 = arith.constant 160 : index
    %get3A_128 = tpu.vector_load %arg7[%get3A_127] {strides = array<i32>} : memref<688xf32, #tpu.memory_space<vmem>>, vector<16xf32>,
    %exp3A_129 = math.exp %get3A_128 : vector<16xf32>
    %swap3A_130 = arith.constant 160 : index
    %swap3A_131 = tpu.vector_load %arg7[%swap3A_130] {strides = array<i32>} : memref<688xf32, #tpu.memory_space<vmem>>, vector<16xf32>,
    tpu.vector_store %arg7[%swap3A_130], %exp3A_129 {strides = array<i32>} : memref<688xf32, #tpu.memory_space<vmem>>, vector<16xf32>,
    %get3A_132 = arith.constant 160 : index
    %get3A_133 = tpu.vector_load %arg8[%get3A_132] {strides = array<i32>} : memref<688xf32, #tpu.memory_space<vmem>>, vector<16xf32>,
    %exp3A_134 = math.exp %get3A_133 : vector<16xf32>
    %neg3A_135 = arith.constant 0.000000e+00 : f32
    %neg3A_136 = vector.broadcast %neg3A_135 : f32 to vector<16xf32>
    %neg3A_137 = arith.subf %neg3A_136, %exp3A_134 : vector<16xf32>
    %swap3A_138 = arith.constant 160 : index
    %swap3A_139 = tpu.vector_load %arg8[%swap3A_138] {strides = array<i32>} : memref<688xf32, #tpu.memory_space<vmem>>, vector<16xf32>,
    tpu.vector_store %arg8[%swap3A_138], %neg3A_137 {strides = array<i32>} : memref<688xf32, #tpu.memory_space<vmem>>, vector<16xf32>,
    %get3A_140 = arith.constant 176 : index
    %get3A_141 = tpu.vector_load %arg7[%get3A_140] {strides = array<i32>} : memref<688xf32, #tpu.memory_space<vmem>>, vector<16xf32>,
    %exp3A_142 = math.exp %get3A_141 : vector<16xf32>
    %swap3A_143 = arith.constant 176 : index
    %swap3A_144 = tpu.vector_load %arg7[%swap3A_143] {strides = array<i32>} : memref<688xf32, #tpu.memory_space<vmem>>, vector<16xf32>,
    tpu.vector_store %arg7[%swap3A_143], %exp3A_142 {strides = array<i32>} : memref<688xf32, #tpu.memory_space<vmem>>, vector<16xf32>,
    %get3A_145 = arith.constant 176 : index
    %get3A_146 = tpu.vector_load %arg8[%get3A_145] {strides = array<i32>} : memref<688xf32, #tpu.memory_space<vmem>>, vector<16xf32>,
    %exp3A_147 = math.exp %get3A_146 : vector<16xf32>
    %neg3A_148 = arith.constant 0.000000e+00 : f32
    %neg3A_149 = vector.broadcast %neg3A_148 : f32 to vector<16xf32>
    %neg3A_150 = arith.subf %neg3A_149, %exp3A_147 : vector<16xf32>
    %swap3A_151 = arith.constant 176 : index
    %swap3A_152 = tpu.vector_load %arg8[%swap3A_151] {strides = array<i32>} : memref<688xf32, #tpu.memory_space<vmem>>, vector<16xf32>,
    tpu.vector_store %arg8[%swap3A_151], %neg3A_150 {strides = array<i32>} : memref<688xf32, #tpu.memory_space<vmem>>, vector<16xf32>,
    %get3A_153 = arith.constant 192 : index
    %get3A_154 = tpu.vector_load %arg7[%get3A_153] {strides = array<i32>} : memref<688xf32, #tpu.memory_space<vmem>>, vector<16xf32>,
    %exp3A_155 = math.exp %get3A_154 : vector<16xf32>
    %swap3A_156 = arith.constant 192 : index
    %swap3A_157 = tpu.vector_load %arg7[%swap3A_156] {strides = array<i32>} : memref<688xf32, #tpu.memory_space<vmem>>, vector<16xf32>,
    tpu.vector_store %arg7[%swap3A_156], %exp3A_155 {strides = array<i32>} : memref<688xf32, #tpu.memory_space<vmem>>, vector<16xf32>,
    %get3A_158 = arith.constant 192 : index
    %get3A_159 = tpu.vector_load %arg8[%get3A_158] {strides = array<i32>} : memref<688xf32, #tpu.memory_space<vmem>>, vector<16xf32>,
    %exp3A_160 = math.exp %get3A_159 : vector<16xf32>
    %neg3A_161 = arith.constant 0.000000e+00 : f32
    %neg3A_162 = vector.broadcast %neg3A_161 : f32 to vector<16xf32>
    %neg3A_163 = arith.subf %neg3A_162, %exp3A_160 : vector<16xf32>
    %swap3A_164 = arith.constant 192 : index
    %swap3A_165 = tpu.vector_load %arg8[%swap3A_164] {strides = array<i32>} : memref<688xf32, #tpu.memory_space<vmem>>, vector<16xf32>,
    tpu.vector_store %arg8[%swap3A_164], %neg3A_163 {strides = array<i32>} : memref<688xf32, #tpu.memory_space<vmem>>, vector<16xf32>,
    %get3A_166 = arith.constant 208 : index
    %get3A_167 = tpu.vector_load %arg7[%get3A_166] {strides = array<i32>} : memref<688xf32, #tpu.memory_space<vmem>>, vector<16xf32>,
    %exp3A_168 = math.exp %get3A_167 : vector<16xf32>
    %swap3A_169 = arith.constant 208 : index
    %swap3A_170 = tpu.vector_load %arg7[%swap3A_169] {strides = array<i32>} : memref<688xf32, #tpu.memory_space<vmem>>, vector<16xf32>,
    tpu.vector_store %arg7[%swap3A_169], %exp3A_168 {strides = array<i32>} : memref<688xf32, #tpu.memory_space<vmem>>, vector<16xf32>,
    %get3A_171 = arith.constant 208 : index
    %get3A_172 = tpu.vector_load %arg8[%get3A_171] {strides = array<i32>} : memref<688xf32, #tpu.memory_space<vmem>>, vector<16xf32>,
    %exp3A_173 = math.exp %get3A_172 : vector<16xf32>
    %neg3A_174 = arith.constant 0.000000e+00 : f32
    %neg3A_175 = vector.broadcast %neg3A_174 : f32 to vector<16xf32>
    %neg3A_176 = arith.subf %neg3A_175, %exp3A_173 : vector<16xf32>
    %swap3A_177 = arith.constant 208 : index
    %swap3A_178 = tpu.vector_load %arg8[%swap3A_177] {strides = array<i32>} : memref<688xf32, #tpu.memory_space<vmem>>, vector<16xf32>,
    tpu.vector_store %arg8[%swap3A_177], %neg3A_176 {strides = array<i32>} : memref<688xf32, #tpu.memory_space<vmem>>, vector<16xf32>,
    %get3A_179 = arith.constant 224 : index
    %get3A_180 = tpu.vector_load %arg7[%get3A_179] {strides = array<i32>} : memref<688xf32, #tpu.memory_space<vmem>>, vector<16xf32>,
    %exp3A_181 = math.exp %get3A_180 : vector<16xf32>
    %swap3A_182 = arith.constant 224 : index
    %swap3A_183 = tpu.vector_load %arg7[%swap3A_182] {strides = array<i32>} : memref<688xf32, #tpu.memory_space<vmem>>, vector<16xf32>,
    tpu.vector_store %arg7[%swap3A_182], %exp3A_181 {strides = array<i32>} : memref<688xf32, #tpu.memory_space<vmem>>, vector<16xf32>,
    %get3A_184 = arith.constant 224 : index
    %get3A_185 = tpu.vector_load %arg8[%get3A_184] {strides = array<i32>} : memref<688xf32, #tpu.memory_space<vmem>>, vector<16xf32>,
    %exp3A_186 = math.exp %get3A_185 : vector<16xf32>
    %neg3A_187 = arith.constant 0.000000e+00 : f32
    %neg3A_188 = vector.broadcast %neg3A_187 : f32 to vector<16xf32>
    %neg3A_189 = arith.subf %neg3A_188, %exp3A_186 : vector<16xf32>
    %swap3A_190 = arith.constant 224 : index
    %swap3A_191 = tpu.vector_load %arg8[%swap3A_190] {strides = array<i32>} : memref<688xf32, #tpu.memory_space<vmem>>, vector<16xf32>,
    tpu.vector_store %arg8[%swap3A_190], %neg3A_189 {strides = array<i32>} : memref<688xf32, #tpu.memory_space<vmem>>, vector<16xf32>,
    %get3A_192 = arith.constant 240 : index
    %get3A_193 = tpu.vector_load %arg7[%get3A_192] {strides = array<i32>} : memref<688xf32, #tpu.memory_space<vmem>>, vector<16xf32>,
    %exp3A_194 = math.exp %get3A_193 : vector<16xf32>
    %swap3A_195 = arith.constant 240 : index
    %swap3A_196 = tpu.vector_load %arg7[%swap3A_195] {strides = array<i32>} : memref<688xf32, #tpu.memory_space<vmem>>, vector<16xf32>,
    tpu.vector_store %arg7[%swap3A_195], %exp3A_194 {strides = array<i32>} : memref<688xf32, #tpu.memory_space<vmem>>, vector<16xf32>,
    %get3A_197 = arith.constant 240 : index
    %get3A_198 = tpu.vector_load %arg8[%get3A_197] {strides = array<i32>} : memref<688xf32, #tpu.memory_space<vmem>>, vector<16xf32>,
    %exp3A_199 = math.exp %get3A_198 : vector<16xf32>
    %neg3A_200 = arith.constant 0.000000e+00 : f32
    %neg3A_201 = vector.broadcast %neg3A_200 : f32 to vector<16xf32>
    %neg3A_202 = arith.subf %neg3A_201, %exp3A_199 : vector<16xf32>
    %swap3A_203 = arith.constant 240 : index
    %swap3A_204 = tpu.vector_load %arg8[%swap3A_203] {strides = array<i32>} : memref<688xf32, #tpu.memory_space<vmem>>, vector<16xf32>,
    tpu.vector_store %arg8[%swap3A_203], %neg3A_202 {strides = array<i32>} : memref<688xf32, #tpu.memory_space<vmem>>, vector<16xf32>,
    %get3A_205 = arith.constant 256 : index
    %get3A_206 = tpu.vector_load %arg7[%get3A_205] {strides = array<i32>} : memref<688xf32, #tpu.memory_space<vmem>>, vector<16xf32>,
    %exp3A_207 = math.exp %get3A_206 : vector<16xf32>
    %swap3A_208 = arith.constant 256 : index
    %swap3A_209 = tpu.vector_load %arg7[%swap3A_208] {strides = array<i32>} : memref<688xf32, #tpu.memory_space<vmem>>, vector<16xf32>,
    tpu.vector_store %arg7[%swap3A_208], %exp3A_207 {strides = array<i32>} : memref<688xf32, #tpu.memory_space<vmem>>, vector<16xf32>,
    %get3A_210 = arith.constant 256 : index
    %get3A_211 = tpu.vector_load %arg8[%get3A_210] {strides = array<i32>} : memref<688xf32, #tpu.memory_space<vmem>>, vector<16xf32>,
    %exp3A_212 = math.exp %get3A_211 : vector<16xf32>
    %neg3A_213 = arith.constant 0.000000e+00 : f32
    %neg3A_214 = vector.broadcast %neg3A_213 : f32 to vector<16xf32>
    %neg3A_215 = arith.subf %neg3A_214, %exp3A_212 : vector<16xf32>
    %swap3A_216 = arith.constant 256 : index
    %swap3A_217 = tpu.vector_load %arg8[%swap3A_216] {strides = array<i32>} : memref<688xf32, #tpu.memory_space<vmem>>, vector<16xf32>,
    tpu.vector_store %arg8[%swap3A_216], %neg3A_215 {strides = array<i32>} : memref<688xf32, #tpu.memory_space<vmem>>, vector<16xf32>,
    %get3A_218 = arith.constant 272 : index
    %get3A_219 = tpu.vector_load %arg7[%get3A_218] {strides = array<i32>} : memref<688xf32, #tpu.memory_space<vmem>>, vector<16xf32>,
    %exp3A_220 = math.exp %get3A_219 : vector<16xf32>
    %swap3A_221 = arith.constant 272 : index
    %swap3A_222 = tpu.vector_load %arg7[%swap3A_221] {strides = array<i32>} : memref<688xf32, #tpu.memory_space<vmem>>, vector<16xf32>,
    tpu.vector_store %arg7[%swap3A_221], %exp3A_220 {strides = array<i32>} : memref<688xf32, #tpu.memory_space<vmem>>, vector<16xf32>,
    %get3A_223 = arith.constant 272 : index
    %get3A_224 = tpu.vector_load %arg8[%get3A_223] {strides = array<i32>} : memref<688xf32, #tpu.memory_space<vmem>>, vector<16xf32>,
    %exp3A_225 = math.exp %get3A_224 : vector<16xf32>
    %neg3A_226 = arith.constant 0.000000e+00 : f32
    %neg3A_227 = vector.broadcast %neg3A_226 : f32 to vector<16xf32>
    %neg3A_228 = arith.subf %neg3A_227, %exp3A_225 : vector<16xf32>
    %swap3A_229 = arith.constant 272 : index
    %swap3A_230 = tpu.vector_load %arg8[%swap3A_229] {strides = array<i32>} : memref<688xf32, #tpu.memory_space<vmem>>, vector<16xf32>,
    tpu.vector_store %arg8[%swap3A_229], %neg3A_228 {strides = array<i32>} : memref<688xf32, #tpu.memory_space<vmem>>, vector<16xf32>,
    %get3A_231 = arith.constant 288 : index
    %get3A_232 = tpu.vector_load %arg7[%get3A_231] {strides = array<i32>} : memref<688xf32, #tpu.memory_space<vmem>>, vector<16xf32>,
    %exp3A_233 = math.exp %get3A_232 : vector<16xf32>
    %swap3A_234 = arith.constant 288 : index
    %swap3A_235 = tpu.vector_load %arg7[%swap3A_234] {strides = array<i32>} : memref<688xf32, #tpu.memory_space<vmem>>, vector<16xf32>,
    tpu.vector_store %arg7[%swap3A_234], %exp3A_233 {strides = array<i32>} : memref<688xf32, #tpu.memory_space<vmem>>, vector<16xf32>,
    %get3A_236 = arith.constant 288 : index
    %get3A_237 = tpu.vector_load %arg8[%get3A_236] {strides = array<i32>} : memref<688xf32, #tpu.memory_space<vmem>>, vector<16xf32>,
    %exp3A_238 = math.exp %get3A_237 : vector<16xf32>
    %neg3A_239 = arith.constant 0.000000e+00 : f32
    %neg3A_240 = vector.broadcast %neg3A_239 : f32 to vector<16xf32>
    %neg3A_241 = arith.subf %neg3A_240, %exp3A_238 : vector<16xf32>
    %swap3A_242 = arith.constant 288 : index
    %swap3A_243 = tpu.vector_load %arg8[%swap3A_242] {strides = array<i32>} : memref<688xf32, #tpu.memory_space<vmem>>, vector<16xf32>,
    tpu.vector_store %arg8[%swap3A_242], %neg3A_241 {strides = array<i32>} : memref<688xf32, #tpu.memory_space<vmem>>, vector<16xf32>,
    %get3A_244 = arith.constant 304 : index
    %get3A_245 = tpu.vector_load %arg7[%get3A_244] {strides = array<i32>} : memref<688xf32, #tpu.memory_space<vmem>>, vector<16xf32>,
    %exp3A_246 = math.exp %get3A_245 : vector<16xf32>
    %swap3A_247 = arith.constant 304 : index
    %swap3A_248 = tpu.vector_load %arg7[%swap3A_247] {strides = array<i32>} : memref<688xf32, #tpu.memory_space<vmem>>, vector<16xf32>,
    tpu.vector_store %arg7[%swap3A_247], %exp3A_246 {strides = array<i32>} : memref<688xf32, #tpu.memory_space<vmem>>, vector<16xf32>,
    %get3A_249 = arith.constant 304 : index
    %get3A_250 = tpu.vector_load %arg8[%get3A_249] {strides = array<i32>} : memref<688xf32, #tpu.memory_space<vmem>>, vector<16xf32>,
    %exp3A_251 = math.exp %get3A_250 : vector<16xf32>
    %neg3A_252 = arith.constant 0.000000e+00 : f32
    %neg3A_253 = vector.broadcast %neg3A_252 : f32 to vector<16xf32>
    %neg3A_254 = arith.subf %neg3A_253, %exp3A_251 : vector<16xf32>
    %swap3A_255 = arith.constant 304 : index
    %swap3A_256 = tpu.vector_load %arg8[%swap3A_255] {strides = array<i32>} : memref<688xf32, #tpu.memory_space<vmem>>, vector<16xf32>,
    tpu.vector_store %arg8[%swap3A_255], %neg3A_254 {strides = array<i32>} : memref<688xf32, #tpu.memory_space<vmem>>, vector<16xf32>,
    %get3A_257 = arith.constant 320 : index
    %get3A_258 = tpu.vector_load %arg7[%get3A_257] {strides = array<i32>} : memref<688xf32, #tpu.memory_space<vmem>>, vector<16xf32>,
    %exp3A_259 = math.exp %get3A_258 : vector<16xf32>
    %swap3A_260 = arith.constant 320 : index
    %swap3A_261 = tpu.vector_load %arg7[%swap3A_260] {strides = array<i32>} : memref<688xf32, #tpu.memory_space<vmem>>, vector<16xf32>,
    tpu.vector_store %arg7[%swap3A_260], %exp3A_259 {strides = array<i32>} : memref<688xf32, #tpu.memory_space<vmem>>, vector<16xf32>,
    %get3A_262 = arith.constant 320 : index
    %get3A_263 = tpu.vector_load %arg8[%get3A_262] {strides = array<i32>} : memref<688xf32, #tpu.memory_space<vmem>>, vector<16xf32>,
    %exp3A_264 = math.exp %get3A_263 : vector<16xf32>
    %neg3A_265 = arith.constant 0.000000e+00 : f32
    %neg3A_266 = vector.broadcast %neg3A_265 : f32 to vector<16xf32>
    %neg3A_267 = arith.subf %neg3A_266, %exp3A_264 : vector<16xf32>
    %swap3A_268 = arith.constant 320 : index
    %swap3A_269 = tpu.vector_load %arg8[%swap3A_268] {strides = array<i32>} : memref<688xf32, #tpu.memory_space<vmem>>, vector<16xf32>,
    tpu.vector_store %arg8[%swap3A_268], %neg3A_267 {strides = array<i32>} : memref<688xf32, #tpu.memory_space<vmem>>, vector<16xf32>,
    %get3A_270 = arith.constant 336 : index
    %get3A_271 = tpu.vector_load %arg7[%get3A_270] {strides = array<i32>} : memref<688xf32, #tpu.memory_space<vmem>>, vector<16xf32>,
    %exp3A_272 = math.exp %get3A_271 : vector<16xf32>
    %swap3A_273 = arith.constant 336 : index
    %swap3A_274 = tpu.vector_load %arg7[%swap3A_273] {strides = array<i32>} : memref<688xf32, #tpu.memory_space<vmem>>, vector<16xf32>,
    tpu.vector_store %arg7[%swap3A_273], %exp3A_272 {strides = array<i32>} : memref<688xf32, #tpu.memory_space<vmem>>, vector<16xf32>,
    %get3A_275 = arith.constant 336 : index
    %get3A_276 = tpu.vector_load %arg8[%get3A_275] {strides = array<i32>} : memref<688xf32, #tpu.memory_space<vmem>>, vector<16xf32>,
    %exp3A_277 = math.exp %get3A_276 : vector<16xf32>
    %neg3A_278 = arith.constant 0.000000e+00 : f32
    %neg3A_279 = vector.broadcast %neg3A_278 : f32 to vector<16xf32>
    %neg3A_280 = arith.subf %neg3A_279, %exp3A_277 : vector<16xf32>
    %swap3A_281 = arith.constant 336 : index
    %swap3A_282 = tpu.vector_load %arg8[%swap3A_281] {strides = array<i32>} : memref<688xf32, #tpu.memory_space<vmem>>, vector<16xf32>,
    tpu.vector_store %arg8[%swap3A_281], %neg3A_280 {strides = array<i32>} : memref<688xf32, #tpu.memory_space<vmem>>, vector<16xf32>,
    %get3A_283 = arith.constant 352 : index
    %get3A_284 = tpu.vector_load %arg7[%get3A_283] {strides = array<i32>} : memref<688xf32, #tpu.memory_space<vmem>>, vector<16xf32>,
    %exp3A_285 = math.exp %get3A_284 : vector<16xf32>
    %swap3A_286 = arith.constant 352 : index
    %swap3A_287 = tpu.vector_load %arg7[%swap3A_286] {strides = array<i32>} : memref<688xf32, #tpu.memory_space<vmem>>, vector<16xf32>,
    tpu.vector_store %arg7[%swap3A_286], %exp3A_285 {strides = array<i32>} : memref<688xf32, #tpu.memory_space<vmem>>, vector<16xf32>,
    %get3A_288 = arith.constant 352 : index
    %get3A_289 = tpu.vector_load %arg8[%get3A_288] {strides = array<i32>} : memref<688xf32, #tpu.memory_space<vmem>>, vector<16xf32>,
    %exp3A_290 = math.exp %get3A_289 : vector<16xf32>
    %neg3A_291 = arith.constant 0.000000e+00 : f32
    %neg3A_292 = vector.broadcast %neg3A_291 : f32 to vector<16xf32>
    %neg3A_293 = arith.subf %neg3A_292, %exp3A_290 : vector<16xf32>
    %swap3A_294 = arith.constant 352 : index
    %swap3A_295 = tpu.vector_load %arg8[%swap3A_294] {strides = array<i32>} : memref<688xf32, #tpu.memory_space<vmem>>, vector<16xf32>,
    tpu.vector_store %arg8[%swap3A_294], %neg3A_293 {strides = array<i32>} : memref<688xf32, #tpu.memory_space<vmem>>, vector<16xf32>,
    %get3A_296 = arith.constant 368 : index
    %get3A_297 = tpu.vector_load %arg7[%get3A_296] {strides = array<i32>} : memref<688xf32, #tpu.memory_space<vmem>>, vector<16xf32>,
    %exp3A_298 = math.exp %get3A_297 : vector<16xf32>
    %swap3A_299 = arith.constant 368 : index
    %swap3A_300 = tpu.vector_load %arg7[%swap3A_299] {strides = array<i32>} : memref<688xf32, #tpu.memory_space<vmem>>, vector<16xf32>,
    tpu.vector_store %arg7[%swap3A_299], %exp3A_298 {strides = array<i32>} : memref<688xf32, #tpu.memory_space<vmem>>, vector<16xf32>,
    %get3A_301 = arith.constant 368 : index
    %get3A_302 = tpu.vector_load %arg8[%get3A_301] {strides = array<i32>} : memref<688xf32, #tpu.memory_space<vmem>>, vector<16xf32>,
    %exp3A_303 = math.exp %get3A_302 : vector<16xf32>
    %neg3A_304 = arith.constant 0.000000e+00 : f32
    %neg3A_305 = vector.broadcast %neg3A_304 : f32 to vector<16xf32>
    %neg3A_306 = arith.subf %neg3A_305, %exp3A_303 : vector<16xf32>
    %swap3A_307 = arith.constant 368 : index
    %swap3A_308 = tpu.vector_load %arg8[%swap3A_307] {strides = array<i32>} : memref<688xf32, #tpu.memory_space<vmem>>, vector<16xf32>,
    tpu.vector_store %arg8[%swap3A_307], %neg3A_306 {strides = array<i32>} : memref<688xf32, #tpu.memory_space<vmem>>, vector<16xf32>,
    %get3A_309 = arith.constant 384 : index
    %get3A_310 = tpu.vector_load %arg7[%get3A_309] {strides = array<i32>} : memref<688xf32, #tpu.memory_space<vmem>>, vector<16xf32>,
    %exp3A_311 = math.exp %get3A_310 : vector<16xf32>
    %swap3A_312 = arith.constant 384 : index
    %swap3A_313 = tpu.vector_load %arg7[%swap3A_312] {strides = array<i32>} : memref<688xf32, #tpu.memory_space<vmem>>, vector<16xf32>,
    tpu.vector_store %arg7[%swap3A_312], %exp3A_311 {strides = array<i32>} : memref<688xf32, #tpu.memory_space<vmem>>, vector<16xf32>,
    %get3A_314 = arith.constant 384 : index
    %get3A_315 = tpu.vector_load %arg8[%get3A_314] {strides = array<i32>} : memref<688xf32, #tpu.memory_space<vmem>>, vector<16xf32>,
    %exp3A_316 = math.exp %get3A_315 : vector<16xf32>
    %neg3A_317 = arith.constant 0.000000e+00 : f32
    %neg3A_318 = vector.broadcast %neg3A_317 : f32 to vector<16xf32>
    %neg3A_319 = arith.subf %neg3A_318, %exp3A_316 : vector<16xf32>
    %swap3A_320 = arith.constant 384 : index
    %swap3A_321 = tpu.vector_load %arg8[%swap3A_320] {strides = array<i32>} : memref<688xf32, #tpu.memory_space<vmem>>, vector<16xf32>,
    tpu.vector_store %arg8[%swap3A_320], %neg3A_319 {strides = array<i32>} : memref<688xf32, #tpu.memory_space<vmem>>, vector<16xf32>,
    %get3A_322 = arith.constant 400 : index
    %get3A_323 = tpu.vector_load %arg7[%get3A_322] {strides = array<i32>} : memref<688xf32, #tpu.memory_space<vmem>>, vector<16xf32>,
    %exp3A_324 = math.exp %get3A_323 : vector<16xf32>
    %swap3A_325 = arith.constant 400 : index
    %swap3A_326 = tpu.vector_load %arg7[%swap3A_325] {strides = array<i32>} : memref<688xf32, #tpu.memory_space<vmem>>, vector<16xf32>,
    tpu.vector_store %arg7[%swap3A_325], %exp3A_324 {strides = array<i32>} : memref<688xf32, #tpu.memory_space<vmem>>, vector<16xf32>,
    %get3A_327 = arith.constant 400 : index
    %get3A_328 = tpu.vector_load %arg8[%get3A_327] {strides = array<i32>} : memref<688xf32, #tpu.memory_space<vmem>>, vector<16xf32>,
    %exp3A_329 = math.exp %get3A_328 : vector<16xf32>
    %neg3A_330 = arith.constant 0.000000e+00 : f32
    %neg3A_331 = vector.broadcast %neg3A_330 : f32 to vector<16xf32>
    %neg3A_332 = arith.subf %neg3A_331, %exp3A_329 : vector<16xf32>
    %swap3A_333 = arith.constant 400 : index
    %swap3A_334 = tpu.vector_load %arg8[%swap3A_333] {strides = array<i32>} : memref<688xf32, #tpu.memory_space<vmem>>, vector<16xf32>,
    tpu.vector_store %arg8[%swap3A_333], %neg3A_332 {strides = array<i32>} : memref<688xf32, #tpu.memory_space<vmem>>, vector<16xf32>,
    %get3A_335 = arith.constant 416 : index
    %get3A_336 = tpu.vector_load %arg7[%get3A_335] {strides = array<i32>} : memref<688xf32, #tpu.memory_space<vmem>>, vector<16xf32>,
    %exp3A_337 = math.exp %get3A_336 : vector<16xf32>
    %swap3A_338 = arith.constant 416 : index
    %swap3A_339 = tpu.vector_load %arg7[%swap3A_338] {strides = array<i32>} : memref<688xf32, #tpu.memory_space<vmem>>, vector<16xf32>,
    tpu.vector_store %arg7[%swap3A_338], %exp3A_337 {strides = array<i32>} : memref<688xf32, #tpu.memory_space<vmem>>, vector<16xf32>,
    %get3A_340 = arith.constant 416 : index
    %get3A_341 = tpu.vector_load %arg8[%get3A_340] {strides = array<i32>} : memref<688xf32, #tpu.memory_space<vmem>>, vector<16xf32>,
    %exp3A_342 = math.exp %get3A_341 : vector<16xf32>
    %neg3A_343 = arith.constant 0.000000e+00 : f32
    %neg3A_344 = vector.broadcast %neg3A_343 : f32 to vector<16xf32>
    %neg3A_345 = arith.subf %neg3A_344, %exp3A_342 : vector<16xf32>
    %swap3A_346 = arith.constant 416 : index
    %swap3A_347 = tpu.vector_load %arg8[%swap3A_346] {strides = array<i32>} : memref<688xf32, #tpu.memory_space<vmem>>, vector<16xf32>,
    tpu.vector_store %arg8[%swap3A_346], %neg3A_345 {strides = array<i32>} : memref<688xf32, #tpu.memory_space<vmem>>, vector<16xf32>,
    %get3A_348 = arith.constant 432 : index
    %get3A_349 = tpu.vector_load %arg7[%get3A_348] {strides = array<i32>} : memref<688xf32, #tpu.memory_space<vmem>>, vector<16xf32>,
    %exp3A_350 = math.exp %get3A_349 : vector<16xf32>
    %swap3A_351 = arith.constant 432 : index
    %swap3A_352 = tpu.vector_load %arg7[%swap3A_351] {strides = array<i32>} : memref<688xf32, #tpu.memory_space<vmem>>, vector<16xf32>,
    tpu.vector_store %arg7[%swap3A_351], %exp3A_350 {strides = array<i32>} : memref<688xf32, #tpu.memory_space<vmem>>, vector<16xf32>,
    %get3A_353 = arith.constant 432 : index
    %get3A_354 = tpu.vector_load %arg8[%get3A_353] {strides = array<i32>} : memref<688xf32, #tpu.memory_space<vmem>>, vector<16xf32>,
    %exp3A_355 = math.exp %get3A_354 : vector<16xf32>
    %neg3A_356 = arith.constant 0.000000e+00 : f32
    %neg3A_357 = vector.broadcast %neg3A_356 : f32 to vector<16xf32>
    %neg3A_358 = arith.subf %neg3A_357, %exp3A_355 : vector<16xf32>
    %swap3A_359 = arith.constant 432 : index
    %swap3A_360 = tpu.vector_load %arg8[%swap3A_359] {strides = array<i32>} : memref<688xf32, #tpu.memory_space<vmem>>, vector<16xf32>,
    tpu.vector_store %arg8[%swap3A_359], %neg3A_358 {strides = array<i32>} : memref<688xf32, #tpu.memory_space<vmem>>, vector<16xf32>,
    %get3A_361 = arith.constant 448 : index
    %get3A_362 = tpu.vector_load %arg7[%get3A_361] {strides = array<i32>} : memref<688xf32, #tpu.memory_space<vmem>>, vector<16xf32>,
    %exp3A_363 = math.exp %get3A_362 : vector<16xf32>
    %swap3A_364 = arith.constant 448 : index
    %swap3A_365 = tpu.vector_load %arg7[%swap3A_364] {strides = array<i32>} : memref<688xf32, #tpu.memory_space<vmem>>, vector<16xf32>,
    tpu.vector_store %arg7[%swap3A_364], %exp3A_363 {strides = array<i32>} : memref<688xf32, #tpu.memory_space<vmem>>, vector<16xf32>,
    %get3A_366 = arith.constant 448 : index
    %get3A_367 = tpu.vector_load %arg8[%get3A_366] {strides = array<i32>} : memref<688xf32, #tpu.memory_space<vmem>>, vector<16xf32>,
    %exp3A_368 = math.exp %get3A_367 : vector<16xf32>
    %neg3A_369 = arith.constant 0.000000e+00 : f32
    %neg3A_370 = vector.broadcast %neg3A_369 : f32 to vector<16xf32>
    %neg3A_371 = arith.subf %neg3A_370, %exp3A_368 : vector<16xf32>
    %swap3A_372 = arith.constant 448 : index
    %swap3A_373 = tpu.vector_load %arg8[%swap3A_372] {strides = array<i32>} : memref<688xf32, #tpu.memory_space<vmem>>, vector<16xf32>,
    tpu.vector_store %arg8[%swap3A_372], %neg3A_371 {strides = array<i32>} : memref<688xf32, #tpu.memory_space<vmem>>, vector<16xf32>,
    %get3A_374 = arith.constant 464 : index
    %get3A_375 = tpu.vector_load %arg7[%get3A_374] {strides = array<i32>} : memref<688xf32, #tpu.memory_space<vmem>>, vector<16xf32>,
    %exp3A_376 = math.exp %get3A_375 : vector<16xf32>
    %swap3A_377 = arith.constant 464 : index
    %swap3A_378 = tpu.vector_load %arg7[%swap3A_377] {strides = array<i32>} : memref<688xf32, #tpu.memory_space<vmem>>, vector<16xf32>,
    tpu.vector_store %arg7[%swap3A_377], %exp3A_376 {strides = array<i32>} : memref<688xf32, #tpu.memory_space<vmem>>, vector<16xf32>,
    %get3A_379 = arith.constant 464 : index
    %get3A_380 = tpu.vector_load %arg8[%get3A_379] {strides = array<i32>} : memref<688xf32, #tpu.memory_space<vmem>>, vector<16xf32>,
    %exp3A_381 = math.exp %get3A_380 : vector<16xf32>
    %neg3A_382 = arith.constant 0.000000e+00 : f32
    %neg3A_383 = vector.broadcast %neg3A_382 : f32 to vector<16xf32>
    %neg3A_384 = arith.subf %neg3A_383, %exp3A_381 : vector<16xf32>
    %swap3A_385 = arith.constant 464 : index
    %swap3A_386 = tpu.vector_load %arg8[%swap3A_385] {strides = array<i32>} : memref<688xf32, #tpu.memory_space<vmem>>, vector<16xf32>,
    tpu.vector_store %arg8[%swap3A_385], %neg3A_384 {strides = array<i32>} : memref<688xf32, #tpu.memory_space<vmem>>, vector<16xf32>,
    %get3A_387 = arith.constant 480 : index
    %get3A_388 = tpu.vector_load %arg7[%get3A_387] {strides = array<i32>} : memref<688xf32, #tpu.memory_space<vmem>>, vector<16xf32>,
    %exp3A_389 = math.exp %get3A_388 : vector<16xf32>
    %swap3A_390 = arith.constant 480 : index
    %swap3A_391 = tpu.vector_load %arg7[%swap3A_390] {strides = array<i32>} : memref<688xf32, #tpu.memory_space<vmem>>, vector<16xf32>,
    tpu.vector_store %arg7[%swap3A_390], %exp3A_389 {strides = array<i32>} : memref<688xf32, #tpu.memory_space<vmem>>, vector<16xf32>,
    %get3A_392 = arith.constant 480 : index
    %get3A_393 = tpu.vector_load %arg8[%get3A_392] {strides = array<i32>} : memref<688xf32, #tpu.memory_space<vmem>>, vector<16xf32>,
    %exp3A_394 = math.exp %get3A_393 : vector<16xf32>
    %neg3A_395 = arith.constant 0.000000e+00 : f32
    %neg3A_396 = vector.broadcast %neg3A_395 : f32 to vector<16xf32>
    %neg3A_397 = arith.subf %neg3A_396, %exp3A_394 : vector<16xf32>
    %swap3A_398 = arith.constant 480 : index
    %swap3A_399 = tpu.vector_load %arg8[%swap3A_398] {strides = array<i32>} : memref<688xf32, #tpu.memory_space<vmem>>, vector<16xf32>,
    tpu.vector_store %arg8[%swap3A_398], %neg3A_397 {strides = array<i32>} : memref<688xf32, #tpu.memory_space<vmem>>, vector<16xf32>,
    %get3A_400 = arith.constant 496 : index
    %get3A_401 = tpu.vector_load %arg7[%get3A_400] {strides = array<i32>} : memref<688xf32, #tpu.memory_space<vmem>>, vector<16xf32>,
    %exp3A_402 = math.exp %get3A_401 : vector<16xf32>
    %swap3A_403 = arith.constant 496 : index
    %swap3A_404 = tpu.vector_load %arg7[%swap3A_403] {strides = array<i32>} : memref<688xf32, #tpu.memory_space<vmem>>, vector<16xf32>,
    tpu.vector_store %arg7[%swap3A_403], %exp3A_402 {strides = array<i32>} : memref<688xf32, #tpu.memory_space<vmem>>, vector<16xf32>,
    %get3A_405 = arith.constant 496 : index
    %get3A_406 = tpu.vector_load %arg8[%get3A_405] {strides = array<i32>} : memref<688xf32, #tpu.memory_space<vmem>>, vector<16xf32>,
    %exp3A_407 = math.exp %get3A_406 : vector<16xf32>
    %neg3A_408 = arith.constant 0.000000e+00 : f32
    %neg3A_409 = vector.broadcast %neg3A_408 : f32 to vector<16xf32>
    %neg3A_410 = arith.subf %neg3A_409, %exp3A_407 : vector<16xf32>
    %swap3A_411 = arith.constant 496 : index
    %swap3A_412 = tpu.vector_load %arg8[%swap3A_411] {strides = array<i32>} : memref<688xf32, #tpu.memory_space<vmem>>, vector<16xf32>,
    tpu.vector_store %arg8[%swap3A_411], %neg3A_410 {strides = array<i32>} : memref<688xf32, #tpu.memory_space<vmem>>, vector<16xf32>,
    %get3A_413 = arith.constant 512 : index
    %get3A_414 = tpu.vector_load %arg7[%get3A_413] {strides = array<i32>} : memref<688xf32, #tpu.memory_space<vmem>>, vector<16xf32>,
    %exp3A_415 = math.exp %get3A_414 : vector<16xf32>
    %swap3A_416 = arith.constant 512 : index
    %swap3A_417 = tpu.vector_load %arg7[%swap3A_416] {strides = array<i32>} : memref<688xf32, #tpu.memory_space<vmem>>, vector<16xf32>,
    tpu.vector_store %arg7[%swap3A_416], %exp3A_415 {strides = array<i32>} : memref<688xf32, #tpu.memory_space<vmem>>, vector<16xf32>,
    %get3A_418 = arith.constant 512 : index
    %get3A_419 = tpu.vector_load %arg8[%get3A_418] {strides = array<i32>} : memref<688xf32, #tpu.memory_space<vmem>>, vector<16xf32>,
    %exp3A_420 = math.exp %get3A_419 : vector<16xf32>
    %neg3A_421 = arith.constant 0.000000e+00 : f32
    %neg3A_422 = vector.broadcast %neg3A_421 : f32 to vector<16xf32>
    %neg3A_423 = arith.subf %neg3A_422, %exp3A_420 : vector<16xf32>
    %swap3A_424 = arith.constant 512 : index
    %swap3A_425 = tpu.vector_load %arg8[%swap3A_424] {strides = array<i32>} : memref<688xf32, #tpu.memory_space<vmem>>, vector<16xf32>,
    tpu.vector_store %arg8[%swap3A_424], %neg3A_423 {strides = array<i32>} : memref<688xf32, #tpu.memory_space<vmem>>, vector<16xf32>,
    %get3A_426 = arith.constant 528 : index
    %get3A_427 = tpu.vector_load %arg7[%get3A_426] {strides = array<i32>} : memref<688xf32, #tpu.memory_space<vmem>>, vector<16xf32>,
    %exp3A_428 = math.exp %get3A_427 : vector<16xf32>
    %swap3A_429 = arith.constant 528 : index
    %swap3A_430 = tpu.vector_load %arg7[%swap3A_429] {strides = array<i32>} : memref<688xf32, #tpu.memory_space<vmem>>, vector<16xf32>,
    tpu.vector_store %arg7[%swap3A_429], %exp3A_428 {strides = array<i32>} : memref<688xf32, #tpu.memory_space<vmem>>, vector<16xf32>,
    %get3A_431 = arith.constant 528 : index
    %get3A_432 = tpu.vector_load %arg8[%get3A_431] {strides = array<i32>} : memref<688xf32, #tpu.memory_space<vmem>>, vector<16xf32>,
    %exp3A_433 = math.exp %get3A_432 : vector<16xf32>
    %neg3A_434 = arith.constant 0.000000e+00 : f32
    %neg3A_435 = vector.broadcast %neg3A_434 : f32 to vector<16xf32>
    %neg3A_436 = arith.subf %neg3A_435, %exp3A_433 : vector<16xf32>
    %swap3A_437 = arith.constant 528 : index
    %swap3A_438 = tpu.vector_load %arg8[%swap3A_437] {strides = array<i32>} : memref<688xf32, #tpu.memory_space<vmem>>, vector<16xf32>,
    tpu.vector_store %arg8[%swap3A_437], %neg3A_436 {strides = array<i32>} : memref<688xf32, #tpu.memory_space<vmem>>, vector<16xf32>,
    %get3A_439 = arith.constant 544 : index
    %get3A_440 = tpu.vector_load %arg7[%get3A_439] {strides = array<i32>} : memref<688xf32, #tpu.memory_space<vmem>>, vector<16xf32>,
    %exp3A_441 = math.exp %get3A_440 : vector<16xf32>
    %swap3A_442 = arith.constant 544 : index
    %swap3A_443 = tpu.vector_load %arg7[%swap3A_442] {strides = array<i32>} : memref<688xf32, #tpu.memory_space<vmem>>, vector<16xf32>,
    tpu.vector_store %arg7[%swap3A_442], %exp3A_441 {strides = array<i32>} : memref<688xf32, #tpu.memory_space<vmem>>, vector<16xf32>,
    %get3A_444 = arith.constant 544 : index
    %get3A_445 = tpu.vector_load %arg8[%get3A_444] {strides = array<i32>} : memref<688xf32, #tpu.memory_space<vmem>>, vector<16xf32>,
    %exp3A_446 = math.exp %get3A_445 : vector<16xf32>
    %neg3A_447 = arith.constant 0.000000e+00 : f32
    %neg3A_448 = vector.broadcast %neg3A_447 : f32 to vector<16xf32>
    %neg3A_449 = arith.subf %neg3A_448, %exp3A_446 : vector<16xf32>
    %swap3A_450 = arith.constant 544 : index
    %swap3A_451 = tpu.vector_load %arg8[%swap3A_450] {strides = array<i32>} : memref<688xf32, #tpu.memory_space<vmem>>, vector<16xf32>,
    tpu.vector_store %arg8[%swap3A_450], %neg3A_449 {strides = array<i32>} : memref<688xf32, #tpu.memory_space<vmem>>, vector<16xf32>,
    %get3A_452 = arith.constant 560 : index
    %get3A_453 = tpu.vector_load %arg7[%get3A_452] {strides = array<i32>} : memref<688xf32, #tpu.memory_space<vmem>>, vector<16xf32>,
    %exp3A_454 = math.exp %get3A_453 : vector<16xf32>
    %swap3A_455 = arith.constant 560 : index
    %swap3A_456 = tpu.vector_load %arg7[%swap3A_455] {strides = array<i32>} : memref<688xf32, #tpu.memory_space<vmem>>, vector<16xf32>,
    tpu.vector_store %arg7[%swap3A_455], %exp3A_454 {strides = array<i32>} : memref<688xf32, #tpu.memory_space<vmem>>, vector<16xf32>,
    %get3A_457 = arith.constant 560 : index
    %get3A_458 = tpu.vector_load %arg8[%get3A_457] {strides = array<i32>} : memref<688xf32, #tpu.memory_space<vmem>>, vector<16xf32>,
    %exp3A_459 = math.exp %get3A_458 : vector<16xf32>
    %neg3A_460 = arith.constant 0.000000e+00 : f32
    %neg3A_461 = vector.broadcast %neg3A_460 : f32 to vector<16xf32>
    %neg3A_462 = arith.subf %neg3A_461, %exp3A_459 : vector<16xf32>
    %swap3A_463 = arith.constant 560 : index
    %swap3A_464 = tpu.vector_load %arg8[%swap3A_463] {strides = array<i32>} : memref<688xf32, #tpu.memory_space<vmem>>, vector<16xf32>,
    tpu.vector_store %arg8[%swap3A_463], %neg3A_462 {strides = array<i32>} : memref<688xf32, #tpu.memory_space<vmem>>, vector<16xf32>,
    %get3A_465 = arith.constant 576 : index
    %get3A_466 = tpu.vector_load %arg7[%get3A_465] {strides = array<i32>} : memref<688xf32, #tpu.memory_space<vmem>>, vector<16xf32>,
    %exp3A_467 = math.exp %get3A_466 : vector<16xf32>
    %swap3A_468 = arith.constant 576 : index
    %swap3A_469 = tpu.vector_load %arg7[%swap3A_468] {strides = array<i32>} : memref<688xf32, #tpu.memory_space<vmem>>, vector<16xf32>,
    tpu.vector_store %arg7[%swap3A_468], %exp3A_467 {strides = array<i32>} : memref<688xf32, #tpu.memory_space<vmem>>, vector<16xf32>,
    %get3A_470 = arith.constant 576 : index
    %get3A_471 = tpu.vector_load %arg8[%get3A_470] {strides = array<i32>} : memref<688xf32, #tpu.memory_space<vmem>>, vector<16xf32>,
    %exp3A_472 = math.exp %get3A_471 : vector<16xf32>
    %neg3A_473 = arith.constant 0.000000e+00 : f32
    %neg3A_474 = vector.broadcast %neg3A_473 : f32 to vector<16xf32>
    %neg3A_475 = arith.subf %neg3A_474, %exp3A_472 : vector<16xf32>
    %swap3A_476 = arith.constant 576 : index
    %swap3A_477 = tpu.vector_load %arg8[%swap3A_476] {strides = array<i32>} : memref<688xf32, #tpu.memory_space<vmem>>, vector<16xf32>,
    tpu.vector_store %arg8[%swap3A_476], %neg3A_475 {strides = array<i32>} : memref<688xf32, #tpu.memory_space<vmem>>, vector<16xf32>,
    %get3A_478 = arith.constant 592 : index
    %get3A_479 = tpu.vector_load %arg7[%get3A_478] {strides = array<i32>} : memref<688xf32, #tpu.memory_space<vmem>>, vector<16xf32>,
    %exp3A_480 = math.exp %get3A_479 : vector<16xf32>
    %swap3A_481 = arith.constant 592 : index
    %swap3A_482 = tpu.vector_load %arg7[%swap3A_481] {strides = array<i32>} : memref<688xf32, #tpu.memory_space<vmem>>, vector<16xf32>,
    tpu.vector_store %arg7[%swap3A_481], %exp3A_480 {strides = array<i32>} : memref<688xf32, #tpu.memory_space<vmem>>, vector<16xf32>,
    %get3A_483 = arith.constant 592 : index
    %get3A_484 = tpu.vector_load %arg8[%get3A_483] {strides = array<i32>} : memref<688xf32, #tpu.memory_space<vmem>>, vector<16xf32>,
    %exp3A_485 = math.exp %get3A_484 : vector<16xf32>
    %neg3A_486 = arith.constant 0.000000e+00 : f32
    %neg3A_487 = vector.broadcast %neg3A_486 : f32 to vector<16xf32>
    %neg3A_488 = arith.subf %neg3A_487, %exp3A_485 : vector<16xf32>
    %swap3A_489 = arith.constant 592 : index
    %swap3A_490 = tpu.vector_load %arg8[%swap3A_489] {strides = array<i32>} : memref<688xf32, #tpu.memory_space<vmem>>, vector<16xf32>,
    tpu.vector_store %arg8[%swap3A_489], %neg3A_488 {strides = array<i32>} : memref<688xf32, #tpu.memory_space<vmem>>, vector<16xf32>,
    %get3A_491 = arith.constant 608 : index
    %get3A_492 = tpu.vector_load %arg7[%get3A_491] {strides = array<i32>} : memref<688xf32, #tpu.memory_space<vmem>>, vector<16xf32>,
    %exp3A_493 = math.exp %get3A_492 : vector<16xf32>
    %swap3A_494 = arith.constant 608 : index
    %swap3A_495 = tpu.vector_load %arg7[%swap3A_494] {strides = array<i32>} : memref<688xf32, #tpu.memory_space<vmem>>, vector<16xf32>,
    tpu.vector_store %arg7[%swap3A_494], %exp3A_493 {strides = array<i32>} : memref<688xf32, #tpu.memory_space<vmem>>, vector<16xf32>,
    %get3A_496 = arith.constant 608 : index
    %get3A_497 = tpu.vector_load %arg8[%get3A_496] {strides = array<i32>} : memref<688xf32, #tpu.memory_space<vmem>>, vector<16xf32>,
    %exp3A_498 = math.exp %get3A_497 : vector<16xf32>
    %neg3A_499 = arith.constant 0.000000e+00 : f32
    %neg3A_500 = vector.broadcast %neg3A_499 : f32 to vector<16xf32>
    %neg3A_501 = arith.subf %neg3A_500, %exp3A_498 : vector<16xf32>
    %swap3A_502 = arith.constant 608 : index
    %swap3A_503 = tpu.vector_load %arg8[%swap3A_502] {strides = array<i32>} : memref<688xf32, #tpu.memory_space<vmem>>, vector<16xf32>,
    tpu.vector_store %arg8[%swap3A_502], %neg3A_501 {strides = array<i32>} : memref<688xf32, #tpu.memory_space<vmem>>, vector<16xf32>,
    %get3A_504 = arith.constant 624 : index
    %get3A_505 = tpu.vector_load %arg7[%get3A_504] {strides = array<i32>} : memref<688xf32, #tpu.memory_space<vmem>>, vector<16xf32>,
    %exp3A_506 = math.exp %get3A_505 : vector<16xf32>
    %swap3A_507 = arith.constant 624 : index
    %swap3A_508 = tpu.vector_load %arg7[%swap3A_507] {strides = array<i32>} : memref<688xf32, #tpu.memory_space<vmem>>, vector<16xf32>,
    tpu.vector_store %arg7[%swap3A_507], %exp3A_506 {strides = array<i32>} : memref<688xf32, #tpu.memory_space<vmem>>, vector<16xf32>,
    %get3A_509 = arith.constant 624 : index
    %get3A_510 = tpu.vector_load %arg8[%get3A_509] {strides = array<i32>} : memref<688xf32, #tpu.memory_space<vmem>>, vector<16xf32>,
    %exp3A_511 = math.exp %get3A_510 : vector<16xf32>
    %neg3A_512 = arith.constant 0.000000e+00 : f32
    %neg3A_513 = vector.broadcast %neg3A_512 : f32 to vector<16xf32>
    %neg3A_514 = arith.subf %neg3A_513, %exp3A_511 : vector<16xf32>
    %swap3A_515 = arith.constant 624 : index
    %swap3A_516 = tpu.vector_load %arg8[%swap3A_515] {strides = array<i32>} : memref<688xf32, #tpu.memory_space<vmem>>, vector<16xf32>,
    tpu.vector_store %arg8[%swap3A_515], %neg3A_514 {strides = array<i32>} : memref<688xf32, #tpu.memory_space<vmem>>, vector<16xf32>,
    %get3A_517 = arith.constant 640 : index
    %get3A_518 = tpu.vector_load %arg7[%get3A_517] {strides = array<i32>} : memref<688xf32, #tpu.memory_space<vmem>>, vector<16xf32>,
    %exp3A_519 = math.exp %get3A_518 : vector<16xf32>
    %swap3A_520 = arith.constant 640 : index
    %swap3A_521 = tpu.vector_load %arg7[%swap3A_520] {strides = array<i32>} : memref<688xf32, #tpu.memory_space<vmem>>, vector<16xf32>,
    tpu.vector_store %arg7[%swap3A_520], %exp3A_519 {strides = array<i32>} : memref<688xf32, #tpu.memory_space<vmem>>, vector<16xf32>,
    %get3A_522 = arith.constant 640 : index
    %get3A_523 = tpu.vector_load %arg8[%get3A_522] {strides = array<i32>} : memref<688xf32, #tpu.memory_space<vmem>>, vector<16xf32>,
    %exp3A_524 = math.exp %get3A_523 : vector<16xf32>
    %neg3A_525 = arith.constant 0.000000e+00 : f32
    %neg3A_526 = vector.broadcast %neg3A_525 : f32 to vector<16xf32>
    %neg3A_527 = arith.subf %neg3A_526, %exp3A_524 : vector<16xf32>
    %swap3A_528 = arith.constant 640 : index
    %swap3A_529 = tpu.vector_load %arg8[%swap3A_528] {strides = array<i32>} : memref<688xf32, #tpu.memory_space<vmem>>, vector<16xf32>,
    tpu.vector_store %arg8[%swap3A_528], %neg3A_527 {strides = array<i32>} : memref<688xf32, #tpu.memory_space<vmem>>, vector<16xf32>,
    %get3A_530 = arith.constant 656 : index
    %get3A_531 = tpu.vector_load %arg7[%get3A_530] {strides = array<i32>} : memref<688xf32, #tpu.memory_space<vmem>>, vector<16xf32>,
    %exp3A_532 = math.exp %get3A_531 : vector<16xf32>
    %swap3A_533 = arith.constant 656 : index
    %swap3A_534 = tpu.vector_load %arg7[%swap3A_533] {strides = array<i32>} : memref<688xf32, #tpu.memory_space<vmem>>, vector<16xf32>,
    tpu.vector_store %arg7[%swap3A_533], %exp3A_532 {strides = array<i32>} : memref<688xf32, #tpu.memory_space<vmem>>, vector<16xf32>,
    %get3A_535 = arith.constant 656 : index
    %get3A_536 = tpu.vector_load %arg8[%get3A_535] {strides = array<i32>} : memref<688xf32, #tpu.memory_space<vmem>>, vector<16xf32>,
    %exp3A_537 = math.exp %get3A_536 : vector<16xf32>
    %neg3A_538 = arith.constant 0.000000e+00 : f32
    %neg3A_539 = vector.broadcast %neg3A_538 : f32 to vector<16xf32>
    %neg3A_540 = arith.subf %neg3A_539, %exp3A_537 : vector<16xf32>
    %swap3A_541 = arith.constant 656 : index
    %swap3A_542 = tpu.vector_load %arg8[%swap3A_541] {strides = array<i32>} : memref<688xf32, #tpu.memory_space<vmem>>, vector<16xf32>,
    tpu.vector_store %arg8[%swap3A_541], %neg3A_540 {strides = array<i32>} : memref<688xf32, #tpu.memory_space<vmem>>, vector<16xf32>,
    %get3A_543 = arith.constant 672 : index
    %get3A_544 = tpu.vector_load %arg7[%get3A_543] {strides = array<i32>} : memref<688xf32, #tpu.memory_space<vmem>>, vector<16xf32>,
    %exp3A_545 = math.exp %get3A_544 : vector<16xf32>
    %swap3A_546 = arith.constant 672 : index
    %swap3A_547 = tpu.vector_load %arg7[%swap3A_546] {strides = array<i32>} : memref<688xf32, #tpu.memory_space<vmem>>, vector<16xf32>,
    tpu.vector_store %arg7[%swap3A_546], %exp3A_545 {strides = array<i32>} : memref<688xf32, #tpu.memory_space<vmem>>, vector<16xf32>,
    %get3A_548 = arith.constant 672 : index
    %get3A_549 = tpu.vector_load %arg8[%get3A_548] {strides = array<i32>} : memref<688xf32, #tpu.memory_space<vmem>>, vector<16xf32>,
    %exp3A_550 = math.exp %get3A_549 : vector<16xf32>
    %neg3A_551 = arith.constant 0.000000e+00 : f32
    %neg3A_552 = vector.broadcast %neg3A_551 : f32 to vector<16xf32>
    %neg3A_553 = arith.subf %neg3A_552, %exp3A_550 : vector<16xf32>
    %swap3A_554 = arith.constant 672 : index
    %swap3A_555 = tpu.vector_load %arg8[%swap3A_554] {strides = array<i32>} : memref<688xf32, #tpu.memory_space<vmem>>, vector<16xf32>,
    tpu.vector_store %arg8[%swap3A_554], %neg3A_553 {strides = array<i32>} : memref<688xf32, #tpu.memory_space<vmem>>, vector<16xf32>,
    %scan3A = arith.constant 0 : i32
    %scan3A_556 = arith.constant 0 : i32
    %scan3A_557 = arith.constant 12 : i32
    %scan3A_558 = arith.addi %scan3A_556, %scan3A_557 : i32
    %scan3A_559 = arith.constant 1 : i32
    scf.for %scan3A_605 = %scan3A_556 to %scan3A_558 step %scan3A_559  : i32 {
      %mul3A_606 = arith.constant 2 : i32
      %mul3A_607 = arith.muli %mul3A_606, %scan3A_605 : i32
      %gt3A = arith.constant 0 : i32
      %gt3A_608 = arith.cmpi sgt, %scan3A_605, %gt3A : i32
      %convert_element_type3A = arith.extui %gt3A_608 : i1 to i32
      %cond3A = arith.constant 0 : i32
      %cond3A_609 = arith.cmpi ne, %convert_element_type3A, %cond3A : i32
      scf.if %cond3A_609 {
        %dma_wait3A_645 = arith.constant 0 : i32
        %dma_wait3A_646 = arith.constant 0 : i32
        %dma_wait3A_647 = arith.constant 0 : i32
        %dma_wait3A_648 = arith.constant 0 : i32
        %dma_wait3A_649 = tpu.memref_slice %arg6[%dma_wait3A_646, %dma_wait3A_645, %add3A, %dma_wait3A_647, %dma_wait3A_648] : memref<26x25x32x8x128xf32, #tpu.memory_space<hbm>> -> memref<26x1x1x8x128xf32, #tpu.memory_space<hbm>>
        %dma_wait3A_650 = tpu.memref_squeeze %dma_wait3A_649 : memref<26x1x1x8x128xf32, #tpu.memory_space<hbm>> -> memref<26x8x128xf32, #tpu.memory_space<hbm>>
        %dma_wait3A_651 = arith.constant 0 : i32
        %dma_wait3A_652 = arith.constant 0 : i32
        %dma_wait3A_653 = arith.constant 0 : i32
        %dma_wait3A_654 = tpu.memref_slice %arg6[%dma_wait3A_651, %dma_wait3A_645, %add3A, %dma_wait3A_652, %dma_wait3A_653] : memref<26x25x32x8x128xf32, #tpu.memory_space<hbm>> -> memref<26x1x1x8x128xf32, #tpu.memory_space<hbm>>
        %dma_wait3A_655 = tpu.memref_squeeze %dma_wait3A_654 : memref<26x1x1x8x128xf32, #tpu.memory_space<hbm>> -> memref<26x8x128xf32, #tpu.memory_space<hbm>>
        tpu.wait_dma2 semaphore(%arg13 : memref<!tpu.dma_semaphore, #tpu.memory_space<semaphore_mem>>) src(%arg11 : memref<26x8x128xf32, #tpu.memory_space<vmem>>) dst(%dma_wait3A_655 : memref<26x8x128xf32, #tpu.memory_space<hbm>>)
      } else {
      }
      %parallel_loop3A_610 = arith.constant 0 : i32
      %parallel_loop3A_611 = arith.constant 16 : i32
      %parallel_loop3A_612 = arith.constant 1 : i32
      scf.for %parallel_loop3A_645 = %parallel_loop3A_610 to %parallel_loop3A_611 step %parallel_loop3A_612  : i32 {
        %parallel_loop3A_646 = arith.constant 1 : i32
        %parallel_loop3A_647 = arith.shrsi %parallel_loop3A_645, %parallel_loop3A_646 : i32
        %parallel_loop3A_648 = arith.constant 1 : i32
        %parallel_loop3A_649 = arith.andi %parallel_loop3A_645, %parallel_loop3A_648 : i32
        %parallel_loop3A_650 = arith.constant 64 : i32
        %parallel_loop3A_651 = arith.muli %parallel_loop3A_649, %parallel_loop3A_650 : i32
        %parallel_loop3A_652 = arith.constant 0 : i32
        %parallel_loop3A_653 = arith.addi %parallel_loop3A_651, %parallel_loop3A_652 : i32
        %parallel_loop3A_654 = arith.constant 64 : i32
        %parallel_loop3A_655 = arith.muli %parallel_loop3A_649, %parallel_loop3A_654 : i32
        %parallel_loop3A_656 = arith.constant 16 : i32
        %parallel_loop3A_657 = arith.addi %parallel_loop3A_655, %parallel_loop3A_656 : i32
        %parallel_loop3A_658 = arith.constant 64 : i32
        %parallel_loop3A_659 = arith.muli %parallel_loop3A_649, %parallel_loop3A_658 : i32
        %parallel_loop3A_660 = arith.constant 32 : i32
        %parallel_loop3A_661 = arith.addi %parallel_loop3A_659, %parallel_loop3A_660 : i32
        %parallel_loop3A_662 = arith.constant 64 : i32
        %parallel_loop3A_663 = arith.muli %parallel_loop3A_649, %parallel_loop3A_662 : i32
        %parallel_loop3A_664 = arith.constant 48 : i32
        %parallel_loop3A_665 = arith.addi %parallel_loop3A_663, %parallel_loop3A_664 : i32
        %parallel_loop3A_666 = arith.index_cast %mul3A_607 : i32 to index
        %parallel_loop3A_667 = arith.index_cast %parallel_loop3A_647 : i32 to index
        %parallel_loop3A_668 = arith.index_cast %parallel_loop3A_653 : i32 to index
        %parallel_loop3A_669 = tpu.vector_load %arg9[%parallel_loop3A_666, %parallel_loop3A_667, %parallel_loop3A_668] {strides = array<i32>} : memref<25x8x128xf32, #tpu.memory_space<vmem>>, vector<16xf32>,
        %parallel_loop3A_670 = arith.index_cast %mul3A_607 : i32 to index
        %parallel_loop3A_671 = arith.index_cast %parallel_loop3A_647 : i32 to index
        %parallel_loop3A_672 = arith.index_cast %parallel_loop3A_657 : i32 to index
        %parallel_loop3A_673 = tpu.vector_load %arg9[%parallel_loop3A_670, %parallel_loop3A_671, %parallel_loop3A_672] {strides = array<i32>} : memref<25x8x128xf32, #tpu.memory_space<vmem>>, vector<16xf32>,
        %parallel_loop3A_674 = arith.index_cast %mul3A_607 : i32 to index
        %parallel_loop3A_675 = arith.index_cast %parallel_loop3A_647 : i32 to index
        %parallel_loop3A_676 = arith.index_cast %parallel_loop3A_661 : i32 to index
        %parallel_loop3A_677 = tpu.vector_load %arg9[%parallel_loop3A_674, %parallel_loop3A_675, %parallel_loop3A_676] {strides = array<i32>} : memref<25x8x128xf32, #tpu.memory_space<vmem>>, vector<16xf32>,
        %parallel_loop3A_678 = arith.index_cast %mul3A_607 : i32 to index
        %parallel_loop3A_679 = arith.index_cast %parallel_loop3A_647 : i32 to index
        %parallel_loop3A_680 = arith.index_cast %parallel_loop3A_665 : i32 to index
        %parallel_loop3A_681 = tpu.vector_load %arg9[%parallel_loop3A_678, %parallel_loop3A_679, %parallel_loop3A_680] {strides = array<i32>} : memref<25x8x128xf32, #tpu.memory_space<vmem>>, vector<16xf32>,
        %parallel_loop3A_682 = arith.index_cast %mul3A_607 : i32 to index
        %parallel_loop3A_683 = arith.index_cast %parallel_loop3A_647 : i32 to index
        %parallel_loop3A_684 = arith.index_cast %parallel_loop3A_653 : i32 to index
        %parallel_loop3A_685 = tpu.vector_load %arg10[%parallel_loop3A_682, %parallel_loop3A_683, %parallel_loop3A_684] {strides = array<i32>} : memref<25x8x128xi32, #tpu.memory_space<vmem>>, vector<16xi32>,
        %parallel_loop3A_686 = arith.constant 26 : i32
        %parallel_loop3A_687 = vector.broadcast %parallel_loop3A_686 : i32 to vector<16xi32>
        %parallel_loop3A_688 = arith.muli %parallel_loop3A_685, %parallel_loop3A_687 : vector<16xi32>
        %parallel_loop3A_689 = arith.index_cast %mul3A_607 : i32 to index
        %parallel_loop3A_690 = arith.index_cast %parallel_loop3A_647 : i32 to index
        %parallel_loop3A_691 = arith.index_cast %parallel_loop3A_657 : i32 to index
        %parallel_loop3A_692 = tpu.vector_load %arg10[%parallel_loop3A_689, %parallel_loop3A_690, %parallel_loop3A_691] {strides = array<i32>} : memref<25x8x128xi32, #tpu.memory_space<vmem>>, vector<16xi32>,
        %parallel_loop3A_693 = arith.constant 26 : i32
        %parallel_loop3A_694 = vector.broadcast %parallel_loop3A_693 : i32 to vector<16xi32>
        %parallel_loop3A_695 = arith.muli %parallel_loop3A_692, %parallel_loop3A_694 : vector<16xi32>
        %parallel_loop3A_696 = arith.index_cast %mul3A_607 : i32 to index
        %parallel_loop3A_697 = arith.index_cast %parallel_loop3A_647 : i32 to index
        %parallel_loop3A_698 = arith.index_cast %parallel_loop3A_661 : i32 to index
        %parallel_loop3A_699 = tpu.vector_load %arg10[%parallel_loop3A_696, %parallel_loop3A_697, %parallel_loop3A_698] {strides = array<i32>} : memref<25x8x128xi32, #tpu.memory_space<vmem>>, vector<16xi32>,
        %parallel_loop3A_700 = arith.constant 26 : i32
        %parallel_loop3A_701 = vector.broadcast %parallel_loop3A_700 : i32 to vector<16xi32>
        %parallel_loop3A_702 = arith.muli %parallel_loop3A_699, %parallel_loop3A_701 : vector<16xi32>
        %parallel_loop3A_703 = arith.index_cast %mul3A_607 : i32 to index
        %parallel_loop3A_704 = arith.index_cast %parallel_loop3A_647 : i32 to index
        %parallel_loop3A_705 = arith.index_cast %parallel_loop3A_665 : i32 to index
        %parallel_loop3A_706 = tpu.vector_load %arg10[%parallel_loop3A_703, %parallel_loop3A_704, %parallel_loop3A_705] {strides = array<i32>} : memref<25x8x128xi32, #tpu.memory_space<vmem>>, vector<16xi32>,
        %parallel_loop3A_707 = arith.constant 26 : i32
        %parallel_loop3A_708 = vector.broadcast %parallel_loop3A_707 : i32 to vector<16xi32>
        %parallel_loop3A_709 = arith.muli %parallel_loop3A_706, %parallel_loop3A_708 : vector<16xi32>
        %parallel_loop3A_710 = arith.constant 0 : i32
        %parallel_loop3A_711 = arith.constant 26 : i32
        %parallel_loop3A_712 = arith.constant 1 : i32
        scf.for %parallel_loop3A_713 = %parallel_loop3A_710 to %parallel_loop3A_711 step %parallel_loop3A_712  : i32 {
          %parallel_loop3A_714 = vector.broadcast %parallel_loop3A_713 : i32 to vector<16xi32>
          %parallel_loop3A_715 = arith.addi %parallel_loop3A_688, %parallel_loop3A_714 : vector<16xi32>
          %parallel_loop3A_716 = tpu.vector_load_idx %arg7[%parallel_loop3A_715] : memref<688xf32, #tpu.memory_space<vmem>>[vector<16xi32>], vector<16xf32>,
          %parallel_loop3A_717 = vector.broadcast %parallel_loop3A_713 : i32 to vector<16xi32>
          %parallel_loop3A_718 = arith.addi %parallel_loop3A_688, %parallel_loop3A_717 : vector<16xi32>
          %parallel_loop3A_719 = tpu.vector_load_idx %arg8[%parallel_loop3A_718] : memref<688xf32, #tpu.memory_space<vmem>>[vector<16xi32>], vector<16xf32>,
          %parallel_loop3A_720 = arith.mulf %parallel_loop3A_719, %parallel_loop3A_669 : vector<16xf32>
          %parallel_loop3A_721 = math.exp %parallel_loop3A_720 : vector<16xf32>
          %parallel_loop3A_722 = arith.mulf %parallel_loop3A_716, %parallel_loop3A_721 : vector<16xf32>
          %parallel_loop3A_723 = arith.index_cast %parallel_loop3A_713 : i32 to index
          %parallel_loop3A_724 = arith.index_cast %parallel_loop3A_647 : i32 to index
          %parallel_loop3A_725 = arith.index_cast %parallel_loop3A_653 : i32 to index
          %parallel_loop3A_726 = tpu.vector_load %arg11[%parallel_loop3A_723, %parallel_loop3A_724, %parallel_loop3A_725] {strides = array<i32>} : memref<26x8x128xf32, #tpu.memory_space<vmem>>, vector<16xf32>,
          tpu.vector_store %arg11[%parallel_loop3A_723, %parallel_loop3A_724, %parallel_loop3A_725], %parallel_loop3A_722 {strides = array<i32>} : memref<26x8x128xf32, #tpu.memory_space<vmem>>, vector<16xf32>,
          %parallel_loop3A_727 = vector.broadcast %parallel_loop3A_713 : i32 to vector<16xi32>
          %parallel_loop3A_728 = arith.addi %parallel_loop3A_695, %parallel_loop3A_727 : vector<16xi32>
          %parallel_loop3A_729 = tpu.vector_load_idx %arg7[%parallel_loop3A_728] : memref<688xf32, #tpu.memory_space<vmem>>[vector<16xi32>], vector<16xf32>,
          %parallel_loop3A_730 = vector.broadcast %parallel_loop3A_713 : i32 to vector<16xi32>
          %parallel_loop3A_731 = arith.addi %parallel_loop3A_695, %parallel_loop3A_730 : vector<16xi32>
          %parallel_loop3A_732 = tpu.vector_load_idx %arg8[%parallel_loop3A_731] : memref<688xf32, #tpu.memory_space<vmem>>[vector<16xi32>], vector<16xf32>,
          %parallel_loop3A_733 = arith.mulf %parallel_loop3A_732, %parallel_loop3A_673 : vector<16xf32>
          %parallel_loop3A_734 = math.exp %parallel_loop3A_733 : vector<16xf32>
          %parallel_loop3A_735 = arith.mulf %parallel_loop3A_729, %parallel_loop3A_734 : vector<16xf32>
          %parallel_loop3A_736 = arith.index_cast %parallel_loop3A_713 : i32 to index
          %parallel_loop3A_737 = arith.index_cast %parallel_loop3A_647 : i32 to index
          %parallel_loop3A_738 = arith.index_cast %parallel_loop3A_657 : i32 to index
          %parallel_loop3A_739 = tpu.vector_load %arg11[%parallel_loop3A_736, %parallel_loop3A_737, %parallel_loop3A_738] {strides = array<i32>} : memref<26x8x128xf32, #tpu.memory_space<vmem>>, vector<16xf32>,
          tpu.vector_store %arg11[%parallel_loop3A_736, %parallel_loop3A_737, %parallel_loop3A_738], %parallel_loop3A_735 {strides = array<i32>} : memref<26x8x128xf32, #tpu.memory_space<vmem>>, vector<16xf32>,
          %parallel_loop3A_740 = vector.broadcast %parallel_loop3A_713 : i32 to vector<16xi32>
          %parallel_loop3A_741 = arith.addi %parallel_loop3A_702, %parallel_loop3A_740 : vector<16xi32>
          %parallel_loop3A_742 = tpu.vector_load_idx %arg7[%parallel_loop3A_741] : memref<688xf32, #tpu.memory_space<vmem>>[vector<16xi32>], vector<16xf32>,
          %parallel_loop3A_743 = vector.broadcast %parallel_loop3A_713 : i32 to vector<16xi32>
          %parallel_loop3A_744 = arith.addi %parallel_loop3A_702, %parallel_loop3A_743 : vector<16xi32>
          %parallel_loop3A_745 = tpu.vector_load_idx %arg8[%parallel_loop3A_744] : memref<688xf32, #tpu.memory_space<vmem>>[vector<16xi32>], vector<16xf32>,
          %parallel_loop3A_746 = arith.mulf %parallel_loop3A_745, %parallel_loop3A_677 : vector<16xf32>
          %parallel_loop3A_747 = math.exp %parallel_loop3A_746 : vector<16xf32>
          %parallel_loop3A_748 = arith.mulf %parallel_loop3A_742, %parallel_loop3A_747 : vector<16xf32>
          %parallel_loop3A_749 = arith.index_cast %parallel_loop3A_713 : i32 to index
          %parallel_loop3A_750 = arith.index_cast %parallel_loop3A_647 : i32 to index
          %parallel_loop3A_751 = arith.index_cast %parallel_loop3A_661 : i32 to index
          %parallel_loop3A_752 = tpu.vector_load %arg11[%parallel_loop3A_749, %parallel_loop3A_750, %parallel_loop3A_751] {strides = array<i32>} : memref<26x8x128xf32, #tpu.memory_space<vmem>>, vector<16xf32>,
          tpu.vector_store %arg11[%parallel_loop3A_749, %parallel_loop3A_750, %parallel_loop3A_751], %parallel_loop3A_748 {strides = array<i32>} : memref<26x8x128xf32, #tpu.memory_space<vmem>>, vector<16xf32>,
          %parallel_loop3A_753 = vector.broadcast %parallel_loop3A_713 : i32 to vector<16xi32>
          %parallel_loop3A_754 = arith.addi %parallel_loop3A_709, %parallel_loop3A_753 : vector<16xi32>
          %parallel_loop3A_755 = tpu.vector_load_idx %arg7[%parallel_loop3A_754] : memref<688xf32, #tpu.memory_space<vmem>>[vector<16xi32>], vector<16xf32>,
          %parallel_loop3A_756 = vector.broadcast %parallel_loop3A_713 : i32 to vector<16xi32>
          %parallel_loop3A_757 = arith.addi %parallel_loop3A_709, %parallel_loop3A_756 : vector<16xi32>
          %parallel_loop3A_758 = tpu.vector_load_idx %arg8[%parallel_loop3A_757] : memref<688xf32, #tpu.memory_space<vmem>>[vector<16xi32>], vector<16xf32>,
          %parallel_loop3A_759 = arith.mulf %parallel_loop3A_758, %parallel_loop3A_681 : vector<16xf32>
          %parallel_loop3A_760 = math.exp %parallel_loop3A_759 : vector<16xf32>
          %parallel_loop3A_761 = arith.mulf %parallel_loop3A_755, %parallel_loop3A_760 : vector<16xf32>
          %parallel_loop3A_762 = arith.index_cast %parallel_loop3A_713 : i32 to index
          %parallel_loop3A_763 = arith.index_cast %parallel_loop3A_647 : i32 to index
          %parallel_loop3A_764 = arith.index_cast %parallel_loop3A_665 : i32 to index
          %parallel_loop3A_765 = tpu.vector_load %arg11[%parallel_loop3A_762, %parallel_loop3A_763, %parallel_loop3A_764] {strides = array<i32>} : memref<26x8x128xf32, #tpu.memory_space<vmem>>, vector<16xf32>,
          tpu.vector_store %arg11[%parallel_loop3A_762, %parallel_loop3A_763, %parallel_loop3A_764], %parallel_loop3A_761 {strides = array<i32>} : memref<26x8x128xf32, #tpu.memory_space<vmem>>, vector<16xf32>,
        } {sc.loop_unroll_factor = 2 : i64, sc.parallel_access}
      } {sc.loop_unroll_factor = 1 : i64, sc.parallel_access}
      %dma_start3A_613 = arith.constant 0 : i32
      %dma_start3A_614 = arith.constant 0 : i32
      %dma_start3A_615 = arith.constant 0 : i32
      %dma_start3A_616 = tpu.memref_slice %arg6[%dma_start3A_613, %mul3A_607, %add3A, %dma_start3A_614, %dma_start3A_615] : memref<26x25x32x8x128xf32, #tpu.memory_space<hbm>> -> memref<26x1x1x8x128xf32, #tpu.memory_space<hbm>>
      %dma_start3A_617 = tpu.memref_squeeze %dma_start3A_616 : memref<26x1x1x8x128xf32, #tpu.memory_space<hbm>> -> memref<26x8x128xf32, #tpu.memory_space<hbm>>
      %dma_start3A_618 = arith.constant 0 : i32
      %dma_start3A_619 = arith.constant 0 : i32
      %dma_start3A_620 = arith.constant 0 : i32
      %dma_start3A_621 = tpu.memref_slice %arg6[%dma_start3A_618, %mul3A_607, %add3A, %dma_start3A_619, %dma_start3A_620] : memref<26x25x32x8x128xf32, #tpu.memory_space<hbm>> -> memref<26x1x1x8x128xf32, #tpu.memory_space<hbm>>
      %dma_start3A_622 = tpu.memref_squeeze %dma_start3A_621 : memref<26x1x1x8x128xf32, #tpu.memory_space<hbm>> -> memref<26x8x128xf32, #tpu.memory_space<hbm>>
      tpu.enqueue_dma source(%arg11 : memref<26x8x128xf32, #tpu.memory_space<vmem>>) target(%dma_start3A_622 : memref<26x8x128xf32, #tpu.memory_space<hbm>>) target_semaphore(%arg13 : memref<!tpu.dma_semaphore, #tpu.memory_space<semaphore_mem>>)
      %gt3A_623 = arith.constant 0 : i32
      %gt3A_624 = arith.cmpi sgt, %scan3A_605, %gt3A_623 : i32
      %convert_element_type3A_625 = arith.extui %gt3A_624 : i1 to i32
      %cond3A_626 = arith.constant 0 : i32
      %cond3A_627 = arith.cmpi ne, %convert_element_type3A_625, %cond3A_626 : i32
      scf.if %cond3A_627 {
        %dma_wait3A_645 = arith.constant 0 : i32
        %dma_wait3A_646 = arith.constant 0 : i32
        %dma_wait3A_647 = arith.constant 0 : i32
        %dma_wait3A_648 = arith.constant 0 : i32
        %dma_wait3A_649 = tpu.memref_slice %arg6[%dma_wait3A_646, %dma_wait3A_645, %add3A, %dma_wait3A_647, %dma_wait3A_648] : memref<26x25x32x8x128xf32, #tpu.memory_space<hbm>> -> memref<26x1x1x8x128xf32, #tpu.memory_space<hbm>>
        %dma_wait3A_650 = tpu.memref_squeeze %dma_wait3A_649 : memref<26x1x1x8x128xf32, #tpu.memory_space<hbm>> -> memref<26x8x128xf32, #tpu.memory_space<hbm>>
        %dma_wait3A_651 = arith.constant 0 : i32
        %dma_wait3A_652 = arith.constant 0 : i32
        %dma_wait3A_653 = arith.constant 0 : i32
        %dma_wait3A_654 = tpu.memref_slice %arg6[%dma_wait3A_651, %dma_wait3A_645, %add3A, %dma_wait3A_652, %dma_wait3A_653] : memref<26x25x32x8x128xf32, #tpu.memory_space<hbm>> -> memref<26x1x1x8x128xf32, #tpu.memory_space<hbm>>
        %dma_wait3A_655 = tpu.memref_squeeze %dma_wait3A_654 : memref<26x1x1x8x128xf32, #tpu.memory_space<hbm>> -> memref<26x8x128xf32, #tpu.memory_space<hbm>>
        tpu.wait_dma2 semaphore(%arg14 : memref<!tpu.dma_semaphore, #tpu.memory_space<semaphore_mem>>) src(%arg12 : memref<26x8x128xf32, #tpu.memory_space<vmem>>) dst(%dma_wait3A_655 : memref<26x8x128xf32, #tpu.memory_space<hbm>>)
      } else {
      }
      %add3A_628 = arith.constant 1 : i32
      %add3A_629 = arith.addi %mul3A_607, %add3A_628 : i32
      %parallel_loop3A_630 = arith.constant 0 : i32
      %parallel_loop3A_631 = arith.constant 16 : i32
      %parallel_loop3A_632 = arith.constant 1 : i32
      scf.for %parallel_loop3A_645 = %parallel_loop3A_630 to %parallel_loop3A_631 step %parallel_loop3A_632  : i32 {
        %parallel_loop3A_646 = arith.constant 1 : i32
        %parallel_loop3A_647 = arith.shrsi %parallel_loop3A_645, %parallel_loop3A_646 : i32
        %parallel_loop3A_648 = arith.constant 1 : i32
        %parallel_loop3A_649 = arith.andi %parallel_loop3A_645, %parallel_loop3A_648 : i32
        %parallel_loop3A_650 = arith.constant 64 : i32
        %parallel_loop3A_651 = arith.muli %parallel_loop3A_649, %parallel_loop3A_650 : i32
        %parallel_loop3A_652 = arith.constant 0 : i32
        %parallel_loop3A_653 = arith.addi %parallel_loop3A_651, %parallel_loop3A_652 : i32
        %parallel_loop3A_654 = arith.constant 64 : i32
        %parallel_loop3A_655 = arith.muli %parallel_loop3A_649, %parallel_loop3A_654 : i32
        %parallel_loop3A_656 = arith.constant 16 : i32
        %parallel_loop3A_657 = arith.addi %parallel_loop3A_655, %parallel_loop3A_656 : i32
        %parallel_loop3A_658 = arith.constant 64 : i32
        %parallel_loop3A_659 = arith.muli %parallel_loop3A_649, %parallel_loop3A_658 : i32
        %parallel_loop3A_660 = arith.constant 32 : i32
        %parallel_loop3A_661 = arith.addi %parallel_loop3A_659, %parallel_loop3A_660 : i32
        %parallel_loop3A_662 = arith.constant 64 : i32
        %parallel_loop3A_663 = arith.muli %parallel_loop3A_649, %parallel_loop3A_662 : i32
        %parallel_loop3A_664 = arith.constant 48 : i32
        %parallel_loop3A_665 = arith.addi %parallel_loop3A_663, %parallel_loop3A_664 : i32
        %parallel_loop3A_666 = arith.index_cast %add3A_629 : i32 to index
        %parallel_loop3A_667 = arith.index_cast %parallel_loop3A_647 : i32 to index
        %parallel_loop3A_668 = arith.index_cast %parallel_loop3A_653 : i32 to index
        %parallel_loop3A_669 = tpu.vector_load %arg9[%parallel_loop3A_666, %parallel_loop3A_667, %parallel_loop3A_668] {strides = array<i32>} : memref<25x8x128xf32, #tpu.memory_space<vmem>>, vector<16xf32>,
        %parallel_loop3A_670 = arith.index_cast %add3A_629 : i32 to index
        %parallel_loop3A_671 = arith.index_cast %parallel_loop3A_647 : i32 to index
        %parallel_loop3A_672 = arith.index_cast %parallel_loop3A_657 : i32 to index
        %parallel_loop3A_673 = tpu.vector_load %arg9[%parallel_loop3A_670, %parallel_loop3A_671, %parallel_loop3A_672] {strides = array<i32>} : memref<25x8x128xf32, #tpu.memory_space<vmem>>, vector<16xf32>,
        %parallel_loop3A_674 = arith.index_cast %add3A_629 : i32 to index
        %parallel_loop3A_675 = arith.index_cast %parallel_loop3A_647 : i32 to index
        %parallel_loop3A_676 = arith.index_cast %parallel_loop3A_661 : i32 to index
        %parallel_loop3A_677 = tpu.vector_load %arg9[%parallel_loop3A_674, %parallel_loop3A_675, %parallel_loop3A_676] {strides = array<i32>} : memref<25x8x128xf32, #tpu.memory_space<vmem>>, vector<16xf32>,
        %parallel_loop3A_678 = arith.index_cast %add3A_629 : i32 to index
        %parallel_loop3A_679 = arith.index_cast %parallel_loop3A_647 : i32 to index
        %parallel_loop3A_680 = arith.index_cast %parallel_loop3A_665 : i32 to index
        %parallel_loop3A_681 = tpu.vector_load %arg9[%parallel_loop3A_678, %parallel_loop3A_679, %parallel_loop3A_680] {strides = array<i32>} : memref<25x8x128xf32, #tpu.memory_space<vmem>>, vector<16xf32>,
        %parallel_loop3A_682 = arith.index_cast %add3A_629 : i32 to index
        %parallel_loop3A_683 = arith.index_cast %parallel_loop3A_647 : i32 to index
        %parallel_loop3A_684 = arith.index_cast %parallel_loop3A_653 : i32 to index
        %parallel_loop3A_685 = tpu.vector_load %arg10[%parallel_loop3A_682, %parallel_loop3A_683, %parallel_loop3A_684] {strides = array<i32>} : memref<25x8x128xi32, #tpu.memory_space<vmem>>, vector<16xi32>,
        %parallel_loop3A_686 = arith.constant 26 : i32
        %parallel_loop3A_687 = vector.broadcast %parallel_loop3A_686 : i32 to vector<16xi32>
        %parallel_loop3A_688 = arith.muli %parallel_loop3A_685, %parallel_loop3A_687 : vector<16xi32>
        %parallel_loop3A_689 = arith.index_cast %add3A_629 : i32 to index
        %parallel_loop3A_690 = arith.index_cast %parallel_loop3A_647 : i32 to index
        %parallel_loop3A_691 = arith.index_cast %parallel_loop3A_657 : i32 to index
        %parallel_loop3A_692 = tpu.vector_load %arg10[%parallel_loop3A_689, %parallel_loop3A_690, %parallel_loop3A_691] {strides = array<i32>} : memref<25x8x128xi32, #tpu.memory_space<vmem>>, vector<16xi32>,
        %parallel_loop3A_693 = arith.constant 26 : i32
        %parallel_loop3A_694 = vector.broadcast %parallel_loop3A_693 : i32 to vector<16xi32>
        %parallel_loop3A_695 = arith.muli %parallel_loop3A_692, %parallel_loop3A_694 : vector<16xi32>
        %parallel_loop3A_696 = arith.index_cast %add3A_629 : i32 to index
        %parallel_loop3A_697 = arith.index_cast %parallel_loop3A_647 : i32 to index
        %parallel_loop3A_698 = arith.index_cast %parallel_loop3A_661 : i32 to index
        %parallel_loop3A_699 = tpu.vector_load %arg10[%parallel_loop3A_696, %parallel_loop3A_697, %parallel_loop3A_698] {strides = array<i32>} : memref<25x8x128xi32, #tpu.memory_space<vmem>>, vector<16xi32>,
        %parallel_loop3A_700 = arith.constant 26 : i32
        %parallel_loop3A_701 = vector.broadcast %parallel_loop3A_700 : i32 to vector<16xi32>
        %parallel_loop3A_702 = arith.muli %parallel_loop3A_699, %parallel_loop3A_701 : vector<16xi32>
        %parallel_loop3A_703 = arith.index_cast %add3A_629 : i32 to index
        %parallel_loop3A_704 = arith.index_cast %parallel_loop3A_647 : i32 to index
        %parallel_loop3A_705 = arith.index_cast %parallel_loop3A_665 : i32 to index
        %parallel_loop3A_706 = tpu.vector_load %arg10[%parallel_loop3A_703, %parallel_loop3A_704, %parallel_loop3A_705] {strides = array<i32>} : memref<25x8x128xi32, #tpu.memory_space<vmem>>, vector<16xi32>,
        %parallel_loop3A_707 = arith.constant 26 : i32
        %parallel_loop3A_708 = vector.broadcast %parallel_loop3A_707 : i32 to vector<16xi32>
        %parallel_loop3A_709 = arith.muli %parallel_loop3A_706, %parallel_loop3A_708 : vector<16xi32>
        %parallel_loop3A_710 = arith.constant 0 : i32
        %parallel_loop3A_711 = arith.constant 26 : i32
        %parallel_loop3A_712 = arith.constant 1 : i32
        scf.for %parallel_loop3A_713 = %parallel_loop3A_710 to %parallel_loop3A_711 step %parallel_loop3A_712  : i32 {
          %parallel_loop3A_714 = vector.broadcast %parallel_loop3A_713 : i32 to vector<16xi32>
          %parallel_loop3A_715 = arith.addi %parallel_loop3A_688, %parallel_loop3A_714 : vector<16xi32>
          %parallel_loop3A_716 = tpu.vector_load_idx %arg7[%parallel_loop3A_715] : memref<688xf32, #tpu.memory_space<vmem>>[vector<16xi32>], vector<16xf32>,
          %parallel_loop3A_717 = vector.broadcast %parallel_loop3A_713 : i32 to vector<16xi32>
          %parallel_loop3A_718 = arith.addi %parallel_loop3A_688, %parallel_loop3A_717 : vector<16xi32>
          %parallel_loop3A_719 = tpu.vector_load_idx %arg8[%parallel_loop3A_718] : memref<688xf32, #tpu.memory_space<vmem>>[vector<16xi32>], vector<16xf32>,
          %parallel_loop3A_720 = arith.mulf %parallel_loop3A_719, %parallel_loop3A_669 : vector<16xf32>
          %parallel_loop3A_721 = math.exp %parallel_loop3A_720 : vector<16xf32>
          %parallel_loop3A_722 = arith.mulf %parallel_loop3A_716, %parallel_loop3A_721 : vector<16xf32>
          %parallel_loop3A_723 = arith.index_cast %parallel_loop3A_713 : i32 to index
          %parallel_loop3A_724 = arith.index_cast %parallel_loop3A_647 : i32 to index
          %parallel_loop3A_725 = arith.index_cast %parallel_loop3A_653 : i32 to index
          %parallel_loop3A_726 = tpu.vector_load %arg12[%parallel_loop3A_723, %parallel_loop3A_724, %parallel_loop3A_725] {strides = array<i32>} : memref<26x8x128xf32, #tpu.memory_space<vmem>>, vector<16xf32>,
          tpu.vector_store %arg12[%parallel_loop3A_723, %parallel_loop3A_724, %parallel_loop3A_725], %parallel_loop3A_722 {strides = array<i32>} : memref<26x8x128xf32, #tpu.memory_space<vmem>>, vector<16xf32>,
          %parallel_loop3A_727 = vector.broadcast %parallel_loop3A_713 : i32 to vector<16xi32>
          %parallel_loop3A_728 = arith.addi %parallel_loop3A_695, %parallel_loop3A_727 : vector<16xi32>
          %parallel_loop3A_729 = tpu.vector_load_idx %arg7[%parallel_loop3A_728] : memref<688xf32, #tpu.memory_space<vmem>>[vector<16xi32>], vector<16xf32>,
          %parallel_loop3A_730 = vector.broadcast %parallel_loop3A_713 : i32 to vector<16xi32>
          %parallel_loop3A_731 = arith.addi %parallel_loop3A_695, %parallel_loop3A_730 : vector<16xi32>
          %parallel_loop3A_732 = tpu.vector_load_idx %arg8[%parallel_loop3A_731] : memref<688xf32, #tpu.memory_space<vmem>>[vector<16xi32>], vector<16xf32>,
          %parallel_loop3A_733 = arith.mulf %parallel_loop3A_732, %parallel_loop3A_673 : vector<16xf32>
          %parallel_loop3A_734 = math.exp %parallel_loop3A_733 : vector<16xf32>
          %parallel_loop3A_735 = arith.mulf %parallel_loop3A_729, %parallel_loop3A_734 : vector<16xf32>
          %parallel_loop3A_736 = arith.index_cast %parallel_loop3A_713 : i32 to index
          %parallel_loop3A_737 = arith.index_cast %parallel_loop3A_647 : i32 to index
          %parallel_loop3A_738 = arith.index_cast %parallel_loop3A_657 : i32 to index
          %parallel_loop3A_739 = tpu.vector_load %arg12[%parallel_loop3A_736, %parallel_loop3A_737, %parallel_loop3A_738] {strides = array<i32>} : memref<26x8x128xf32, #tpu.memory_space<vmem>>, vector<16xf32>,
          tpu.vector_store %arg12[%parallel_loop3A_736, %parallel_loop3A_737, %parallel_loop3A_738], %parallel_loop3A_735 {strides = array<i32>} : memref<26x8x128xf32, #tpu.memory_space<vmem>>, vector<16xf32>,
          %parallel_loop3A_740 = vector.broadcast %parallel_loop3A_713 : i32 to vector<16xi32>
          %parallel_loop3A_741 = arith.addi %parallel_loop3A_702, %parallel_loop3A_740 : vector<16xi32>
          %parallel_loop3A_742 = tpu.vector_load_idx %arg7[%parallel_loop3A_741] : memref<688xf32, #tpu.memory_space<vmem>>[vector<16xi32>], vector<16xf32>,
          %parallel_loop3A_743 = vector.broadcast %parallel_loop3A_713 : i32 to vector<16xi32>
          %parallel_loop3A_744 = arith.addi %parallel_loop3A_702, %parallel_loop3A_743 : vector<16xi32>
          %parallel_loop3A_745 = tpu.vector_load_idx %arg8[%parallel_loop3A_744] : memref<688xf32, #tpu.memory_space<vmem>>[vector<16xi32>], vector<16xf32>,
          %parallel_loop3A_746 = arith.mulf %parallel_loop3A_745, %parallel_loop3A_677 : vector<16xf32>
          %parallel_loop3A_747 = math.exp %parallel_loop3A_746 : vector<16xf32>
          %parallel_loop3A_748 = arith.mulf %parallel_loop3A_742, %parallel_loop3A_747 : vector<16xf32>
          %parallel_loop3A_749 = arith.index_cast %parallel_loop3A_713 : i32 to index
          %parallel_loop3A_750 = arith.index_cast %parallel_loop3A_647 : i32 to index
          %parallel_loop3A_751 = arith.index_cast %parallel_loop3A_661 : i32 to index
          %parallel_loop3A_752 = tpu.vector_load %arg12[%parallel_loop3A_749, %parallel_loop3A_750, %parallel_loop3A_751] {strides = array<i32>} : memref<26x8x128xf32, #tpu.memory_space<vmem>>, vector<16xf32>,
          tpu.vector_store %arg12[%parallel_loop3A_749, %parallel_loop3A_750, %parallel_loop3A_751], %parallel_loop3A_748 {strides = array<i32>} : memref<26x8x128xf32, #tpu.memory_space<vmem>>, vector<16xf32>,
          %parallel_loop3A_753 = vector.broadcast %parallel_loop3A_713 : i32 to vector<16xi32>
          %parallel_loop3A_754 = arith.addi %parallel_loop3A_709, %parallel_loop3A_753 : vector<16xi32>
          %parallel_loop3A_755 = tpu.vector_load_idx %arg7[%parallel_loop3A_754] : memref<688xf32, #tpu.memory_space<vmem>>[vector<16xi32>], vector<16xf32>,
          %parallel_loop3A_756 = vector.broadcast %parallel_loop3A_713 : i32 to vector<16xi32>
          %parallel_loop3A_757 = arith.addi %parallel_loop3A_709, %parallel_loop3A_756 : vector<16xi32>
          %parallel_loop3A_758 = tpu.vector_load_idx %arg8[%parallel_loop3A_757] : memref<688xf32, #tpu.memory_space<vmem>>[vector<16xi32>], vector<16xf32>,
          %parallel_loop3A_759 = arith.mulf %parallel_loop3A_758, %parallel_loop3A_681 : vector<16xf32>
          %parallel_loop3A_760 = math.exp %parallel_loop3A_759 : vector<16xf32>
          %parallel_loop3A_761 = arith.mulf %parallel_loop3A_755, %parallel_loop3A_760 : vector<16xf32>
          %parallel_loop3A_762 = arith.index_cast %parallel_loop3A_713 : i32 to index
          %parallel_loop3A_763 = arith.index_cast %parallel_loop3A_647 : i32 to index
          %parallel_loop3A_764 = arith.index_cast %parallel_loop3A_665 : i32 to index
          %parallel_loop3A_765 = tpu.vector_load %arg12[%parallel_loop3A_762, %parallel_loop3A_763, %parallel_loop3A_764] {strides = array<i32>} : memref<26x8x128xf32, #tpu.memory_space<vmem>>, vector<16xf32>,
          tpu.vector_store %arg12[%parallel_loop3A_762, %parallel_loop3A_763, %parallel_loop3A_764], %parallel_loop3A_761 {strides = array<i32>} : memref<26x8x128xf32, #tpu.memory_space<vmem>>, vector<16xf32>,
        } {sc.loop_unroll_factor = 2 : i64, sc.parallel_access}
      } {sc.loop_unroll_factor = 1 : i64, sc.parallel_access}
      %add3A_633 = arith.constant 1 : i32
      %add3A_634 = arith.addi %mul3A_607, %add3A_633 : i32
      %dma_start3A_635 = arith.constant 0 : i32
      %dma_start3A_636 = arith.constant 0 : i32
      %dma_start3A_637 = arith.constant 0 : i32
      %dma_start3A_638 = tpu.memref_slice %arg6[%dma_start3A_635, %add3A_634, %add3A, %dma_start3A_636, %dma_start3A_637] : memref<26x25x32x8x128xf32, #tpu.memory_space<hbm>> -> memref<26x1x1x8x128xf32, #tpu.memory_space<hbm>>
      %dma_start3A_639 = tpu.memref_squeeze %dma_start3A_638 : memref<26x1x1x8x128xf32, #tpu.memory_space<hbm>> -> memref<26x8x128xf32, #tpu.memory_space<hbm>>
      %dma_start3A_640 = arith.constant 0 : i32
      %dma_start3A_641 = arith.constant 0 : i32
      %dma_start3A_642 = arith.constant 0 : i32
      %dma_start3A_643 = tpu.memref_slice %arg6[%dma_start3A_640, %add3A_634, %add3A, %dma_start3A_641, %dma_start3A_642] : memref<26x25x32x8x128xf32, #tpu.memory_space<hbm>> -> memref<26x1x1x8x128xf32, #tpu.memory_space<hbm>>
      %dma_start3A_644 = tpu.memref_squeeze %dma_start3A_643 : memref<26x1x1x8x128xf32, #tpu.memory_space<hbm>> -> memref<26x8x128xf32, #tpu.memory_space<hbm>>
      tpu.enqueue_dma source(%arg12 : memref<26x8x128xf32, #tpu.memory_space<vmem>>) target(%dma_start3A_644 : memref<26x8x128xf32, #tpu.memory_space<hbm>>) target_semaphore(%arg14 : memref<!tpu.dma_semaphore, #tpu.memory_space<semaphore_mem>>)
    }
    %scan3A_560 = arith.constant 12 : i32
    %dma_wait3A = arith.constant 0 : i32
    %dma_wait3A_561 = arith.constant 0 : i32
    %dma_wait3A_562 = arith.constant 0 : i32
    %dma_wait3A_563 = arith.constant 0 : i32
    %dma_wait3A_564 = tpu.memref_slice %arg6[%dma_wait3A_561, %dma_wait3A, %add3A, %dma_wait3A_562, %dma_wait3A_563] : memref<26x25x32x8x128xf32, #tpu.memory_space<hbm>> -> memref<26x1x1x8x128xf32, #tpu.memory_space<hbm>>
    %dma_wait3A_565 = tpu.memref_squeeze %dma_wait3A_564 : memref<26x1x1x8x128xf32, #tpu.memory_space<hbm>> -> memref<26x8x128xf32, #tpu.memory_space<hbm>>
    %dma_wait3A_566 = arith.constant 0 : i32
    %dma_wait3A_567 = arith.constant 0 : i32
    %dma_wait3A_568 = arith.constant 0 : i32
    %dma_wait3A_569 = tpu.memref_slice %arg6[%dma_wait3A_566, %dma_wait3A, %add3A, %dma_wait3A_567, %dma_wait3A_568] : memref<26x25x32x8x128xf32, #tpu.memory_space<hbm>> -> memref<26x1x1x8x128xf32, #tpu.memory_space<hbm>>
    %dma_wait3A_570 = tpu.memref_squeeze %dma_wait3A_569 : memref<26x1x1x8x128xf32, #tpu.memory_space<hbm>> -> memref<26x8x128xf32, #tpu.memory_space<hbm>>
    tpu.wait_dma2 semaphore(%arg13 : memref<!tpu.dma_semaphore, #tpu.memory_space<semaphore_mem>>) src(%arg11 : memref<26x8x128xf32, #tpu.memory_space<vmem>>) dst(%dma_wait3A_570 : memref<26x8x128xf32, #tpu.memory_space<hbm>>)
    %parallel_loop3A = arith.constant 0 : i32
    %parallel_loop3A_571 = arith.constant 16 : i32
    %parallel_loop3A_572 = arith.constant 1 : i32
    scf.for %parallel_loop3A_605 = %parallel_loop3A to %parallel_loop3A_571 step %parallel_loop3A_572  : i32 {
      %parallel_loop3A_606 = arith.constant 1 : i32
      %parallel_loop3A_607 = arith.shrsi %parallel_loop3A_605, %parallel_loop3A_606 : i32
      %parallel_loop3A_608 = arith.constant 1 : i32
      %parallel_loop3A_609 = arith.andi %parallel_loop3A_605, %parallel_loop3A_608 : i32
      %parallel_loop3A_610 = arith.constant 64 : i32
      %parallel_loop3A_611 = arith.muli %parallel_loop3A_609, %parallel_loop3A_610 : i32
      %parallel_loop3A_612 = arith.constant 0 : i32
      %parallel_loop3A_613 = arith.addi %parallel_loop3A_611, %parallel_loop3A_612 : i32
      %parallel_loop3A_614 = arith.constant 64 : i32
      %parallel_loop3A_615 = arith.muli %parallel_loop3A_609, %parallel_loop3A_614 : i32
      %parallel_loop3A_616 = arith.constant 16 : i32
      %parallel_loop3A_617 = arith.addi %parallel_loop3A_615, %parallel_loop3A_616 : i32
      %parallel_loop3A_618 = arith.constant 64 : i32
      %parallel_loop3A_619 = arith.muli %parallel_loop3A_609, %parallel_loop3A_618 : i32
      %parallel_loop3A_620 = arith.constant 32 : i32
      %parallel_loop3A_621 = arith.addi %parallel_loop3A_619, %parallel_loop3A_620 : i32
      %parallel_loop3A_622 = arith.constant 64 : i32
      %parallel_loop3A_623 = arith.muli %parallel_loop3A_609, %parallel_loop3A_622 : i32
      %parallel_loop3A_624 = arith.constant 48 : i32
      %parallel_loop3A_625 = arith.addi %parallel_loop3A_623, %parallel_loop3A_624 : i32
      %parallel_loop3A_626 = arith.constant 24 : i32
      %parallel_loop3A_627 = arith.index_cast %parallel_loop3A_626 : i32 to index
      %parallel_loop3A_628 = arith.index_cast %parallel_loop3A_607 : i32 to index
      %parallel_loop3A_629 = arith.index_cast %parallel_loop3A_613 : i32 to index
      %parallel_loop3A_630 = tpu.vector_load %arg9[%parallel_loop3A_627, %parallel_loop3A_628, %parallel_loop3A_629] {strides = array<i32>} : memref<25x8x128xf32, #tpu.memory_space<vmem>>, vector<16xf32>,
      %parallel_loop3A_631 = arith.constant 24 : i32
      %parallel_loop3A_632 = arith.index_cast %parallel_loop3A_631 : i32 to index
      %parallel_loop3A_633 = arith.index_cast %parallel_loop3A_607 : i32 to index
      %parallel_loop3A_634 = arith.index_cast %parallel_loop3A_617 : i32 to index
      %parallel_loop3A_635 = tpu.vector_load %arg9[%parallel_loop3A_632, %parallel_loop3A_633, %parallel_loop3A_634] {strides = array<i32>} : memref<25x8x128xf32, #tpu.memory_space<vmem>>, vector<16xf32>,
      %parallel_loop3A_636 = arith.constant 24 : i32
      %parallel_loop3A_637 = arith.index_cast %parallel_loop3A_636 : i32 to index
      %parallel_loop3A_638 = arith.index_cast %parallel_loop3A_607 : i32 to index
      %parallel_loop3A_639 = arith.index_cast %parallel_loop3A_621 : i32 to index
      %parallel_loop3A_640 = tpu.vector_load %arg9[%parallel_loop3A_637, %parallel_loop3A_638, %parallel_loop3A_639] {strides = array<i32>} : memref<25x8x128xf32, #tpu.memory_space<vmem>>, vector<16xf32>,
      %parallel_loop3A_641 = arith.constant 24 : i32
      %parallel_loop3A_642 = arith.index_cast %parallel_loop3A_641 : i32 to index
      %parallel_loop3A_643 = arith.index_cast %parallel_loop3A_607 : i32 to index
      %parallel_loop3A_644 = arith.index_cast %parallel_loop3A_625 : i32 to index
      %parallel_loop3A_645 = tpu.vector_load %arg9[%parallel_loop3A_642, %parallel_loop3A_643, %parallel_loop3A_644] {strides = array<i32>} : memref<25x8x128xf32, #tpu.memory_space<vmem>>, vector<16xf32>,
      %parallel_loop3A_646 = arith.constant 24 : i32
      %parallel_loop3A_647 = arith.index_cast %parallel_loop3A_646 : i32 to index
      %parallel_loop3A_648 = arith.index_cast %parallel_loop3A_607 : i32 to index
      %parallel_loop3A_649 = arith.index_cast %parallel_loop3A_613 : i32 to index
      %parallel_loop3A_650 = tpu.vector_load %arg10[%parallel_loop3A_647, %parallel_loop3A_648, %parallel_loop3A_649] {strides = array<i32>} : memref<25x8x128xi32, #tpu.memory_space<vmem>>, vector<16xi32>,
      %parallel_loop3A_651 = arith.constant 26 : i32
      %parallel_loop3A_652 = vector.broadcast %parallel_loop3A_651 : i32 to vector<16xi32>
      %parallel_loop3A_653 = arith.muli %parallel_loop3A_650, %parallel_loop3A_652 : vector<16xi32>
      %parallel_loop3A_654 = arith.constant 24 : i32
      %parallel_loop3A_655 = arith.index_cast %parallel_loop3A_654 : i32 to index
      %parallel_loop3A_656 = arith.index_cast %parallel_loop3A_607 : i32 to index
      %parallel_loop3A_657 = arith.index_cast %parallel_loop3A_617 : i32 to index
      %parallel_loop3A_658 = tpu.vector_load %arg10[%parallel_loop3A_655, %parallel_loop3A_656, %parallel_loop3A_657] {strides = array<i32>} : memref<25x8x128xi32, #tpu.memory_space<vmem>>, vector<16xi32>,
      %parallel_loop3A_659 = arith.constant 26 : i32
      %parallel_loop3A_660 = vector.broadcast %parallel_loop3A_659 : i32 to vector<16xi32>
      %parallel_loop3A_661 = arith.muli %parallel_loop3A_658, %parallel_loop3A_660 : vector<16xi32>
      %parallel_loop3A_662 = arith.constant 24 : i32
      %parallel_loop3A_663 = arith.index_cast %parallel_loop3A_662 : i32 to index
      %parallel_loop3A_664 = arith.index_cast %parallel_loop3A_607 : i32 to index
      %parallel_loop3A_665 = arith.index_cast %parallel_loop3A_621 : i32 to index
      %parallel_loop3A_666 = tpu.vector_load %arg10[%parallel_loop3A_663, %parallel_loop3A_664, %parallel_loop3A_665] {strides = array<i32>} : memref<25x8x128xi32, #tpu.memory_space<vmem>>, vector<16xi32>,
      %parallel_loop3A_667 = arith.constant 26 : i32
      %parallel_loop3A_668 = vector.broadcast %parallel_loop3A_667 : i32 to vector<16xi32>
      %parallel_loop3A_669 = arith.muli %parallel_loop3A_666, %parallel_loop3A_668 : vector<16xi32>
      %parallel_loop3A_670 = arith.constant 24 : i32
      %parallel_loop3A_671 = arith.index_cast %parallel_loop3A_670 : i32 to index
      %parallel_loop3A_672 = arith.index_cast %parallel_loop3A_607 : i32 to index
      %parallel_loop3A_673 = arith.index_cast %parallel_loop3A_625 : i32 to index
      %parallel_loop3A_674 = tpu.vector_load %arg10[%parallel_loop3A_671, %parallel_loop3A_672, %parallel_loop3A_673] {strides = array<i32>} : memref<25x8x128xi32, #tpu.memory_space<vmem>>, vector<16xi32>,
      %parallel_loop3A_675 = arith.constant 26 : i32
      %parallel_loop3A_676 = vector.broadcast %parallel_loop3A_675 : i32 to vector<16xi32>
      %parallel_loop3A_677 = arith.muli %parallel_loop3A_674, %parallel_loop3A_676 : vector<16xi32>
      %parallel_loop3A_678 = arith.constant 0 : i32
      %parallel_loop3A_679 = arith.constant 26 : i32
      %parallel_loop3A_680 = arith.constant 1 : i32
      scf.for %parallel_loop3A_681 = %parallel_loop3A_678 to %parallel_loop3A_679 step %parallel_loop3A_680  : i32 {
        %parallel_loop3A_682 = vector.broadcast %parallel_loop3A_681 : i32 to vector<16xi32>
        %parallel_loop3A_683 = arith.addi %parallel_loop3A_653, %parallel_loop3A_682 : vector<16xi32>
        %parallel_loop3A_684 = tpu.vector_load_idx %arg7[%parallel_loop3A_683] : memref<688xf32, #tpu.memory_space<vmem>>[vector<16xi32>], vector<16xf32>,
        %parallel_loop3A_685 = vector.broadcast %parallel_loop3A_681 : i32 to vector<16xi32>
        %parallel_loop3A_686 = arith.addi %parallel_loop3A_653, %parallel_loop3A_685 : vector<16xi32>
        %parallel_loop3A_687 = tpu.vector_load_idx %arg8[%parallel_loop3A_686] : memref<688xf32, #tpu.memory_space<vmem>>[vector<16xi32>], vector<16xf32>,
        %parallel_loop3A_688 = arith.mulf %parallel_loop3A_687, %parallel_loop3A_630 : vector<16xf32>
        %parallel_loop3A_689 = math.exp %parallel_loop3A_688 : vector<16xf32>
        %parallel_loop3A_690 = arith.mulf %parallel_loop3A_684, %parallel_loop3A_689 : vector<16xf32>
        %parallel_loop3A_691 = arith.index_cast %parallel_loop3A_681 : i32 to index
        %parallel_loop3A_692 = arith.index_cast %parallel_loop3A_607 : i32 to index
        %parallel_loop3A_693 = arith.index_cast %parallel_loop3A_613 : i32 to index
        %parallel_loop3A_694 = tpu.vector_load %arg11[%parallel_loop3A_691, %parallel_loop3A_692, %parallel_loop3A_693] {strides = array<i32>} : memref<26x8x128xf32, #tpu.memory_space<vmem>>, vector<16xf32>,
        tpu.vector_store %arg11[%parallel_loop3A_691, %parallel_loop3A_692, %parallel_loop3A_693], %parallel_loop3A_690 {strides = array<i32>} : memref<26x8x128xf32, #tpu.memory_space<vmem>>, vector<16xf32>,
        %parallel_loop3A_695 = vector.broadcast %parallel_loop3A_681 : i32 to vector<16xi32>
        %parallel_loop3A_696 = arith.addi %parallel_loop3A_661, %parallel_loop3A_695 : vector<16xi32>
        %parallel_loop3A_697 = tpu.vector_load_idx %arg7[%parallel_loop3A_696] : memref<688xf32, #tpu.memory_space<vmem>>[vector<16xi32>], vector<16xf32>,
        %parallel_loop3A_698 = vector.broadcast %parallel_loop3A_681 : i32 to vector<16xi32>
        %parallel_loop3A_699 = arith.addi %parallel_loop3A_661, %parallel_loop3A_698 : vector<16xi32>
        %parallel_loop3A_700 = tpu.vector_load_idx %arg8[%parallel_loop3A_699] : memref<688xf32, #tpu.memory_space<vmem>>[vector<16xi32>], vector<16xf32>,
        %parallel_loop3A_701 = arith.mulf %parallel_loop3A_700, %parallel_loop3A_635 : vector<16xf32>
        %parallel_loop3A_702 = math.exp %parallel_loop3A_701 : vector<16xf32>
        %parallel_loop3A_703 = arith.mulf %parallel_loop3A_697, %parallel_loop3A_702 : vector<16xf32>
        %parallel_loop3A_704 = arith.index_cast %parallel_loop3A_681 : i32 to index
        %parallel_loop3A_705 = arith.index_cast %parallel_loop3A_607 : i32 to index
        %parallel_loop3A_706 = arith.index_cast %parallel_loop3A_617 : i32 to index
        %parallel_loop3A_707 = tpu.vector_load %arg11[%parallel_loop3A_704, %parallel_loop3A_705, %parallel_loop3A_706] {strides = array<i32>} : memref<26x8x128xf32, #tpu.memory_space<vmem>>, vector<16xf32>,
        tpu.vector_store %arg11[%parallel_loop3A_704, %parallel_loop3A_705, %parallel_loop3A_706], %parallel_loop3A_703 {strides = array<i32>} : memref<26x8x128xf32, #tpu.memory_space<vmem>>, vector<16xf32>,
        %parallel_loop3A_708 = vector.broadcast %parallel_loop3A_681 : i32 to vector<16xi32>
        %parallel_loop3A_709 = arith.addi %parallel_loop3A_669, %parallel_loop3A_708 : vector<16xi32>
        %parallel_loop3A_710 = tpu.vector_load_idx %arg7[%parallel_loop3A_709] : memref<688xf32, #tpu.memory_space<vmem>>[vector<16xi32>], vector<16xf32>,
        %parallel_loop3A_711 = vector.broadcast %parallel_loop3A_681 : i32 to vector<16xi32>
        %parallel_loop3A_712 = arith.addi %parallel_loop3A_669, %parallel_loop3A_711 : vector<16xi32>
        %parallel_loop3A_713 = tpu.vector_load_idx %arg8[%parallel_loop3A_712] : memref<688xf32, #tpu.memory_space<vmem>>[vector<16xi32>], vector<16xf32>,
        %parallel_loop3A_714 = arith.mulf %parallel_loop3A_713, %parallel_loop3A_640 : vector<16xf32>
        %parallel_loop3A_715 = math.exp %parallel_loop3A_714 : vector<16xf32>
        %parallel_loop3A_716 = arith.mulf %parallel_loop3A_710, %parallel_loop3A_715 : vector<16xf32>
        %parallel_loop3A_717 = arith.index_cast %parallel_loop3A_681 : i32 to index
        %parallel_loop3A_718 = arith.index_cast %parallel_loop3A_607 : i32 to index
        %parallel_loop3A_719 = arith.index_cast %parallel_loop3A_621 : i32 to index
        %parallel_loop3A_720 = tpu.vector_load %arg11[%parallel_loop3A_717, %parallel_loop3A_718, %parallel_loop3A_719] {strides = array<i32>} : memref<26x8x128xf32, #tpu.memory_space<vmem>>, vector<16xf32>,
        tpu.vector_store %arg11[%parallel_loop3A_717, %parallel_loop3A_718, %parallel_loop3A_719], %parallel_loop3A_716 {strides = array<i32>} : memref<26x8x128xf32, #tpu.memory_space<vmem>>, vector<16xf32>,
        %parallel_loop3A_721 = vector.broadcast %parallel_loop3A_681 : i32 to vector<16xi32>
        %parallel_loop3A_722 = arith.addi %parallel_loop3A_677, %parallel_loop3A_721 : vector<16xi32>
        %parallel_loop3A_723 = tpu.vector_load_idx %arg7[%parallel_loop3A_722] : memref<688xf32, #tpu.memory_space<vmem>>[vector<16xi32>], vector<16xf32>,
        %parallel_loop3A_724 = vector.broadcast %parallel_loop3A_681 : i32 to vector<16xi32>
        %parallel_loop3A_725 = arith.addi %parallel_loop3A_677, %parallel_loop3A_724 : vector<16xi32>
        %parallel_loop3A_726 = tpu.vector_load_idx %arg8[%parallel_loop3A_725] : memref<688xf32, #tpu.memory_space<vmem>>[vector<16xi32>], vector<16xf32>,
        %parallel_loop3A_727 = arith.mulf %parallel_loop3A_726, %parallel_loop3A_645 : vector<16xf32>
        %parallel_loop3A_728 = math.exp %parallel_loop3A_727 : vector<16xf32>
        %parallel_loop3A_729 = arith.mulf %parallel_loop3A_723, %parallel_loop3A_728 : vector<16xf32>
        %parallel_loop3A_730 = arith.index_cast %parallel_loop3A_681 : i32 to index
        %parallel_loop3A_731 = arith.index_cast %parallel_loop3A_607 : i32 to index
        %parallel_loop3A_732 = arith.index_cast %parallel_loop3A_625 : i32 to index
        %parallel_loop3A_733 = tpu.vector_load %arg11[%parallel_loop3A_730, %parallel_loop3A_731, %parallel_loop3A_732] {strides = array<i32>} : memref<26x8x128xf32, #tpu.memory_space<vmem>>, vector<16xf32>,
        tpu.vector_store %arg11[%parallel_loop3A_730, %parallel_loop3A_731, %parallel_loop3A_732], %parallel_loop3A_729 {strides = array<i32>} : memref<26x8x128xf32, #tpu.memory_space<vmem>>, vector<16xf32>,
      } {sc.loop_unroll_factor = 2 : i64, sc.parallel_access}
    } {sc.loop_unroll_factor = 1 : i64, sc.parallel_access}
    %dma_start3A = arith.constant 24 : i32
    %dma_start3A_573 = arith.constant 0 : i32
    %dma_start3A_574 = arith.constant 0 : i32
    %dma_start3A_575 = arith.constant 0 : i32
    %dma_start3A_576 = tpu.memref_slice %arg6[%dma_start3A_573, %dma_start3A, %add3A, %dma_start3A_574, %dma_start3A_575] : memref<26x25x32x8x128xf32, #tpu.memory_space<hbm>> -> memref<26x1x1x8x128xf32, #tpu.memory_space<hbm>>
    %dma_start3A_577 = tpu.memref_squeeze %dma_start3A_576 : memref<26x1x1x8x128xf32, #tpu.memory_space<hbm>> -> memref<26x8x128xf32, #tpu.memory_space<hbm>>
    %dma_start3A_578 = arith.constant 0 : i32
    %dma_start3A_579 = arith.constant 0 : i32
    %dma_start3A_580 = arith.constant 0 : i32
    %dma_start3A_581 = tpu.memref_slice %arg6[%dma_start3A_578, %dma_start3A, %add3A, %dma_start3A_579, %dma_start3A_580] : memref<26x25x32x8x128xf32, #tpu.memory_space<hbm>> -> memref<26x1x1x8x128xf32, #tpu.memory_space<hbm>>
    %dma_start3A_582 = tpu.memref_squeeze %dma_start3A_581 : memref<26x1x1x8x128xf32, #tpu.memory_space<hbm>> -> memref<26x8x128xf32, #tpu.memory_space<hbm>>
    tpu.enqueue_dma source(%arg11 : memref<26x8x128xf32, #tpu.memory_space<vmem>>) target(%dma_start3A_582 : memref<26x8x128xf32, #tpu.memory_space<hbm>>) target_semaphore(%arg13 : memref<!tpu.dma_semaphore, #tpu.memory_space<semaphore_mem>>)
    %dma_wait3A_583 = arith.constant 0 : i32
    %dma_wait3A_584 = arith.constant 0 : i32
    %dma_wait3A_585 = arith.constant 0 : i32
    %dma_wait3A_586 = arith.constant 0 : i32
    %dma_wait3A_587 = tpu.memref_slice %arg6[%dma_wait3A_584, %dma_wait3A_583, %add3A, %dma_wait3A_585, %dma_wait3A_586] : memref<26x25x32x8x128xf32, #tpu.memory_space<hbm>> -> memref<26x1x1x8x128xf32, #tpu.memory_space<hbm>>
    %dma_wait3A_588 = tpu.memref_squeeze %dma_wait3A_587 : memref<26x1x1x8x128xf32, #tpu.memory_space<hbm>> -> memref<26x8x128xf32, #tpu.memory_space<hbm>>
    %dma_wait3A_589 = arith.constant 0 : i32
    %dma_wait3A_590 = arith.constant 0 : i32
    %dma_wait3A_591 = arith.constant 0 : i32
    %dma_wait3A_592 = tpu.memref_slice %arg6[%dma_wait3A_589, %dma_wait3A_583, %add3A, %dma_wait3A_590, %dma_wait3A_591] : memref<26x25x32x8x128xf32, #tpu.memory_space<hbm>> -> memref<26x1x1x8x128xf32, #tpu.memory_space<hbm>>
    %dma_wait3A_593 = tpu.memref_squeeze %dma_wait3A_592 : memref<26x1x1x8x128xf32, #tpu.memory_space<hbm>> -> memref<26x8x128xf32, #tpu.memory_space<hbm>>
    tpu.wait_dma2 semaphore(%arg13 : memref<!tpu.dma_semaphore, #tpu.memory_space<semaphore_mem>>) src(%arg11 : memref<26x8x128xf32, #tpu.memory_space<vmem>>) dst(%dma_wait3A_593 : memref<26x8x128xf32, #tpu.memory_space<hbm>>)
    %dma_wait3A_594 = arith.constant 0 : i32
    %dma_wait3A_595 = arith.constant 0 : i32
    %dma_wait3A_596 = arith.constant 0 : i32
    %dma_wait3A_597 = arith.constant 0 : i32
    %dma_wait3A_598 = tpu.memref_slice %arg6[%dma_wait3A_595, %dma_wait3A_594, %add3A, %dma_wait3A_596, %dma_wait3A_597] : memref<26x25x32x8x128xf32, #tpu.memory_space<hbm>> -> memref<26x1x1x8x128xf32, #tpu.memory_space<hbm>>
    %dma_wait3A_599 = tpu.memref_squeeze %dma_wait3A_598 : memref<26x1x1x8x128xf32, #tpu.memory_space<hbm>> -> memref<26x8x128xf32, #tpu.memory_space<hbm>>
    %dma_wait3A_600 = arith.constant 0 : i32
    %dma_wait3A_601 = arith.constant 0 : i32
    %dma_wait3A_602 = arith.constant 0 : i32
    %dma_wait3A_603 = tpu.memref_slice %arg6[%dma_wait3A_600, %dma_wait3A_594, %add3A, %dma_wait3A_601, %dma_wait3A_602] : memref<26x25x32x8x128xf32, #tpu.memory_space<hbm>> -> memref<26x1x1x8x128xf32, #tpu.memory_space<hbm>>
    %dma_wait3A_604 = tpu.memref_squeeze %dma_wait3A_603 : memref<26x1x1x8x128xf32, #tpu.memory_space<hbm>> -> memref<26x8x128xf32, #tpu.memory_space<hbm>>
    tpu.wait_dma2 semaphore(%arg14 : memref<!tpu.dma_semaphore, #tpu.memory_space<semaphore_mem>>) src(%arg12 : memref<26x8x128xf32, #tpu.memory_space<vmem>>) dst(%dma_wait3A_604 : memref<26x8x128xf32, #tpu.memory_space<hbm>>)
    return
  }
}

</mosaic_0001>

<sc_bundles>
// kernel: kernel.3.cloned.1.call-start
scs
__scs_entry_jumppad:
0x0: {  	(pc) =	sbr.rel $0x88, $3  }
0x1: {  	(tag) =	ssettag $0x0;
	lr =	simm.s32 $0x1  }
0x2: {  	[smem:$0x3F9D] =	sst lr;
	_ =	strace $0xD0000000  }
0x3: {  	_ = 	snop  }
0x4: {  	_ = 	snop  }
0x5: {  	_ = 	snop  }
0x6: {  	_ = 	snop  }
0x7: {  	_ = 	snop  }
__scs_overlays_trampoline_lowered:
0x8: {  	[smem:$0x3FAC] =	sst s0  }
0x9: {  	[smem:$0x3FAD] =	sst s1  }
0xa: {  	[smem:$0x3FAE] =	sst s2  }
0xb: {  	[smem:$0x3FAF] =	sst s3  }
0xc: {  	[smem:$0x3FB0] =	sst s4  }
0xd: {  	[smem:$0x3FB1] =	sst s5  }
0xe: {  	[smem:$0x3FB2] =	sst s6  }
0xf: {  	[smem:$0x3FB3] =	sst s7  }
0x10: {  	[smem:$0x3FB4] =	sst s8  }
0x11: {  	[smem:$0x3FB5] =	sst s9;
	s0 =	simm.s32 @!p0 $0x0  }
0x12: {  	s1 =	sld [smem:$0x3F9B];
	s0 =	simm.s32 @p0 $0x1  }
0x13: {  	[smem:$0x3FB6] =	sst s0;
	s0 =	simm.s32 @!p1 $0x0  }
0x14: {  	s2 =	sld [smem:$0x3F9A];
	s0 =	simm.s32 @p1 $0x1  }
0x15: {  	[smem:$0x3FB7] =	sst s0;
	s0 =	simm.s32 @!p2 $0x0  }
0x16: {  	s3 =	sld [smem:$0x3FDB];
	s0 =	simm.s32 @p2 $0x1  }
0x17: {  	s4 =	simm.s32 $0x1BF5;
	[smem:$0x3FB9] =	sst s0  }
0x18: {  	s0 =	sld [smem:$0x3F9C];
	_ =	swait.ge [sflag:s4], $0x0  }
0x19: {  	s7 =	sld [smem:$0x3F9D]  }
0x1a: {  	s8 =	sadd.s32 $0xFFFFE003, lr  }
0x1b: {  	s9 =	sadd.s32 $0xFFFFFEF7, lr;
	s5 =	simm.s32 $0xFFFFFFFF;
	p2 =	slt.u32 s8, $0xFFFFF086  }
0x1c: {  	p1 =	slt.u32 s9, $0xF7A;
	s5 =	simm.s32 @!p2 $0x0  }
0x1d: {  	s5 =	simm.s32 @p1 $0x1;
	p0 =	seq.s32 s7, s2  }
0x1e: {  	s7 =	smul.u32 @!p0 $0xF7A, s2;
	p2 =	seq.s32 @!p0 s5, $0x0  }
0x1f: {  	s9 =	smul.u32 $0xF7A, s1;
	s8 =	simm.s32 @!p0 $0x1BF5;
	p2 =	por !p2, p0  }
0x20: {  	[sflag:s8] =	ssyncset.s32 @!p0 $0xFFFFF086;
	s6 =	sadd.s32 @!p0 s3, s7;
	s7 =	simm.s32 @!p0 $0x108  }
0x21: {  	s3 =	sadd.s32 s3, s9;
	s6 =	sadd.s32 @!p0 $0x88, s6;
	s7 =	simm.s32 @p2 $0x1082  }
0x22: {  	[simem:s7], [sflag:s8] =	dma.local @!p0 [hbm:s6], $0xF7A  }
0x23: {  	s9 =	sor.u32 $0xD0000000, s2;
	s6 =	simm.s32 $0x108;
	_ =	swait.ge @!p0 [sflag:s8], $0x0  }
0x24: {  	s3 =	sadd.s32 $0x88, s3;
	s6 =	simm.s32 @!p1 $0x1082;
	[sflag:s4] =	ssyncset.s32 $0xFFFFF086  }
0x25: {  	[simem:s6], [sflag:s4] =	dma.local [hbm:s3], $0xF7A  }
0x26: {  	[smem:$0x3F9D] =	sst s1;
	(tag) =	ssettag s2;
	_ =	strace s9  }
0x27: {  	s1 =	sld [smem:$0x3FAD]  }
0x28: {  	s2 =	sld [smem:$0x3FAE]  }
0x29: {  	s4 =	sld [smem:$0x3FB0]  }
0x2a: {  	p0 =	seq.s32 s5, $0x0;
	s5 =	sld [smem:$0x3FB1]  }
0x2b: {  	s6 =	sld [smem:$0x3FB2]  }
0x2c: {  	s7 =	sld [smem:$0x3FB3]  }
0x2d: {  	s3 =	simm.s32 $0x108;
	s8 =	sld [smem:$0x3FB4]  }
0x2e: {  	s3 =	simm.s32 @!p0 $0x1082;
	s9 =	sld [smem:$0x3FB5]  }
0x2f: {  	lr =	sadd.s32 s0, s3;
	s0 =	sld [smem:$0x3FAC]  }
0x30: {  	s3 =	sld [smem:$0x3FAF]  }
0x31: {  	[smem:$0x3FB8] =	sst s10  }
0x32: {  	s10 =	sld [smem:$0x3FB6];
	_ =	sdelay $0x3  }
0x33: {  	p0 =	seq.s32 s10, $0x1;
	s10 =	sld [smem:$0x3FB8];
	_ =	sdelay $0x3  }
0x34: {  	[smem:$0x3FB8] =	sst s10  }
0x35: {  	s10 =	sld [smem:$0x3FB7];
	_ =	sdelay $0x3  }
0x36: {  	p1 =	seq.s32 s10, $0x1;
	s10 =	sld [smem:$0x3FB8];
	_ =	sdelay $0x3  }
0x37: {  	[smem:$0x3FB8] =	sst s10  }
0x38: {  	s10 =	sld [smem:$0x3FB9]  }
0x39: {  	_ = 	snop;
	(pc) =	sbr.ind lr, $3  }
0x3a: {  	_ = 	snop  }
0x3b: {  	_ = 	snop  }
0x3c: {  	p2 =	seq.s32 s10, $0x1;
	s10 =	sld [smem:$0x3FB8]  }
0x3d: {  	_ =	shalt  }
0x3e: {  	_ =	shalt  }
0x3f: {  	_ =	shalt  }
0x40: {  	_ =	shalt  }
0x41: {  	_ =	shalt  }
0x42: {  	_ =	shalt  }
0x43: {  	_ =	shalt  }
0x44: {  	_ =	shalt  }
0x45: {  	_ =	shalt  }
0x46: {  	_ =	shalt  }
0x47: {  	_ =	shalt  }
0x48: {  	_ =	shalt  }
0x49: {  	_ =	shalt  }
0x4a: {  	_ =	shalt  }
0x4b: {  	_ =	shalt  }
0x4c: {  	_ =	shalt  }
0x4d: {  	_ =	shalt  }
0x4e: {  	_ =	shalt  }
0x4f: {  	_ =	shalt  }
0x50: {  	_ =	shalt  }
0x51: {  	_ =	shalt  }
0x52: {  	_ =	shalt  }
0x53: {  	_ =	shalt  }
0x54: {  	_ =	shalt  }
0x55: {  	_ =	shalt  }
0x56: {  	_ =	shalt  }
0x57: {  	_ =	shalt  }
0x58: {  	_ =	shalt  }
0x59: {  	_ =	shalt  }
0x5a: {  	_ =	shalt  }
0x5b: {  	_ =	shalt  }
0x5c: {  	_ =	shalt  }
0x5d: {  	_ =	shalt  }
0x5e: {  	_ =	shalt  }
0x5f: {  	_ =	shalt  }
0x60: {  	_ =	shalt  }
0x61: {  	_ =	shalt  }
0x62: {  	_ =	shalt  }
0x63: {  	_ =	shalt  }
0x64: {  	_ =	shalt  }
0x65: {  	_ =	shalt  }
0x66: {  	_ =	shalt  }
0x67: {  	_ =	shalt  }
0x68: {  	_ =	shalt  }
0x69: {  	_ =	shalt  }
0x6a: {  	_ =	shalt  }
0x6b: {  	_ =	shalt  }
0x6c: {  	_ =	shalt  }
0x6d: {  	_ =	shalt  }
0x6e: {  	_ =	shalt  }
0x6f: {  	_ =	shalt  }
0x70: {  	_ =	shalt  }
0x71: {  	_ =	shalt  }
0x72: {  	_ =	shalt  }
0x73: {  	_ =	shalt  }
0x74: {  	_ =	shalt  }
0x75: {  	_ =	shalt  }
0x76: {  	_ =	shalt  }
0x77: {  	_ =	shalt  }
0x78: {  	_ =	shalt  }
0x79: {  	_ =	shalt  }
0x7a: {  	_ =	shalt  }
0x7b: {  	_ =	shalt  }
0x7c: {  	_ =	shalt  }
0x7d: {  	_ =	shalt  }
0x7e: {  	_ =	shalt  }
0x7f: {  	_ =	shalt  }
0x80: {  	_ =	shalt  }
0x81: {  	_ =	shalt  }
0x82: {  	_ =	shalt  }
0x83: {  	_ =	shalt  }
0x84: {  	_ =	shalt  }
0x85: {  	_ =	shalt  }
0x86: {  	_ =	shalt  }
0x87: {  	_ =	shalt  }
.Lfunc_end0:
.L_simem_size_0:
called_computation_lowered:
.L_overlay_start_0:
0x88: {  	s2 =	sld [smem:$0x3FD9]  }
0x89: {  	s3 =	sld [smem:$0x3FFE];
	_ =	sdelay $0x1  }
0x8a: {  	s1 =	srdreg.scid  }
0x8b: {  	s0 =	sand.u32 $0x1, s1  }
0x8c: {  	s17 =	sshll.u32 s0, $0xA;
	s2 =	sadd.s32 s3, s2  }
0x8d: {  	s2 =	sadd.s32 s2, s17  }
0x8e: {  	[smem:$0x3FC4] =	sst s2  }
0x8f: {  	_ = 	snop  }
0x90: {  	s2 =	sld [smem:$0x3FC9]  }
0x91: {  	s18 =	sld [smem:$0x3FC8]  }
0x92: {  	s4 =	sld [smem:$0x3FD0];
	(tm) =	ssettm $0x1  }
0x93: {  	s5 =	sld [smem:$0x3FFB];
	_ =	sdelay $0x3  }
0x94: {  	_ =	strace s5  }
0x95: {  	s5 =	sld [smem:$0x3FFC];
	_ =	sdelay $0x3  }
0x96: {  	_ =	strace s5  }
0x97: {  	s5 =	sld [smem:$0x3FFD];
	_ =	sdelay $0x3  }
0x98: {  	_ =	strace s5  }
0x99: {  	_ =	strace $0x8FFFFFFF  }
0x9a: {  	s19 =	sld [smem:$0x3FDB];
	_ =	sdelay $0x1  }
0x9b: {  	s6 =	simm.s32 $_scs_section_size  }
0x9c: {  	s7 =	simm.s32 $_size__tile_overlayer_lowered;
	s8 =	simm.s32 $_tile_overlayer_lowered  }
0x9d: {  	s22 =	simm.s32 $0x1BFF;
	s21 =	sshll.u32 s8, $0x1;
	s5 =	sadd.s32 s6, s19  }
0x9e: {  	s9 =	simm.s32 $0x0;
	s20 =	sshll.u32 s7, $0x1;
	s7 =	sadd.s32 s21, s5  }
0x9f: {  	[timem:s9], [sflag:s22] =	dma.local [hbm:s7], s20  }
0xa0: {  	_ =	swait.ge [sflag:s22], s20  }
0xa1: {  	s6 =	ssub.s32 $0x0, s20;
	[sflag:s22] =	ssyncset.done $0x0  }
0xa2: {  	[sflag:s22] =	ssyncadd.s32 s6;
	_ =	sdelay $0x1  }
0xa3: {  	s23 =	simm.s32 $0x1B8B  }
0xa4: {  	_ =	swait.ge [sflag:s23], $0x1  }
0xa5: {  	[sflag:s23] =	ssyncset.done $0x0  }
0xa6: {  	s25 =	simm.s32 $0x1B8E;
	s24 =	sld [smem:$0x3FFE];
	[sflag:s23] =	ssyncadd.s32 $0xFFFFFFFF  }
0xa7: {  	s26 =	simm.s32 $execute0_lowered;
	[smem:$0x3FD2] =	sst s25  }
0xa8: {  	s7 =	sshll.u32 s26, $0x1;
	_ =	strace $0x80000046;
	[dreg:$0x1] =	wrdreg $0xFFFFFFFF  }
0xa9: {  	s28 =	simm.s32 $_size_execute0_lowered;
	s5 =	sadd.s32 s5, s7;
	[dreg:$0x0] =	wrdreg $0x0  }
0xaa: {  	s7 =	sshll.u32 s28, $0x1;
	[dreg:$0x2] =	wrdreg s5  }
0xab: {  	[dreg:$0x3] =	wrdreg s7  }
0xac: {  	[dreg:$0x4] =	wrdreg $0xC0  }
0xad: {  	_ =	task [dreg:s9], $0x5FFFF  }
0xae: {  	[dreg:$0x1] =	wrdreg $0xFFFFFFFF  }
0xaf: {  	[dreg:$0x0] =	wrdreg $0x60  }
0xb0: {  	[dreg:$0x2] =	wrdreg s2  }
0xb1: {  	[dreg:$0x3] =	wrdreg s18  }
0xb2: {  	[dreg:$0x4] =	wrdreg s24  }
0xb3: {  	[dreg:$0x5] =	wrdreg s4  }
0xb4: {  	[dreg:$0x6] =	wrdreg $0x9  }
0xb5: {  	_ =	task.clear_ibuf [dreg:s9], $0x7FFFF;
	_ =	strace $0x90000046  }
0xb6: {  	s29 =	simm.s32 $0x9;
	_ =	strace $0x80000048  }
0xb7: {  	_ =	swait.ge [sflag:s29], $0x1  }
0xb8: {  	[sflag:s29] =	ssyncadd.s32 $0xFFFFFFFF  }
0xb9: {  	_ =	strace $0x90000048  }
0xba: {  	_ =	sfence  }
0xbb: {  	s30 =	sld [smem:$0x0];
	_ =	sdelay $0x2  }
0xbc: {  	s31 =	sshll.u32 s1, $0xD;
	s1 =	sshrl.u32 s1, $0x2  }
0xbd: {  	s3 =	sand.u32 $0x4000, s31;
	s1 =	sadd.s32 s1, s30  }
0xbe: {  	s0 =	sor.u32 s3, s0;
	s1 =	sshll.u32 s1, $0x11  }
0xbf: {  	s0 =	sor.u32 s1, s0  }
0xc0: {  	s0 =	sadd.s32 $0x8F2B, s0  }
0xc1: {  	[sflag:s0] =	ssyncadd.remote.s32 $0x1  }
0xc2: {  	_ =	sfence.sel $0xFFFF  }
0xc3: {  	[dreg:$0x0] =	wrdreg $0xFFFFFFFF;
	(pc) =	sbr.abs _section_cstart, $3  }
0xc4: {  	[dreg:$0x1] =	wrdreg $0xFFFFFFFF  }
0xc5: {  	_ =	task.clear_ibuf [dreg:s9], $0x2FFFF;
	_ =	strace $0x9FFFFFFF  }
0xc6: {  	(tm) =	ssettm $0x7FFFFFFF  }
0xc7: {  	_ =	shalt  }
tec
execute0_lowered:
.L_overlay_start_1:
0x0: {  	(tag) =	ssettag $0x1  }
0x1: {  	s0 =	rddreg [dreg:$0x0]  }
0x2: {  	s2 =	rddreg [dreg:$0x1]  }
0x3: {  	s4 =	rddreg [dreg:$0x2]  }
0x4: {  	s1 =	rddreg [dreg:$0x3];
	s3 =	simm.s32 $0x0;
	s5 =	srdreg.scid  }
0x5: {  	s6 =	stileid.u32;
	s11 =	simm.s32 $0x400;
	s16 =	simm.s32 $0x300  }
0x6: {  	s18 =	simm.s32 $0xC8000;
	[smem:$0x7FF] =	sst s3;
	s5 =	sand.u32 $0x1, s5  }
0x7: {  	s6 =	sshll.u32 s6, $0xB;
	s8 =	sadd.s32 $0x400, s4;
	s7 =	sshll.u32 s5, $0xA  }
0x8: {  	s4 =	sadd.s32 $0x600, s4;
	s28 =	ssub.s32 $0x2, s5;
	s5 =	sor.u32 s7, s6  }
0x9: {  	_ =	strace $0x80000047;
	[dreg:$0x5] =	wrdreg s8;
	s6 =	sshrl.u32 s5, $0x3  }
0xa: {  	[dreg:$0x6] =	wrdreg s4;
	s29 =	sshrl.u32 s28, $0x1;
	s0 =	sadd.s32 s0, s6  }
0xb: {  	s4 =	ssub.s32 s28, s29;
	s2 =	sadd.s32 s2, s6;
	[dreg:$0x7] =	wrdreg s0  }
0xc: {  	s30 =	sadd.s32 s6, s1;
	s31 =	smax.u32 s4, $0x1;
	[dreg:$0x8] =	wrdreg s2  }
0xd: {  	s19 =	simm.s32 $0xCE00;
	s0 =	sadd.s32 $0x18000, s30;
	[dreg:$0xa] =	wrdreg s31  }
0xe: {  	s20 =	simm.s32 $0x13600;
	s22 =	simm.s32 $0x0;
	[dreg:$0x9] =	wrdreg s0  }
.LBB2_1:
0xf: {  	s0 =	rddreg [dreg:$0x7]  }
0x10: {  	s2 =	simm.s32 $0x8000;
	s4 =	simm.s32 $0x600;
	s28 =	simm.s32 $0x3  }
0x11: {  	[tilespmem:s4], [sflag:$0x3] =	stream.strided.gather [hbm4b:s0+s11], $0x6400, s2, s11, $0x38;
	[tilespmem:$0x19E00] =	vst v63  }
0x12: {  	_ =	swait.ge [sflag:s28], $0x6400  }
0x13: {  	[sflag:s28] =	ssyncset.done $0x0  }
0x14: {  	s6 =	simm.s32 $0x6A00;
	s29 =	rddreg [dreg:$0x8];
	[sflag:s28] =	ssyncadd.s32 $0xFFFF9C00  }
0x15: {  	[tilespmem:s6], [sflag:$0x3] =	stream.strided.gather [hbm4b:s29+s11], $0x6400, s2, s11, $0x38;
	[tilespmem:$0x19E00] =	vst v63  }
0x16: {  	_ =	swait.ge [sflag:s28], $0x6400  }
0x17: {  	[sflag:s28] =	ssyncset.done $0x0  }
0x18: {  	s30 =	rddreg [dreg:$0x5];
	[sflag:s28] =	ssyncadd.s32 $0xFFFF9C00  }
0x19: {  	[tilespmem:s3], [sflag:$0x3] =	stream.linear.gather [hbm4b:s30+s3], $0x300, $0x38;
	[tilespmem:$0x19E00] =	vst v63  }
0x1a: {  	_ =	swait.ge [sflag:s28], $0x300  }
0x1b: {  	[sflag:s28] =	ssyncset.done $0x0  }
0x1c: {  	s31 =	rddreg [dreg:$0x6];
	[sflag:s28] =	ssyncadd.s32 $0xFFFFFD00  }
0x1d: {  	[tilespmem:s16], [sflag:$0x3] =	stream.linear.gather [hbm4b:s31+s3], $0x300, $0x38;
	[tilespmem:$0x19E00] =	vst v63  }
0x1e: {  	_ =	swait.ge [sflag:s28], $0x300  }
0x1f: {  	[sflag:s28] =	ssyncset.done $0x0  }
0x20: {  	[sflag:s28] =	ssyncadd.s32 $0xFFFFFD00  }
0x21: {  	v0 =	vld [tilespmem:$0x0]  }
0x22: {  	v1 =	vld [tilespmem:$0x300]  }
0x23: {  	v2 =	vld [tilespmem:$0x10]  }
0x24: {  	v3 =	vld [tilespmem:$0x310]  }
0x25: {  	v4 =	vld [tilespmem:$0x20]  }
0x26: {  	v5 =	vld [tilespmem:$0x320];
	v0 =	vmul.f32 $1.442695020e+00, v0  }
0x27: {  	v6 =	vld [tilespmem:$0x30];
	v1 =	vmul.f32 $1.442695020e+00, v1  }
0x28: {  	v41 =	vld [tilespmem:$0x330];
	v40 =	vmul.f32 $1.442695020e+00, v2;
	(erf) = vpow2.f32 v0  }
0x29: {  	v43 =	vld [tilespmem:$0x40];
	v42 =	vmul.f32 $1.442695020e+00, v3;
	(erf) = vpow2.f32 v1  }
0x2a: {  	v45 =	vld [tilespmem:$0x340];
	v44 =	vmul.f32 $1.442695020e+00, v4;
	(erf) = vpow2.f32 v40  }
0x2b: {  	v47 =	vld [tilespmem:$0x50];
	v46 =	vmul.f32 $1.442695020e+00, v5;
	(erf) = vpow2.f32 v42  }
0x2c: {  	v49 =	vld [tilespmem:$0x350];
	v48 =	vmul.f32 $1.442695020e+00, v6;
	(erf) = vpow2.f32 v44  }
0x2d: {  	v51 =	vld [tilespmem:$0x60];
	v50 =	vmul.f32 $1.442695020e+00, v41;
	(erf) = vpow2.f32 v46  }
0x2e: {  	v53 =	vld [tilespmem:$0x360];
	v52 =	vmul.f32 $1.442695020e+00, v43;
	(erf) = vpow2.f32 v48  }
0x2f: {  	v55 =	vld [tilespmem:$0x70];
	v54 =	vmul.f32 $1.442695020e+00, v45;
	(erf) = vpow2.f32 v50  }
0x30: {  	v57 =	vld [tilespmem:$0x370];
	v56 =	vmul.f32 $1.442695020e+00, v47;
	(erf) = vpow2.f32 v52  }
0x31: {  	v59 =	vld [tilespmem:$0x80];
	v58 =	vmul.f32 $1.442695020e+00, v49;
	v7 =	vpop (erf);
	(erf) = vpow2.f32 v54  }
0x32: {  	v61 =	vld [tilespmem:$0x380];
	v60 =	vmul.f32 $1.442695020e+00, v51;
	v8 =	vpop (erf);
	(erf) = vpow2.f32 v56  }
0x33: {  	v63 =	vld [tilespmem:$0x90];
	v62 =	vmul.f32 $1.442695020e+00, v53;
	v9 =	vpop (erf);
	(erf) = vpow2.f32 v58  }
0x34: {  	v13 =	vld [tilespmem:$0x390];
	v12 =	vmul.f32 $1.442695020e+00, v55;
	[tilespmem:$0x0] =	vst v7;
	v8 =	vsub.f32 $0.0e+00, v8;
	v11 =	vpop (erf);
	(erf) = vpow2.f32 v60  }
0x35: {  	v16 =	vld [tilespmem:$0xA0];
	v15 =	vmul.f32 $1.442695020e+00, v57;
	[tilespmem:$0x10] =	vst v9;
	v14 =	vpop (erf);
	(erf) = vpow2.f32 v62  }
0x36: {  	v19 =	vld [tilespmem:$0x3A0];
	v18 =	vmul.f32 $1.442695020e+00, v59;
	[tilespmem:$0x300] =	vst v8;
	v7 =	vsub.f32 $0.0e+00, v11;
	v17 =	vpop (erf);
	(erf) = vpow2.f32 v12  }
0x37: {  	v23 =	vld [tilespmem:$0xB0];
	v22 =	vmul.f32 $1.442695020e+00, v61;
	[tilespmem:$0x20] =	vst v14;
	v21 =	vpop (erf);
	(erf) = vpow2.f32 v15  }
0x38: {  	v26 =	vld [tilespmem:$0x3B0];
	v25 =	vmul.f32 $1.442695020e+00, v63;
	[tilespmem:$0x310] =	vst v7;
	v20 =	vsub.f32 $0.0e+00, v17;
	v24 =	vpop (erf);
	(erf) = vpow2.f32 v18  }
0x39: {  	v30 =	vld [tilespmem:$0xC0];
	v29 =	vmul.f32 $1.442695020e+00, v13;
	[tilespmem:$0x30] =	vst v21;
	v28 =	vpop (erf);
	(erf) = vpow2.f32 v22  }
0x3a: {  	v33 =	vld [tilespmem:$0x3C0];
	v32 =	vmul.f32 $1.442695020e+00, v16;
	[tilespmem:$0x320] =	vst v20;
	v27 =	vsub.f32 $0.0e+00, v24;
	v31 =	vpop (erf);
	(erf) = vpow2.f32 v25  }
0x3b: {  	v37 =	vld [tilespmem:$0xD0];
	v36 =	vmul.f32 $1.442695020e+00, v19;
	[tilespmem:$0x40] =	vst v28;
	v35 =	vpop (erf);
	(erf) = vpow2.f32 v29  }
0x3c: {  	v39 =	vmul.f32 $1.442695020e+00, v23;
	v40 =	vld [tilespmem:$0x3D0];
	[tilespmem:$0x330] =	vst v27;
	v34 =	vsub.f32 $0.0e+00, v31;
	v38 =	vpop (erf);
	(erf) = vpow2.f32 v32  }
0x3d: {  	v43 =	vmul.f32 $1.442695020e+00, v26;
	v44 =	vld [tilespmem:$0xE0];
	[tilespmem:$0x50] =	vst v35;
	v42 =	vpop (erf);
	(erf) = vpow2.f32 v36  }
0x3e: {  	v47 =	vld [tilespmem:$0x3E0];
	v46 =	vmul.f32 $1.442695020e+00, v30;
	[tilespmem:$0x340] =	vst v34;
	v41 =	vsub.f32 $0.0e+00, v38;
	v45 =	vpop (erf);
	(erf) = vpow2.f32 v39  }
0x3f: {  	v51 =	vld [tilespmem:$0xF0];
	v50 =	vmul.f32 $1.442695020e+00, v33;
	[tilespmem:$0x60] =	vst v42;
	v49 =	vpop (erf);
	(erf) = vpow2.f32 v43  }
0x40: {  	v53 =	vmul.f32 $1.442695020e+00, v37;
	v54 =	vld [tilespmem:$0x3F0];
	[tilespmem:$0x350] =	vst v41;
	v48 =	vsub.f32 $0.0e+00, v45;
	v52 =	vpop (erf);
	(erf) = vpow2.f32 v46  }
0x41: {  	v57 =	vmul.f32 $1.442695020e+00, v40;
	v58 =	vld [tilespmem:$0x100];
	[tilespmem:$0x70] =	vst v49;
	v56 =	vpop (erf);
	(erf) = vpow2.f32 v50  }
0x42: {  	v61 =	vld [tilespmem:$0x400];
	v60 =	vmul.f32 $1.442695020e+00, v44;
	[tilespmem:$0x360] =	vst v48;
	v55 =	vsub.f32 $0.0e+00, v52;
	v59 =	vpop (erf);
	(erf) = vpow2.f32 v53  }
0x43: {  	v13 =	vld [tilespmem:$0x110];
	v12 =	vmul.f32 $1.442695020e+00, v47;
	[tilespmem:$0x80] =	vst v56;
	v63 =	vpop (erf);
	(erf) = vpow2.f32 v57  }
0x44: {  	v16 =	vld [tilespmem:$0x410];
	v15 =	vmul.f32 $1.442695020e+00, v51;
	[tilespmem:$0x370] =	vst v55;
	v62 =	vsub.f32 $0.0e+00, v59;
	v14 =	vpop (erf);
	(erf) = vpow2.f32 v60  }
0x45: {  	v19 =	vmul.f32 $1.442695020e+00, v54;
	v20 =	vld [tilespmem:$0x120];
	[tilespmem:$0x90] =	vst v63;
	v18 =	vpop (erf);
	(erf) = vpow2.f32 v12  }
0x46: {  	v23 =	vld [tilespmem:$0x420];
	v22 =	vmul.f32 $1.442695020e+00, v58;
	[tilespmem:$0x380] =	vst v62;
	v17 =	vsub.f32 $0.0e+00, v14;
	v21 =	vpop (erf);
	(erf) = vpow2.f32 v15  }
0x47: {  	v26 =	vmul.f32 $1.442695020e+00, v61;
	v27 =	vld [tilespmem:$0x130];
	[tilespmem:$0xA0] =	vst v18;
	v25 =	vpop (erf);
	(erf) = vpow2.f32 v19  }
0x48: {  	v30 =	vld [tilespmem:$0x430];
	v29 =	vmul.f32 $1.442695020e+00, v13;
	[tilespmem:$0x390] =	vst v17;
	v24 =	vsub.f32 $0.0e+00, v21;
	v28 =	vpop (erf);
	(erf) = vpow2.f32 v22  }
0x49: {  	v33 =	vmul.f32 $1.442695020e+00, v16;
	v34 =	vld [tilespmem:$0x140];
	[tilespmem:$0xB0] =	vst v25;
	v32 =	vpop (erf);
	(erf) = vpow2.f32 v26  }
0x4a: {  	v37 =	vld [tilespmem:$0x440];
	v36 =	vmul.f32 $1.442695020e+00, v20;
	[tilespmem:$0x3A0] =	vst v24;
	v31 =	vsub.f32 $0.0e+00, v28;
	v35 =	vpop (erf);
	(erf) = vpow2.f32 v29  }
0x4b: {  	v40 =	vmul.f32 $1.442695020e+00, v23;
	v41 =	vld [tilespmem:$0x150];
	[tilespmem:$0xC0] =	vst v32;
	v39 =	vpop (erf);
	(erf) = vpow2.f32 v33  }
0x4c: {  	v44 =	vld [tilespmem:$0x450];
	v43 =	vmul.f32 $1.442695020e+00, v27;
	[tilespmem:$0x3B0] =	vst v31;
	v38 =	vsub.f32 $0.0e+00, v35;
	v42 =	vpop (erf);
	(erf) = vpow2.f32 v36  }
0x4d: {  	v47 =	vmul.f32 $1.442695020e+00, v30;
	v48 =	vld [tilespmem:$0x160];
	[tilespmem:$0xD0] =	vst v39;
	v46 =	vpop (erf);
	(erf) = vpow2.f32 v40  }
0x4e: {  	v51 =	vld [tilespmem:$0x460];
	v50 =	vmul.f32 $1.442695020e+00, v34;
	[tilespmem:$0x3C0] =	vst v38;
	v45 =	vsub.f32 $0.0e+00, v42;
	v49 =	vpop (erf);
	(erf) = vpow2.f32 v43  }
0x4f: {  	v54 =	vmul.f32 $1.442695020e+00, v37;
	v55 =	vld [tilespmem:$0x170];
	[tilespmem:$0xE0] =	vst v46;
	v53 =	vpop (erf);
	(erf) = vpow2.f32 v47  }
0x50: {  	v58 =	vld [tilespmem:$0x470];
	v57 =	vmul.f32 $1.442695020e+00, v41;
	[tilespmem:$0x3D0] =	vst v45;
	v52 =	vsub.f32 $0.0e+00, v49;
	v56 =	vpop (erf);
	(erf) = vpow2.f32 v50  }
0x51: {  	v61 =	vmul.f32 $1.442695020e+00, v44;
	v62 =	vld [tilespmem:$0x180];
	[tilespmem:$0xF0] =	vst v53;
	v60 =	vpop (erf);
	(erf) = vpow2.f32 v54  }
0x52: {  	v13 =	vld [tilespmem:$0x480];
	v12 =	vmul.f32 $1.442695020e+00, v48;
	[tilespmem:$0x3E0] =	vst v52;
	v59 =	vsub.f32 $0.0e+00, v56;
	v63 =	vpop (erf);
	(erf) = vpow2.f32 v57  }
0x53: {  	v16 =	vmul.f32 $1.442695020e+00, v51;
	v17 =	vld [tilespmem:$0x190];
	[tilespmem:$0x100] =	vst v60;
	v15 =	vpop (erf);
	(erf) = vpow2.f32 v61  }
0x54: {  	v20 =	vld [tilespmem:$0x490];
	v19 =	vmul.f32 $1.442695020e+00, v55;
	[tilespmem:$0x3F0] =	vst v59;
	v14 =	vsub.f32 $0.0e+00, v63;
	v18 =	vpop (erf);
	(erf) = vpow2.f32 v12  }
0x55: {  	v23 =	vmul.f32 $1.442695020e+00, v58;
	v24 =	vld [tilespmem:$0x1A0];
	[tilespmem:$0x110] =	vst v15;
	v22 =	vpop (erf);
	(erf) = vpow2.f32 v16  }
0x56: {  	v27 =	vld [tilespmem:$0x4A0];
	v26 =	vmul.f32 $1.442695020e+00, v62;
	[tilespmem:$0x400] =	vst v14;
	v21 =	vsub.f32 $0.0e+00, v18;
	v25 =	vpop (erf);
	(erf) = vpow2.f32 v19  }
0x57: {  	v30 =	vmul.f32 $1.442695020e+00, v13;
	v31 =	vld [tilespmem:$0x1B0];
	[tilespmem:$0x120] =	vst v22;
	v29 =	vpop (erf);
	(erf) = vpow2.f32 v23  }
0x58: {  	v34 =	vld [tilespmem:$0x4B0];
	v33 =	vmul.f32 $1.442695020e+00, v17;
	[tilespmem:$0x410] =	vst v21;
	v28 =	vsub.f32 $0.0e+00, v25;
	v32 =	vpop (erf);
	(erf) = vpow2.f32 v26  }
0x59: {  	v37 =	vmul.f32 $1.442695020e+00, v20;
	v38 =	vld [tilespmem:$0x1C0];
	[tilespmem:$0x130] =	vst v29;
	v36 =	vpop (erf);
	(erf) = vpow2.f32 v30  }
0x5a: {  	v41 =	vld [tilespmem:$0x4C0];
	v40 =	vmul.f32 $1.442695020e+00, v24;
	[tilespmem:$0x420] =	vst v28;
	v35 =	vsub.f32 $0.0e+00, v32;
	v39 =	vpop (erf);
	(erf) = vpow2.f32 v33  }
0x5b: {  	v44 =	vmul.f32 $1.442695020e+00, v27;
	v45 =	vld [tilespmem:$0x1D0];
	[tilespmem:$0x140] =	vst v36;
	v43 =	vpop (erf);
	(erf) = vpow2.f32 v37  }
0x5c: {  	v48 =	vld [tilespmem:$0x4D0];
	v47 =	vmul.f32 $1.442695020e+00, v31;
	[tilespmem:$0x430] =	vst v35;
	v42 =	vsub.f32 $0.0e+00, v39;
	v46 =	vpop (erf);
	(erf) = vpow2.f32 v40  }
0x5d: {  	v51 =	vmul.f32 $1.442695020e+00, v34;
	v52 =	vld [tilespmem:$0x1E0];
	[tilespmem:$0x150] =	vst v43;
	v50 =	vpop (erf);
	(erf) = vpow2.f32 v44  }
0x5e: {  	v55 =	vld [tilespmem:$0x4E0];
	v54 =	vmul.f32 $1.442695020e+00, v38;
	[tilespmem:$0x440] =	vst v42;
	v49 =	vsub.f32 $0.0e+00, v46;
	v53 =	vpop (erf);
	(erf) = vpow2.f32 v47  }
0x5f: {  	v58 =	vmul.f32 $1.442695020e+00, v41;
	v59 =	vld [tilespmem:$0x1F0];
	[tilespmem:$0x160] =	vst v50;
	v57 =	vpop (erf);
	(erf) = vpow2.f32 v51  }
0x60: {  	v62 =	vld [tilespmem:$0x4F0];
	v61 =	vmul.f32 $1.442695020e+00, v45;
	[tilespmem:$0x450] =	vst v49;
	v56 =	vsub.f32 $0.0e+00, v53;
	v60 =	vpop (erf);
	(erf) = vpow2.f32 v54  }
0x61: {  	v13 =	vmul.f32 $1.442695020e+00, v48;
	v14 =	vld [tilespmem:$0x200];
	[tilespmem:$0x170] =	vst v57;
	v12 =	vpop (erf);
	(erf) = vpow2.f32 v58  }
0x62: {  	v17 =	vld [tilespmem:$0x500];
	v16 =	vmul.f32 $1.442695020e+00, v52;
	[tilespmem:$0x460] =	vst v56;
	v63 =	vsub.f32 $0.0e+00, v60;
	v15 =	vpop (erf);
	(erf) = vpow2.f32 v61  }
0x63: {  	v20 =	vmul.f32 $1.442695020e+00, v55;
	v21 =	vld [tilespmem:$0x210];
	[tilespmem:$0x180] =	vst v12;
	v19 =	vpop (erf);
	(erf) = vpow2.f32 v13  }
0x64: {  	v24 =	vld [tilespmem:$0x510];
	v23 =	vmul.f32 $1.442695020e+00, v59;
	[tilespmem:$0x470] =	vst v63;
	v18 =	vsub.f32 $0.0e+00, v15;
	v22 =	vpop (erf);
	(erf) = vpow2.f32 v16  }
0x65: {  	v27 =	vmul.f32 $1.442695020e+00, v62;
	v28 =	vld [tilespmem:$0x220];
	[tilespmem:$0x190] =	vst v19;
	v26 =	vpop (erf);
	(erf) = vpow2.f32 v20  }
0x66: {  	v31 =	vld [tilespmem:$0x520];
	v30 =	vmul.f32 $1.442695020e+00, v14;
	[tilespmem:$0x480] =	vst v18;
	v25 =	vsub.f32 $0.0e+00, v22;
	v29 =	vpop (erf);
	(erf) = vpow2.f32 v23  }
0x67: {  	v34 =	vmul.f32 $1.442695020e+00, v17;
	v35 =	vld [tilespmem:$0x230];
	[tilespmem:$0x1A0] =	vst v26;
	v33 =	vpop (erf);
	(erf) = vpow2.f32 v27  }
0x68: {  	v38 =	vld [tilespmem:$0x530];
	v37 =	vmul.f32 $1.442695020e+00, v21;
	[tilespmem:$0x490] =	vst v25;
	v32 =	vsub.f32 $0.0e+00, v29;
	v36 =	vpop (erf);
	(erf) = vpow2.f32 v30  }
0x69: {  	v41 =	vmul.f32 $1.442695020e+00, v24;
	v42 =	vld [tilespmem:$0x240];
	[tilespmem:$0x1B0] =	vst v33;
	v40 =	vpop (erf);
	(erf) = vpow2.f32 v34  }
0x6a: {  	v45 =	vld [tilespmem:$0x540];
	v44 =	vmul.f32 $1.442695020e+00, v28;
	[tilespmem:$0x4A0] =	vst v32;
	v39 =	vsub.f32 $0.0e+00, v36;
	v43 =	vpop (erf);
	(erf) = vpow2.f32 v37  }
0x6b: {  	v48 =	vmul.f32 $1.442695020e+00, v31;
	v49 =	vld [tilespmem:$0x250];
	[tilespmem:$0x1C0] =	vst v40;
	v47 =	vpop (erf);
	(erf) = vpow2.f32 v41  }
0x6c: {  	v52 =	vld [tilespmem:$0x550];
	v51 =	vmul.f32 $1.442695020e+00, v35;
	[tilespmem:$0x4B0] =	vst v39;
	v46 =	vsub.f32 $0.0e+00, v43;
	v50 =	vpop (erf);
	(erf) = vpow2.f32 v44  }
0x6d: {  	v55 =	vmul.f32 $1.442695020e+00, v38;
	v56 =	vld [tilespmem:$0x260];
	[tilespmem:$0x1D0] =	vst v47;
	v54 =	vpop (erf);
	(erf) = vpow2.f32 v48  }
0x6e: {  	v59 =	vld [tilespmem:$0x560];
	v58 =	vmul.f32 $1.442695020e+00, v42;
	[tilespmem:$0x4C0] =	vst v46;
	v53 =	vsub.f32 $0.0e+00, v50;
	v57 =	vpop (erf);
	(erf) = vpow2.f32 v51  }
0x6f: {  	v62 =	vmul.f32 $1.442695020e+00, v45;
	v63 =	vld [tilespmem:$0x270];
	[tilespmem:$0x1E0] =	vst v54;
	v61 =	vpop (erf);
	(erf) = vpow2.f32 v55  }
0x70: {  	v14 =	vld [tilespmem:$0x570];
	v13 =	vmul.f32 $1.442695020e+00, v49;
	[tilespmem:$0x4D0] =	vst v53;
	v60 =	vsub.f32 $0.0e+00, v57;
	v12 =	vpop (erf);
	(erf) = vpow2.f32 v58  }
0x71: {  	v17 =	vmul.f32 $1.442695020e+00, v52;
	v18 =	vld [tilespmem:$0x280];
	[tilespmem:$0x1F0] =	vst v61;
	v16 =	vpop (erf);
	(erf) = vpow2.f32 v62  }
0x72: {  	v21 =	vld [tilespmem:$0x580];
	v20 =	vmul.f32 $1.442695020e+00, v56;
	[tilespmem:$0x4E0] =	vst v60;
	v15 =	vsub.f32 $0.0e+00, v12;
	v19 =	vpop (erf);
	(erf) = vpow2.f32 v13  }
0x73: {  	v24 =	vmul.f32 $1.442695020e+00, v59;
	v25 =	vld [tilespmem:$0x290];
	[tilespmem:$0x200] =	vst v16;
	v23 =	vpop (erf);
	(erf) = vpow2.f32 v17  }
0x74: {  	v28 =	vld [tilespmem:$0x590];
	v27 =	vmul.f32 $1.442695020e+00, v63;
	[tilespmem:$0x4F0] =	vst v15;
	v22 =	vsub.f32 $0.0e+00, v19;
	v26 =	vpop (erf);
	(erf) = vpow2.f32 v20  }
0x75: {  	v31 =	vmul.f32 $1.442695020e+00, v14;
	v32 =	vld [tilespmem:$0x2A0];
	[tilespmem:$0x210] =	vst v23;
	v30 =	vpop (erf);
	(erf) = vpow2.f32 v24  }
0x76: {  	v35 =	vld [tilespmem:$0x5A0];
	v34 =	vmul.f32 $1.442695020e+00, v18;
	[tilespmem:$0x500] =	vst v22;
	v29 =	vsub.f32 $0.0e+00, v26;
	v33 =	vpop (erf);
	(erf) = vpow2.f32 v27  }
0x77: {  	v6 =	vmul.f32 $1.442695020e+00, v21;
	[tilespmem:$0x220] =	vst v30;
	v36 =	vpop (erf);
	(erf) = vpow2.f32 v31  }
0x78: {  	v39 =	vmul.f32 $1.442695020e+00, v25;
	[tilespmem:$0x510] =	vst v29;
	v37 =	vsub.f32 $0.0e+00, v33;
	v38 =	vpop (erf);
	(erf) = vpow2.f32 v34  }
0x79: {  	v3 =	vmul.f32 $1.442695020e+00, v28;
	[tilespmem:$0x230] =	vst v36;
	v40 =	vpop (erf);
	(erf) = vpow2.f32 v6  }
0x7a: {  	v43 =	vmul.f32 $1.442695020e+00, v32;
	[tilespmem:$0x520] =	vst v37;
	v41 =	vsub.f32 $0.0e+00, v38;
	v42 =	vpop (erf);
	(erf) = vpow2.f32 v39  }
0x7b: {  	v46 =	vmul.f32 $1.442695020e+00, v35;
	[tilespmem:$0x240] =	vst v40;
	v44 =	vpop (erf);
	(erf) = vpow2.f32 v3  }
0x7c: {  	[tilespmem:$0x530] =	vst v41;
	v45 =	vsub.f32 $0.0e+00, v42;
	v47 =	vpop (erf);
	(erf) = vpow2.f32 v43  }
0x7d: {  	[tilespmem:$0x250] =	vst v44;
	v49 =	vpop (erf);
	(erf) = vpow2.f32 v46  }
0x7e: {  	[tilespmem:$0x540] =	vst v45;
	v48 =	vsub.f32 $0.0e+00, v47;
	v50 =	vpop (erf)  }
0x7f: {  	[tilespmem:$0x260] =	vst v49;
	v51 =	vpop (erf)  }
0x80: {  	[tilespmem:$0x550] =	vst v48;
	v52 =	vsub.f32 $0.0e+00, v50;
	v53 =	vpop (erf)  }
0x81: {  	[tilespmem:$0x270] =	vst v51;
	v54 =	vpop (erf)  }
0x82: {  	[tilespmem:$0x560] =	vst v52;
	v55 =	vsub.f32 $0.0e+00, v53;
	v56 =	vpop (erf)  }
0x83: {  	[tilespmem:$0x280] =	vst v54;
	v57 =	vpop (erf)  }
0x84: {  	[tilespmem:$0x570] =	vst v55;
	v58 =	vsub.f32 $0.0e+00, v56;
	v59 =	vpop (erf)  }
0x85: {  	[tilespmem:$0x290] =	vst v57;
	v60 =	vpop (erf)  }
0x86: {  	[tilespmem:$0x580] =	vst v58;
	v61 =	vsub.f32 $0.0e+00, v59;
	v62 =	vpop (erf)  }
0x87: {  	[tilespmem:$0x2A0] =	vst v60;
	v63 =	vsub.f32 $0.0e+00, v62  }
0x88: {  	[tilespmem:$0x590] =	vst v61  }
0x89: {  	s23 =	simm.s32 $0x0;
	[tilespmem:$0x5A0] =	vst v63  }
.LBB2_2:
0x8a: {  	p0 =	seq.s32 s23, $0x0  }
0x8b: {  	s0 =	simm.s32 @!p0 $0x1  }
0x8c: {  	s24 =	sshll.u32 s23, $0x1;
	s25 =	sshll.u32 s23, $0xB;
	_ =	swait.ge @!p0 [sflag:s0], $0x6800  }
0x8d: {  	s26 =	simm.s32 $0x0;
	p1 =	por $0x0, $0x0;
	[sflag:s0] =	ssyncset.done @!p0 $0x0  }
0x8e: {  	s28 =	simm.s32 $0x0;
	s29 =	simm.s32 $0x0;
	[sflag:s0] =	ssyncadd.s32 @!p0 $0xFFFF9800  }
.LBB2_3:
0x8f: {  	s0 =	sshll.u32 s29, $0x6  }
0x90: {  	s2 =	sand.u32 $0x380, s0  }
0x91: {  	s0 =	sand.u32 $0x40, s0;
	s2 =	sor.u32 s25, s2  }
0x92: {  	s0 =	sor.u32 s0, s2  }
0x93: {  	v0 =	vld [tilespmem:s0+$0x6A00];
	_ =	sdelay $0x4  }
0x94: {  	v7 =	vmul.u32 $0x1A, v0;
	_ =	sdelay $0x1  }
0x95: {  	s21 =	simm.s32 $0x1;
	v0 =	vadd.s32 s26, v7  }
0x96: {  	v1 =	vadd.s32 s21, v7;
	_ =	sdelay $0x2  }
0x97: {  	v6 =	vld [tilespmem:s0+$0x600]  }
0x98: {  	v2 =	vld.idx.msk [tilespmem:v0+s16+$0x0], $0xffff  }
0x99: {  	v3 =	vld.idx.msk [tilespmem:v1+s16+$0x0], $0xffff;
	_ =	sdelay $0x3  }
0x9a: {  	v2 =	vmul.f32 v2, v6  }
0x9b: {  	v3 =	vmul.f32 v3, v6  }
0x9c: {  	v2 =	vmul.f32 $1.442695020e+00, v2  }
0x9d: {  	s17 =	simm.s32 $0x3;
	v3 =	vmul.f32 $1.442695020e+00, v3  }
0x9e: {  	s4 =	simm.s32 $0x2;
	s6 =	sor.u32 $0x10, s0;
	v8 =	vadd.s32 s17, v7;
	(erf) = vpow2.f32 v2  }
0x9f: {  	v5 =	vadd.s32 s4, v7;
	(erf) = vpow2.f32 v3;
	v3 =	vld [tilespmem:s6+$0x6A00];
	_ =	sdelay $0x1  }
0xa0: {  	v9 =	vld.idx.msk [tilespmem:v0+s3+$0x0], $0xffff  }
0xa1: {  	v10 =	vld.idx.msk [tilespmem:v1+s3+$0x0], $0xffff  }
0xa2: {  	v11 =	vld.idx.msk [tilespmem:v8+s16+$0x0], $0xffff  }
0xa3: {  	v4 =	vmul.u32 $0x1A, v3;
	v3 =	vld.idx.msk [tilespmem:v5+s16+$0x0], $0xffff  }
0xa4: {  	v2 =	vld [tilespmem:s6+$0x600];
	s6 =	simm.s32 $0x1  }
0xa5: {  	s7 =	sshll.u32 s28, $0x2;
	s6 =	simm.s32 @!p1 $0x0  }
0xa6: {  	s7 =	sand.u32 $0xFFFFFE00, s7;
	s8 =	sor.u32 $0x20, s0;
	s6 =	sshll.u32 s6, $0x8;
	v13 =	vadd.s32 s21, v4;
	v12 =	vpop (erf)  }
0xa7: {  	v16 =	vld [tilespmem:s8+$0x6A00];
	s6 =	sor.u32 s6, s7;
	v14 =	vadd.s32 s26, v4;
	v15 =	vpop (erf)  }
0xa8: {  	s0 =	sor.u32 $0x30, s0;
	v1 =	vld [tilespmem:s8+$0x600];
	s6 =	sshrl.u32 s6, $0x2;
	v10 =	vmul.f32 v15, v10;
	v3 =	vmul.f32 v3, v6  }
0xa9: {  	v0 =	vld [tilespmem:s0+$0x600];
	v11 =	vmul.f32 v11, v6;
	s30 =	sadd.s32 $0xD200, s6;
	v9 =	vmul.f32 v12, v9  }
0xaa: {  	v15 =	vld [tilespmem:s0+$0x6A00];
	[tilespmem:s30+$0x0] =	vst v10;
	v3 =	vmul.f32 $1.442695020e+00, v3  }
0xab: {  	v11 =	vmul.f32 $1.442695020e+00, v11;
	s7 =	simm.s32 $0x4;
	[tilespmem:s30+$0xFFFFFC00] =	vst v9;
	v9 =	vld.idx.msk [tilespmem:v13+s16+$0x0], $0xffff  }
0xac: {  	s10 =	simm.s32 $0x5;
	v10 =	vadd.s32 s7, v7;
	v12 =	vld.idx.msk [tilespmem:v14+s16+$0x0], $0xffff;
	(erf) = vpow2.f32 v3  }
0xad: {  	(erf) = vpow2.f32 v11;
	v11 =	vadd.s32 s10, v7;
	_ =	sdelay $0x2  }
0xae: {  	v5 =	vld.idx.msk [tilespmem:v5+s3+$0x0], $0xffff;
	v3 =	vmul.f32 v9, v2  }
0xaf: {  	v12 =	vmul.f32 v12, v2;
	v9 =	vld.idx.msk [tilespmem:v10+s16+$0x0], $0xffff  }
0xb0: {  	v3 =	vmul.f32 $1.442695020e+00, v3;
	v17 =	vld.idx.msk [tilespmem:v11+s16+$0x0], $0xffff  }
0xb1: {  	v8 =	vld.idx.msk [tilespmem:v8+s3+$0x0], $0xffff;
	v12 =	vmul.f32 $1.442695020e+00, v12  }
0xb2: {  	(erf) = vpow2.f32 v3  }
0xb3: {  	v18 =	vadd.s32 s4, v4;
	(erf) = vpow2.f32 v12  }
0xb4: {  	v12 =	vadd.s32 s17, v4;
	v9 =	vmul.f32 v9, v6;
	v3 =	vpop (erf)  }
0xb5: {  	v19 =	vpop (erf);
	v17 =	vmul.f32 v17, v6;
	v5 =	vmul.f32 v3, v5  }
0xb6: {  	s31 =	sadd.s32 $0x800, s30;
	v14 =	vld.idx.msk [tilespmem:v14+s3+$0x0], $0xffff;
	v9 =	vmul.f32 $1.442695020e+00, v9;
	v8 =	vmul.f32 v19, v8  }
0xb7: {  	s15 =	simm.s32 $0x6;
	v13 =	vld.idx.msk [tilespmem:v13+s3+$0x0], $0xffff;
	v3 =	vmul.u32 $0x1A, v16;
	[tilespmem:s31+$0xFFFFFC00] =	vst v5  }
0xb8: {  	v19 =	vadd.s32 s15, v7;
	(erf) = vpow2.f32 v9;
	[tilespmem:s31+$0x0] =	vst v8;
	v8 =	vmul.f32 $1.442695020e+00, v17;
	v9 =	vld.idx.msk [tilespmem:v18+s16+$0x0], $0xffff  }
0xb9: {  	v5 =	vld.idx.msk [tilespmem:v12+s16+$0x0], $0xffff  }
0xba: {  	v16 =	vadd.s32 s21, v3;
	(erf) = vpow2.f32 v8  }
0xbb: {  	s8 =	simm.s32 $0x7;
	v8 =	vadd.s32 s26, v3;
	v17 =	vpop (erf)  }
0xbc: {  	v21 =	vadd.s32 s8, v7;
	v10 =	vld.idx.msk [tilespmem:v10+s3+$0x0], $0xffff;
	v13 =	vmul.f32 v17, v13;
	v17 =	vpop (erf)  }
0xbd: {  	v20 =	vld.idx.msk [tilespmem:v19+s16+$0x0], $0xffff;
	v14 =	vmul.f32 v17, v14;
	v9 =	vmul.f32 v9, v2  }
0xbe: {  	v11 =	vld.idx.msk [tilespmem:v11+s3+$0x0], $0xffff;
	v5 =	vmul.f32 v5, v2;
	[tilespmem:s30+$0x10] =	vst v13  }
0xbf: {  	[tilespmem:s30+$0xFFFFFC10] =	vst v14;
	v13 =	vld.idx.msk [tilespmem:v16+s16+$0x0], $0xffff;
	v9 =	vmul.f32 $1.442695020e+00, v9  }
0xc0: {  	v5 =	vmul.f32 $1.442695020e+00, v5;
	v14 =	vld.idx.msk [tilespmem:v8+s16+$0x0], $0xffff  }
0xc1: {  	v17 =	vld.idx.msk [tilespmem:v21+s16+$0x0], $0xffff  }
0xc2: {  	v20 =	vmul.f32 v20, v6;
	v22 =	vpop (erf);
	(erf) = vpow2.f32 v5  }
0xc3: {  	v23 =	vadd.s32 s10, v4;
	v10 =	vmul.f32 v22, v10;
	(erf) = vpow2.f32 v9;
	v9 =	vpop (erf)  }
0xc4: {  	v5 =	vmul.f32 $1.442695020e+00, v20;
	v20 =	vadd.s32 s7, v4;
	v9 =	vmul.f32 v9, v11  }
0xc5: {  	v12 =	vld.idx.msk [tilespmem:v12+s3+$0x0], $0xffff;
	v11 =	vmul.f32 v13, v1;
	v14 =	vmul.f32 v14, v1  }
0xc6: {  	s13 =	simm.s32 $0x8;
	s0 =	sadd.s32 $0x800, s31;
	v16 =	vld.idx.msk [tilespmem:v16+s3+$0x0], $0xffff;
	v17 =	vmul.f32 v17, v6;
	(erf) = vpow2.f32 v5  }
0xc7: {  	v13 =	vld.idx.msk [tilespmem:v18+s3+$0x0], $0xffff;
	v18 =	vadd.s32 s13, v7;
	v11 =	vmul.f32 $1.442695020e+00, v11;
	[tilespmem:s0+$0x0] =	vst v9;
	v5 =	vmul.f32 $1.442695020e+00, v14  }
0xc8: {  	s6 =	simm.s32 $0x9;
	[tilespmem:s0+$0xFFFFFC00] =	vst v10;
	v9 =	vld.idx.msk [tilespmem:v23+s16+$0x0], $0xffff  }
0xc9: {  	v22 =	vadd.s32 s6, v7;
	v10 =	vmul.f32 $1.442695020e+00, v17;
	(erf) = vpow2.f32 v11;
	v11 =	vld.idx.msk [tilespmem:v20+s16+$0x0], $0xffff  }
0xca: {  	v14 =	vld.idx.msk [tilespmem:v19+s3+$0x0], $0xffff;
	v19 =	vadd.s32 s17, v3;
	(erf) = vpow2.f32 v5  }
0xcb: {  	(erf) = vpow2.f32 v10;
	v10 =	vld.idx.msk [tilespmem:v20+s3+$0x0], $0xffff;
	v5 =	vpop (erf)  }
0xcc: {  	v17 =	vadd.s32 s4, v3;
	v20 =	vld.idx.msk [tilespmem:v18+s16+$0x0], $0xffff;
	v12 =	vmul.f32 v5, v12  }
0xcd: {  	v8 =	vld.idx.msk [tilespmem:v8+s3+$0x0], $0xffff;
	v5 =	vpop (erf);
	v9 =	vmul.f32 v9, v2  }
0xce: {  	v25 =	vld.idx.msk [tilespmem:v22+s16+$0x0], $0xffff;
	v13 =	vmul.f32 v5, v13;
	v11 =	vmul.f32 v11, v2;
	[tilespmem:s31+$0x10] =	vst v12  }
0xcf: {  	v9 =	vmul.f32 $1.442695020e+00, v9;
	v12 =	vld.idx.msk [tilespmem:v19+s16+$0x0], $0xffff  }
0xd0: {  	v5 =	vmul.u32 $0x1A, v15;
	v15 =	vld.idx.msk [tilespmem:v21+s3+$0x0], $0xffff;
	[tilespmem:s31+$0xFFFFFC10] =	vst v13;
	v11 =	vmul.f32 $1.442695020e+00, v11  }
0xd1: {  	v21 =	vpop (erf);
	v20 =	vmul.f32 v20, v6;
	v13 =	vld.idx.msk [tilespmem:v17+s16+$0x0], $0xffff;
	(erf) = vpow2.f32 v9  }
0xd2: {  	v24 =	vadd.s32 s21, v5;
	v26 =	vpop (erf);
	(erf) = vpow2.f32 v11  }
0xd3: {  	v9 =	vadd.s32 s26, v5;
	v27 =	vld.idx.msk [tilespmem:v17+s3+$0x0], $0xffff;
	v17 =	vmul.f32 $1.442695020e+00, v20;
	v11 =	vmul.f32 v26, v16;
	v16 =	vpop (erf)  }
0xd4: {  	v28 =	vadd.s32 s8, v4;
	v8 =	vmul.f32 v16, v8;
	v12 =	vmul.f32 v12, v1  }
0xd5: {  	v18 =	vld.idx.msk [tilespmem:v18+s3+$0x0], $0xffff;
	v20 =	vadd.s32 s15, v4;
	v26 =	vpop (erf);
	[tilespmem:s30+$0x20] =	vst v11;
	v11 =	vmul.f32 v21, v14;
	v21 =	vmul.f32 v25, v6  }
0xd6: {  	v16 =	vld.idx.msk [tilespmem:v23+s3+$0x0], $0xffff;
	v15 =	vmul.f32 v26, v15;
	v13 =	vmul.f32 v13, v1  }
0xd7: {  	s2 =	sadd.s32 $0x800, s0;
	[tilespmem:s30+$0xFFFFFC20] =	vst v8;
	v8 =	vld.idx.msk [tilespmem:v24+s16+$0x0], $0xffff;
	v12 =	vmul.f32 $1.442695020e+00, v12;
	v21 =	vmul.f32 $1.442695020e+00, v21  }
0xd8: {  	s12 =	simm.s32 $0xA;
	(erf) = vpow2.f32 v17;
	[tilespmem:s2+$0x0] =	vst v15;
	v15 =	vld.idx.msk [tilespmem:v9+s16+$0x0], $0xffff;
	v23 =	vmul.f32 $1.442695020e+00, v13  }
0xd9: {  	v14 =	vadd.s32 s12, v7;
	[tilespmem:s2+$0xFFFFFC00] =	vst v11;
	v11 =	vld.idx.msk [tilespmem:v28+s16+$0x0], $0xffff;
	(erf) = vpow2.f32 v12  }
0xda: {  	v25 =	vld.idx.msk [tilespmem:v20+s16+$0x0], $0xffff;
	v13 =	vadd.s32 s10, v3;
	(erf) = vpow2.f32 v23  }
0xdb: {  	s9 =	simm.s32 $0xB;
	v19 =	vld.idx.msk [tilespmem:v19+s3+$0x0], $0xffff;
	(erf) = vpow2.f32 v21;
	v21 =	vpop (erf)  }
0xdc: {  	v29 =	vld.idx.msk [tilespmem:v9+s3+$0x0], $0xffff;
	v12 =	vadd.s32 s9, v7;
	v8 =	vmul.f32 v8, v0;
	v16 =	vmul.f32 v21, v16;
	v21 =	vpop (erf)  }
0xdd: {  	v17 =	vld.idx.msk [tilespmem:v20+s3+$0x0], $0xffff;
	v20 =	vadd.s32 s7, v3;
	v15 =	vmul.f32 v15, v0;
	v10 =	vmul.f32 v21, v10  }
0xde: {  	v9 =	vld.idx.msk [tilespmem:v14+s16+$0x0], $0xffff;
	v11 =	vmul.f32 v11, v2;
	v8 =	vmul.f32 $1.442695020e+00, v8;
	[tilespmem:s0+$0x10] =	vst v16  }
0xdf: {  	v16 =	vmul.f32 v25, v2;
	v15 =	vmul.f32 $1.442695020e+00, v15;
	[tilespmem:s0+$0xFFFFFC10] =	vst v10;
	v10 =	vld.idx.msk [tilespmem:v13+s16+$0x0], $0xffff  }
0xe0: {  	v21 =	vld.idx.msk [tilespmem:v22+s3+$0x0], $0xffff;
	v11 =	vmul.f32 $1.442695020e+00, v11;
	(erf) = vpow2.f32 v8  }
0xe1: {  	v25 =	vld.idx.msk [tilespmem:v12+s16+$0x0], $0xffff;
	v22 =	vmul.f32 $1.442695020e+00, v16;
	(erf) = vpow2.f32 v15  }
0xe2: {  	v26 =	vpop (erf);
	v8 =	vadd.s32 s17, v5;
	v23 =	vld.idx.msk [tilespmem:v20+s16+$0x0], $0xffff;
	(erf) = vpow2.f32 v11  }
0xe3: {  	v30 =	vadd.s32 s13, v4;
	v18 =	vmul.f32 v26, v18;
	v16 =	vld.idx.msk [tilespmem:v20+s3+$0x0], $0xffff;
	v20 =	vpop (erf);
	(erf) = vpow2.f32 v22  }
0xe4: {  	v15 =	vld.idx.msk [tilespmem:v14+s3+$0x0], $0xffff;
	v11 =	vadd.s32 s4, v5;
	v19 =	vmul.f32 v20, v19;
	v20 =	vpop (erf);
	v10 =	vmul.f32 v10, v1  }
0xe5: {  	v9 =	vmul.f32 v9, v6;
	v14 =	vadd.s32 s6, v4;
	v22 =	vpop (erf);
	v20 =	vmul.f32 v20, v27;
	v27 =	vld.idx.msk [tilespmem:v24+s3+$0x0], $0xffff  }
0xe6: {  	s4 =	sadd.s32 $0x800, s2;
	v21 =	vmul.f32 v22, v21;
	v22 =	vld.idx.msk [tilespmem:v28+s3+$0x0], $0xffff;
	[tilespmem:s31+$0x20] =	vst v19;
	v10 =	vmul.f32 $1.442695020e+00, v10  }
0xe7: {  	s21 =	simm.s32 $0xC;
	v9 =	vmul.f32 $1.442695020e+00, v9;
	[tilespmem:s4+$0xFFFFFC00] =	vst v18;
	v19 =	vmul.f32 v23, v1;
	v23 =	vld.idx.msk [tilespmem:v8+s16+$0x0], $0xffff  }
0xe8: {  	v18 =	vadd.s32 s21, v7;
	[tilespmem:s31+$0xFFFFFC20] =	vst v20;
	v20 =	vmul.f32 v25, v6;
	v25 =	vld.idx.msk [tilespmem:v30+s16+$0x0], $0xffff  }
0xe9: {  	(erf) = vpow2.f32 v9;
	[tilespmem:s4+$0x0] =	vst v21;
	v26 =	vld.idx.msk [tilespmem:v11+s16+$0x0], $0xffff;
	v9 =	vmul.f32 $1.442695020e+00, v19  }
0xea: {  	v24 =	vld.idx.msk [tilespmem:v14+s16+$0x0], $0xffff;
	v21 =	vmul.f32 $1.442695020e+00, v20;
	(erf) = vpow2.f32 v10;
	v10 =	vpop (erf)  }
0xeb: {  	v19 =	vld.idx.msk [tilespmem:v30+s3+$0x0], $0xffff;
	v20 =	vadd.s32 s8, v3;
	(erf) = vpow2.f32 v9;
	v10 =	vmul.f32 v10, v27;
	v28 =	vpop (erf)  }
0xec: {  	s14 =	simm.s32 $0xE;
	s17 =	simm.s32 $0xD;
	v9 =	vld.idx.msk [tilespmem:v11+s3+$0x0], $0xffff;
	(erf) = vpow2.f32 v21;
	v21 =	vadd.s32 s15, v3;
	v27 =	vpop (erf);
	v11 =	vmul.f32 v28, v29  }
.LBB2_4:
0xed: {  	p2 =	slt.u32 s14, $0x18;
	v28 =	vld.idx.msk [tilespmem:v18+s16+$0x0], $0xffff;
	v29 =	vadd.s32 s17, v7;
	v22 =	vmul.f32 v27, v22;
	v27 =	vpop (erf);
	v23 =	vmul.f32 v23, v0;
	[tilespmem:s30+$0x30] =	vst v10  }
0xee: {  	v26 =	vmul.f32 v26, v0;
	v10 =	vmul.f32 v27, v17;
	v27 =	vld.idx.msk [tilespmem:v13+s3+$0x0], $0xffff;
	[tilespmem:s30+$0xFFFFFC30] =	vst v11;
	v13 =	vmov v20;
	s30 =	smov.u32 s31;
	s31 =	smov.u32 s0;
	s0 =	smov.u32 s2  }
0xef: {  	v24 =	vmul.f32 v24, v2;
	s2 =	smov.u32 s4;
	v11 =	vld.idx.msk [tilespmem:v12+s3+$0x0], $0xffff;
	[tilespmem:s0+$0x10] =	vst v22;
	v22 =	vmul.f32 $1.442695020e+00, v23;
	v12 =	vmov v29  }
0xf0: {  	v23 =	vmul.f32 v25, v2;
	[tilespmem:s0+$0xFFFFFC10] =	vst v10;
	v10 =	vld.idx.msk [tilespmem:v20+s16+$0x0], $0xffff;
	v20 =	vmul.f32 $1.442695020e+00, v26  }
0xf1: {  	v30 =	vmul.f32 $1.442695020e+00, v24;
	v17 =	vmov v19;
	v25 =	vld.idx.msk [tilespmem:v21+s16+$0x0], $0xffff;
	(erf) = vpow2.f32 v22  }
0xf2: {  	v31 =	vmul.f32 $1.442695020e+00, v23;
	v23 =	vadd.s32 s10, v5;
	s10 =	smov.u32 s8;
	s8 =	smov.u32 s6;
	s6 =	smov.u32 s9;
	v19 =	vld.idx.msk [tilespmem:v29+s16+$0x0], $0xffff;
	v26 =	vpop (erf);
	(erf) = vpow2.f32 v20  }
0xf3: {  	s9 =	smov.u32 s17;
	v20 =	vmul.f32 v28, v6;
	v28 =	vadd.s32 s7, v5;
	s7 =	smov.u32 s15;
	s15 =	smov.u32 s13;
	(erf) = vpow2.f32 v30;
	v21 =	vld.idx.msk [tilespmem:v21+s3+$0x0], $0xffff;
	v24 =	vpop (erf)  }
0xf4: {  	s13 =	smov.u32 s12;
	s12 =	smov.u32 s21;
	s21 =	smov.u32 s14;
	v30 =	vadd.s32 s6, v4;
	v29 =	vld.idx.msk [tilespmem:v18+s3+$0x0], $0xffff;
	(erf) = vpow2.f32 v31;
	v18 =	vmul.f32 v24, v27;
	v22 =	vpop (erf)  }
0xf5: {  	v20 =	vmul.f32 $1.442695020e+00, v20;
	v27 =	vadd.s32 s13, v4;
	v24 =	vpop (erf);
	v16 =	vmul.f32 v22, v16;
	v31 =	vld.idx.msk [tilespmem:v8+s3+$0x0], $0xffff  }
0xf6: {  	v10 =	vmul.f32 v10, v1;
	v8 =	vmov v23;
	v11 =	vmul.f32 v24, v11;
	v22 =	vld.idx.msk [tilespmem:v14+s3+$0x0], $0xffff;
	[tilespmem:s31+$0x20] =	vst v18  }
0xf7: {  	s4 =	sadd.s32 $0x800, s4;
	v33 =	vmul.f32 v26, v15;
	v25 =	vmul.f32 v25, v1;
	v14 =	vmov v30;
	[tilespmem:s31+$0xFFFFFC20] =	vst v16;
	v23 =	vld.idx.msk [tilespmem:v23+s16+$0x0], $0xffff  }
.Ltmp0:
0xf8: {  	v18 =	vadd.s32 s14, v7;
	v19 =	vmul.f32 v19, v6;
	v32 =	vmul.f32 $1.442695020e+00, v10;
	[tilespmem:s4+$0x0] =	vst v11;
	v26 =	vld.idx.msk [tilespmem:v28+s16+$0x0], $0xffff;
	(pc) =	sbr.rel @p2 .LBB2_4-.Ltmp0, $4  }
0xf9: {  	(erf) = vpow2.f32 v20;
	[tilespmem:s4+$0xFFFFFC00] =	vst v33;
	v24 =	vld.idx.msk [tilespmem:v30+s16+$0x0], $0xffff;
	v30 =	vmul.f32 $1.442695020e+00, v25;
	v16 =	vmov v21  }
0xfa: {  	v21 =	vmul.f32 $1.442695020e+00, v19;
	v15 =	vmov v29;
	v25 =	vld.idx.msk [tilespmem:v27+s16+$0x0], $0xffff;
	(erf) = vpow2.f32 v32;
	v10 =	vpop (erf)  }
0xfb: {  	v20 =	vadd.s32 s8, v3;
	v19 =	vld.idx.msk [tilespmem:v27+s3+$0x0], $0xffff;
	(erf) = vpow2.f32 v30;
	v10 =	vmul.f32 v10, v31;
	v11 =	vpop (erf)  }
0xfc: {  	s17 =	sadd.s32 $0x1, s21;
	s14 =	sadd.s32 $0x2, s14;
	(erf) = vpow2.f32 v21;
	v21 =	vadd.s32 s15, v3;
	v27 =	vpop (erf);
	v11 =	vmul.f32 v11, v9;
	v9 =	vld.idx.msk [tilespmem:v28+s3+$0x0], $0xffff  }
0xfd: {  	_ =	sdelay $0x2  }
0xfe: {  	v54 =	vmul.f32 v27, v22  }
0xff: {  	v28 =	vadd.s32 s17, v7;
	v55 =	vpop (erf);
	v23 =	vmul.f32 v23, v0;
	v56 =	vld.idx.msk [tilespmem:v18+s16+$0x0], $0xffff;
	v57 =	vmul.f32 v26, v0  }
0x100: {  	v17 =	vmul.f32 v55, v17;
	v24 =	vmul.f32 v24, v2  }
0x101: {  	v13 =	vld.idx.msk [tilespmem:v13+s3+$0x0], $0xffff;
	[tilespmem:s2+$0x10] =	vst v54;
	v58 =	vmul.f32 $1.442695020e+00, v23;
	v59 =	vmul.f32 v25, v2  }
0x102: {  	v22 =	vmul.f32 $1.442695020e+00, v57;
	[tilespmem:s2+$0xFFFFFC10] =	vst v17;
	v60 =	vld.idx.msk [tilespmem:v20+s16+$0x0], $0xffff;
	v24 =	vmul.f32 $1.442695020e+00, v24  }
0x103: {  	v61 =	vld.idx.msk [tilespmem:v21+s16+$0x0], $0xffff;
	(erf) = vpow2.f32 v58;
	v63 =	vmul.f32 $1.442695020e+00, v59  }
0x104: {  	v62 =	vld.idx.msk [tilespmem:v28+s16+$0x0], $0xffff;
	(erf) = vpow2.f32 v22;
	v29 =	vpop (erf);
	v30 =	vmul.f32 v56, v6  }
0x105: {  	v12 =	vld.idx.msk [tilespmem:v12+s3+$0x0], $0xffff;
	(erf) = vpow2.f32 v24;
	v15 =	vmul.f32 v29, v15  }
0x106: {  	v31 =	vpop (erf);
	(erf) = vpow2.f32 v63;
	v23 =	vmul.f32 $1.442695020e+00, v30  }
0x107: {  	v13 =	vmul.f32 v31, v13;
	v17 =	vmul.f32 v60, v1  }
0x108: {  	v36 =	vpop (erf);
	v32 =	vmul.f32 v61, v1;
	(erf) = vpow2.f32 v23  }
0x109: {  	v41 =	vadd.s32 s12, v4;
	v38 =	vpop (erf);
	v33 =	vmul.f32 v62, v6;
	v17 =	vmul.f32 $1.442695020e+00, v17  }
0x10a: {  	v7 =	vadd.s32 s10, v5;
	v14 =	vld.idx.msk [tilespmem:v14+s3+$0x0], $0xffff;
	v12 =	vmul.f32 v38, v12;
	v34 =	vmul.f32 $1.442695020e+00, v32  }
0x10b: {  	v35 =	vadd.s32 s9, v4;
	s14 =	sadd.s32 $0x800, s4;
	v52 =	vld.idx.msk [tilespmem:v18+s3+$0x0], $0xffff;
	v37 =	vmul.f32 $1.442695020e+00, v33;
	(erf) = vpow2.f32 v17  }
0x10c: {  	v46 =	vld.idx.msk [tilespmem:v20+s3+$0x0], $0xffff;
	[tilespmem:s14+$0xFFFFFC00] =	vst v15;
	v6 =	vadd.s32 s7, v5;
	(erf) = vpow2.f32 v34  }
0x10d: {  	v40 =	vld.idx.msk [tilespmem:v21+s3+$0x0], $0xffff;
	[tilespmem:s0+$0x20] =	vst v13;
	(erf) = vpow2.f32 v37  }
0x10e: {  	v16 =	vmul.f32 v36, v16;
	v49 =	vld.idx.msk [tilespmem:v41+s16+$0x0], $0xffff;
	[tilespmem:s14+$0x0] =	vst v12;
	v12 =	vpop (erf)  }
0x10f: {  	v39 =	vld.idx.msk [tilespmem:v7+s16+$0x0], $0xffff;
	v13 =	vpop (erf)  }
0x110: {  	v43 =	vadd.s32 s6, v3;
	[tilespmem:s0+$0xFFFFFC20] =	vst v16;
	v42 =	vld.idx.msk [tilespmem:v35+s16+$0x0], $0xffff;
	v45 =	vpop (erf)  }
0x111: {  	v44 =	vadd.s32 s13, v3;
	v16 =	vld.idx.msk [tilespmem:v6+s16+$0x0], $0xffff;
	v14 =	vmul.f32 v45, v14;
	v47 =	vpop (erf)  }
0x112: {  	v48 =	vld.idx.msk [tilespmem:v28+s3+$0x0], $0xffff;
	v56 =	vadd.s32 s21, v4;
	v15 =	vmul.f32 v47, v19  }
0x113: {  	v57 =	vmul.f32 v49, v2;
	v51 =	vpop (erf);
	[tilespmem:s4+$0x10] =	vst v14;
	v14 =	vadd.s32 s8, v5  }
0x114: {  	v25 =	vmul.f32 v39, v0;
	[tilespmem:s4+$0xFFFFFC10] =	vst v15;
	v15 =	vadd.s32 s15, v5;
	v18 =	vmul.f32 v51, v52;
	v29 =	vpop (erf)  }
0x115: {  	v54 =	vadd.s32 s17, v4;
	v22 =	vmul.f32 v42, v2;
	v30 =	vld.idx.msk [tilespmem:v43+s16+$0x0], $0xffff;
	s15 =	sadd.s32 $0x800, s14;
	v53 =	vpop (erf);
	v20 =	vmul.f32 v29, v46  }
0x116: {  	v16 =	vmul.f32 v16, v0;
	v31 =	vld.idx.msk [tilespmem:v44+s16+$0x0], $0xffff;
	[tilespmem:s15+$0xFFFFFC00] =	vst v18;
	v17 =	vmul.f32 v53, v40;
	v55 =	vpop (erf)  }
0x117: {  	v50 =	vmul.f32 $1.442695020e+00, v25;
	v28 =	vld.idx.msk [tilespmem:v56+s16+$0x0], $0xffff;
	v19 =	vmul.f32 v55, v48;
	[tilespmem:s2+$0x20] =	vst v20  }
0x118: {  	v22 =	vmul.f32 $1.442695020e+00, v22;
	v16 =	vmul.f32 $1.442695020e+00, v16;
	[tilespmem:s2+$0xFFFFFC20] =	vst v17;
	v58 =	vld.idx.msk [tilespmem:v14+s16+$0x0], $0xffff  }
0x119: {  	(erf) = vpow2.f32 v50;
	v20 =	vmul.f32 $1.442695020e+00, v57;
	[tilespmem:s15+$0x0] =	vst v19;
	v60 =	vld.idx.msk [tilespmem:v15+s16+$0x0], $0xffff  }
0x11a: {  	v59 =	vmul.f32 v30, v1;
	(erf) = vpow2.f32 v16;
	v62 =	vld.idx.msk [tilespmem:v54+s16+$0x0], $0xffff  }
0x11b: {  	v61 =	vmul.f32 v31, v1;
	(erf) = vpow2.f32 v22  }
0x11c: {  	v63 =	vmul.f32 $1.442695020e+00, v59;
	(erf) = vpow2.f32 v20  }
0x11d: {  	v16 =	vmul.f32 $1.442695020e+00, v61;
	v31 =	vmul.f32 v28, v2  }
0x11e: {  	(erf) = vpow2.f32 v63;
	v17 =	vmul.f32 v58, v0  }
0x11f: {  	v30 =	vmul.f32 v60, v0;
	v18 =	vmul.f32 v62, v2  }
0x120: {  	(erf) = vpow2.f32 v16;
	v17 =	vmul.f32 $1.442695020e+00, v17  }
0x121: {  	v16 =	vmul.f32 $1.442695020e+00, v30;
	v18 =	vmul.f32 $1.442695020e+00, v18  }
0x122: {  	v2 =	vmul.f32 $1.442695020e+00, v31;
	(erf) = vpow2.f32 v17  }
0x123: {  	v32 =	vld.idx.msk [tilespmem:v35+s3+$0x0], $0xffff;
	(erf) = vpow2.f32 v16  }
0x124: {  	v33 =	vld.idx.msk [tilespmem:v41+s3+$0x0], $0xffff;
	(erf) = vpow2.f32 v18  }
0x125: {  	v18 =	vpop (erf);
	(erf) = vpow2.f32 v2  }
0x126: {  	v34 =	vadd.s32 s9, v3;
	v2 =	vpop (erf)  }
0x127: {  	v36 =	vadd.s32 s12, v3;
	v37 =	vld.idx.msk [tilespmem:v43+s3+$0x0], $0xffff;
	v35 =	vpop (erf)  }
0x128: {  	v39 =	vld.idx.msk [tilespmem:v44+s3+$0x0], $0xffff;
	v38 =	vpop (erf);
	v17 =	vmul.f32 v35, v32  }
0x129: {  	v41 =	vld.idx.msk [tilespmem:v54+s3+$0x0], $0xffff;
	v16 =	vmul.f32 v38, v33;
	v40 =	vpop (erf)  }
0x12a: {  	v4 =	vld.idx.msk [tilespmem:v56+s3+$0x0], $0xffff;
	[tilespmem:s14+$0x10] =	vst v17;
	v17 =	vadd.s32 s6, v5;
	v42 =	vpop (erf)  }
0x12b: {  	v26 =	vadd.s32 s13, v5;
	[tilespmem:s14+$0xFFFFFC10] =	vst v16;
	v43 =	vld.idx.msk [tilespmem:v34+s16+$0x0], $0xffff;
	v27 =	vpop (erf)  }
0x12c: {  	v45 =	vadd.s32 s17, v3;
	v20 =	vmul.f32 v40, v37;
	v44 =	vld.idx.msk [tilespmem:v36+s16+$0x0], $0xffff;
	v29 =	vpop (erf)  }
0x12d: {  	v46 =	vadd.s32 s21, v3;
	v24 =	vmul.f32 v42, v39;
	v47 =	vpop (erf)  }
0x12e: {  	[tilespmem:s4+$0x20] =	vst v20;
	v48 =	vmul.f32 v47, v41;
	v49 =	vpop (erf)  }
0x12f: {  	[tilespmem:s4+$0xFFFFFC20] =	vst v24;
	v50 =	vld.idx.msk [tilespmem:v17+s16+$0x0], $0xffff;
	v4 =	vmul.f32 v49, v4  }
0x130: {  	v51 =	vld.idx.msk [tilespmem:v26+s16+$0x0], $0xffff;
	v16 =	vmul.f32 v43, v1;
	[tilespmem:s15+$0x10] =	vst v48  }
0x131: {  	v52 =	vmul.f32 v44, v1;
	[tilespmem:s15+$0xFFFFFC10] =	vst v4;
	v53 =	vld.idx.msk [tilespmem:v45+s16+$0x0], $0xffff  }
0x132: {  	v16 =	vmul.f32 $1.442695020e+00, v16;
	v54 =	vld.idx.msk [tilespmem:v46+s16+$0x0], $0xffff  }
0x133: {  	v20 =	vmul.f32 $1.442695020e+00, v52  }
0x134: {  	(erf) = vpow2.f32 v16;
	v55 =	vmul.f32 v50, v0  }
0x135: {  	v56 =	vmul.f32 v51, v0;
	(erf) = vpow2.f32 v20  }
0x136: {  	v16 =	vmul.f32 $1.442695020e+00, v55;
	v4 =	vmul.f32 v53, v1  }
0x137: {  	v20 =	vmul.f32 $1.442695020e+00, v56;
	v57 =	vmul.f32 v54, v1  }
0x138: {  	(erf) = vpow2.f32 v16;
	v4 =	vmul.f32 $1.442695020e+00, v4  }
0x139: {  	(erf) = vpow2.f32 v20;
	v1 =	vmul.f32 $1.442695020e+00, v57  }
0x13a: {  	(erf) = vpow2.f32 v4  }
0x13b: {  	(erf) = vpow2.f32 v1;
	_ =	sdelay $0x1  }
0x13c: {  	v58 =	vld.idx.msk [tilespmem:v34+s3+$0x0], $0xffff  }
0x13d: {  	v59 =	vld.idx.msk [tilespmem:v36+s3+$0x0], $0xffff  }
0x13e: {  	v61 =	vld.idx.msk [tilespmem:v45+s3+$0x0], $0xffff;
	v60 =	vpop (erf)  }
0x13f: {  	v62 =	vadd.s32 s9, v5;
	v3 =	vld.idx.msk [tilespmem:v46+s3+$0x0], $0xffff;
	v63 =	vpop (erf)  }
0x140: {  	v28 =	vadd.s32 s12, v5;
	v30 =	vpop (erf)  }
0x141: {  	v32 =	vadd.s32 s17, v5;
	v1 =	vmul.f32 v60, v58;
	v31 =	vpop (erf)  }
0x142: {  	v33 =	vadd.s32 s21, v5;
	v4 =	vmul.f32 v63, v59;
	v34 =	vpop (erf)  }
0x143: {  	[tilespmem:s14+$0x20] =	vst v1;
	v35 =	vmul.f32 v34, v61;
	v36 =	vpop (erf)  }
0x144: {  	[tilespmem:s14+$0xFFFFFC20] =	vst v4;
	v37 =	vld.idx.msk [tilespmem:v62+s16+$0x0], $0xffff;
	v3 =	vmul.f32 v36, v3  }
0x145: {  	v38 =	vld.idx.msk [tilespmem:v28+s16+$0x0], $0xffff;
	[tilespmem:s15+$0x20] =	vst v35  }
0x146: {  	[tilespmem:s15+$0xFFFFFC20] =	vst v3;
	v1 =	vld.idx.msk [tilespmem:v32+s16+$0x0], $0xffff  }
0x147: {  	v3 =	vld.idx.msk [tilespmem:v33+s16+$0x0], $0xffff;
	_ =	sdelay $0x1  }
0x148: {  	v4 =	vmul.f32 v37, v0  }
0x149: {  	v8 =	vld.idx.msk [tilespmem:v8+s3+$0x0], $0xffff;
	v19 =	vmul.f32 v38, v0  }
0x14a: {  	v40 =	vld.idx.msk [tilespmem:v6+s3+$0x0], $0xffff;
	v4 =	vmul.f32 $1.442695020e+00, v4;
	v1 =	vmul.f32 v1, v0  }
0x14b: {  	v19 =	vmul.f32 $1.442695020e+00, v19;
	v39 =	vmul.f32 v3, v0  }
0x14c: {  	v7 =	vld.idx.msk [tilespmem:v7+s3+$0x0], $0xffff;
	(erf) = vpow2.f32 v4;
	v1 =	vmul.f32 $1.442695020e+00, v1  }
0x14d: {  	v41 =	vld.idx.msk [tilespmem:v14+s3+$0x0], $0xffff;
	(erf) = vpow2.f32 v19;
	v0 =	vmul.f32 $1.442695020e+00, v39  }
0x14e: {  	[tilespmem:s30+$0x30] =	vst v10;
	v42 =	vmul.f32 v12, v8;
	v43 =	vld.idx.msk [tilespmem:v15+s3+$0x0], $0xffff;
	(erf) = vpow2.f32 v1  }
0x14f: {  	[tilespmem:s30+$0xFFFFFC30] =	vst v11;
	v48 =	vmul.f32 v2, v40;
	v45 =	vld.idx.msk [tilespmem:v17+s3+$0x0], $0xffff;
	(erf) = vpow2.f32 v0  }
0x150: {  	[tilespmem:s31+$0x30] =	vst v42;
	v47 =	vld.idx.msk [tilespmem:v26+s3+$0x0], $0xffff;
	v44 =	vmul.f32 v13, v9  }
0x151: {  	v46 =	vmul.f32 v18, v7;
	[tilespmem:s0+$0xFFFFFC30] =	vst v48;
	v49 =	vld.idx.msk [tilespmem:v62+s3+$0x0], $0xffff  }
0x152: {  	[tilespmem:s31+$0xFFFFFC30] =	vst v44;
	v50 =	vmul.f32 v27, v41;
	v51 =	vld.idx.msk [tilespmem:v28+s3+$0x0], $0xffff  }
0x153: {  	[tilespmem:s0+$0x30] =	vst v46;
	v52 =	vmul.f32 v29, v43;
	v53 =	vld.idx.msk [tilespmem:v32+s3+$0x0], $0xffff  }
0x154: {  	[tilespmem:s2+$0x30] =	vst v50;
	v54 =	vmul.f32 v30, v45;
	v5 =	vld.idx.msk [tilespmem:v33+s3+$0x0], $0xffff  }
0x155: {  	s29 =	sadd.s32 $0x1, s29;
	[tilespmem:s2+$0xFFFFFC30] =	vst v52;
	v55 =	vmul.f32 v31, v47;
	v56 =	vpop (erf)  }
0x156: {  	p2 =	sne.s32 s29, $0x10;
	[tilespmem:s4+$0x30] =	vst v54;
	v57 =	vmul.f32 v56, v49;
	v58 =	vpop (erf)  }
.Ltmp1:
0x157: {  	[tilespmem:s4+$0xFFFFFC30] =	vst v55;
	v59 =	vmul.f32 v58, v51;
	v60 =	vpop (erf);
	(pc) =	sbr.rel @p2 .LBB2_3-.Ltmp1, $4  }
0x158: {  	[tilespmem:s14+$0x30] =	vst v57;
	v61 =	vmul.f32 v60, v53;
	v62 =	vpop (erf)  }
0x159: {  	[tilespmem:s14+$0xFFFFFC30] =	vst v59;
	v63 =	vmul.f32 v62, v5  }
0x15a: {  	[tilespmem:s15+$0x30] =	vst v61  }
0x15b: {  	s28 =	sadd.s32 $0x40, s28;
	p1 =	por !p1, !p1;
	[tilespmem:s15+$0xFFFFFC30] =	vst v63  }
0x15c: {  	s0 =	sshll.u32 s23, $0x10  }
0x15d: {  	s0 =	sor.u32 s5, s0  }
0x15e: {  	s0 =	sshrl.u32 s0, $0x3  }
0x15f: {  	s0 =	sadd.s32 s1, s0  }
0x160: {  	[hbm4b:s0+s11] =	stream.strided.scatter [tilespmem:s19], [sflag:$0x1], $0x6800, s18, s11, $0x38;
	[tilespmem:$0x19E00] =	vst v63  }
0x161: {  	s0 =	simm.s32 @!p0 $0x2  }
0x162: {  	s24 =	sor.u32 $0x1, s24;
	s26 =	simm.s32 $0x0;
	_ =	swait.ge @!p0 [sflag:s0], $0x6800  }
0x163: {  	s28 =	simm.s32 $0x0;
	s29 =	simm.s32 $0x0;
	[sflag:s0] =	ssyncset.done @!p0 $0x0  }
0x164: {  	s25 =	sshll.u32 s24, $0xA;
	[sflag:s0] =	ssyncadd.s32 @!p0 $0xFFFF9800;
	p0 =	por $0x0, $0x0  }
.LBB2_7:
0x165: {  	s0 =	sshll.u32 s29, $0x6  }
0x166: {  	s2 =	sand.u32 $0x380, s0  }
0x167: {  	s0 =	sand.u32 $0x40, s0;
	s2 =	sor.u32 s25, s2  }
0x168: {  	s0 =	sor.u32 s0, s2  }
0x169: {  	v0 =	vld [tilespmem:s0+$0x6A00];
	_ =	sdelay $0x4  }
0x16a: {  	v7 =	vmul.u32 $0x1A, v0;
	_ =	sdelay $0x1  }
0x16b: {  	s21 =	simm.s32 $0x1;
	v0 =	vadd.s32 s26, v7  }
0x16c: {  	v1 =	vadd.s32 s21, v7;
	_ =	sdelay $0x2  }
0x16d: {  	v6 =	vld [tilespmem:s0+$0x600]  }
0x16e: {  	v2 =	vld.idx.msk [tilespmem:v0+s16+$0x0], $0xffff  }
0x16f: {  	v3 =	vld.idx.msk [tilespmem:v1+s16+$0x0], $0xffff;
	_ =	sdelay $0x3  }
0x170: {  	v2 =	vmul.f32 v2, v6  }
0x171: {  	v3 =	vmul.f32 v3, v6  }
0x172: {  	v2 =	vmul.f32 $1.442695020e+00, v2  }
0x173: {  	s17 =	simm.s32 $0x3;
	v3 =	vmul.f32 $1.442695020e+00, v3  }
0x174: {  	s4 =	simm.s32 $0x2;
	s6 =	sor.u32 $0x10, s0;
	v8 =	vadd.s32 s17, v7;
	(erf) = vpow2.f32 v2  }
0x175: {  	v5 =	vadd.s32 s4, v7;
	(erf) = vpow2.f32 v3;
	v3 =	vld [tilespmem:s6+$0x6A00];
	_ =	sdelay $0x1  }
0x176: {  	v9 =	vld.idx.msk [tilespmem:v0+s3+$0x0], $0xffff  }
0x177: {  	v10 =	vld.idx.msk [tilespmem:v1+s3+$0x0], $0xffff  }
0x178: {  	v11 =	vld.idx.msk [tilespmem:v8+s16+$0x0], $0xffff  }
0x179: {  	v4 =	vmul.u32 $0x1A, v3;
	v3 =	vld.idx.msk [tilespmem:v5+s16+$0x0], $0xffff  }
0x17a: {  	v2 =	vld [tilespmem:s6+$0x600];
	s6 =	simm.s32 $0x1  }
0x17b: {  	s7 =	sshll.u32 s28, $0x2;
	s6 =	simm.s32 @!p0 $0x0  }
0x17c: {  	s7 =	sand.u32 $0xFFFFFE00, s7;
	s8 =	sor.u32 $0x20, s0;
	s6 =	sshll.u32 s6, $0x8;
	v13 =	vadd.s32 s21, v4;
	v12 =	vpop (erf)  }
0x17d: {  	v16 =	vld [tilespmem:s8+$0x6A00];
	s6 =	sor.u32 s6, s7;
	v14 =	vadd.s32 s26, v4;
	v15 =	vpop (erf)  }
0x17e: {  	s0 =	sor.u32 $0x30, s0;
	v1 =	vld [tilespmem:s8+$0x600];
	s6 =	sshrl.u32 s6, $0x2;
	v10 =	vmul.f32 v15, v10;
	v3 =	vmul.f32 v3, v6  }
0x17f: {  	v0 =	vld [tilespmem:s0+$0x600];
	v11 =	vmul.f32 v11, v6;
	s30 =	sadd.s32 $0x13A00, s6;
	v9 =	vmul.f32 v12, v9  }
0x180: {  	v15 =	vld [tilespmem:s0+$0x6A00];
	[tilespmem:s30+$0x0] =	vst v10;
	v3 =	vmul.f32 $1.442695020e+00, v3  }
0x181: {  	v11 =	vmul.f32 $1.442695020e+00, v11;
	s7 =	simm.s32 $0x4;
	[tilespmem:s30+$0xFFFFFC00] =	vst v9;
	v9 =	vld.idx.msk [tilespmem:v13+s16+$0x0], $0xffff  }
0x182: {  	s10 =	simm.s32 $0x5;
	v10 =	vadd.s32 s7, v7;
	v12 =	vld.idx.msk [tilespmem:v14+s16+$0x0], $0xffff;
	(erf) = vpow2.f32 v3  }
0x183: {  	(erf) = vpow2.f32 v11;
	v11 =	vadd.s32 s10, v7;
	_ =	sdelay $0x2  }
0x184: {  	v5 =	vld.idx.msk [tilespmem:v5+s3+$0x0], $0xffff;
	v3 =	vmul.f32 v9, v2  }
0x185: {  	v12 =	vmul.f32 v12, v2;
	v9 =	vld.idx.msk [tilespmem:v10+s16+$0x0], $0xffff  }
0x186: {  	v3 =	vmul.f32 $1.442695020e+00, v3;
	v17 =	vld.idx.msk [tilespmem:v11+s16+$0x0], $0xffff  }
0x187: {  	v8 =	vld.idx.msk [tilespmem:v8+s3+$0x0], $0xffff;
	v12 =	vmul.f32 $1.442695020e+00, v12  }
0x188: {  	(erf) = vpow2.f32 v3  }
0x189: {  	v18 =	vadd.s32 s4, v4;
	(erf) = vpow2.f32 v12  }
0x18a: {  	v12 =	vadd.s32 s17, v4;
	v9 =	vmul.f32 v9, v6;
	v3 =	vpop (erf)  }
0x18b: {  	v19 =	vpop (erf);
	v17 =	vmul.f32 v17, v6;
	v5 =	vmul.f32 v3, v5  }
0x18c: {  	s31 =	sadd.s32 $0x800, s30;
	v14 =	vld.idx.msk [tilespmem:v14+s3+$0x0], $0xffff;
	v9 =	vmul.f32 $1.442695020e+00, v9;
	v8 =	vmul.f32 v19, v8  }
0x18d: {  	s12 =	simm.s32 $0x6;
	v13 =	vld.idx.msk [tilespmem:v13+s3+$0x0], $0xffff;
	v3 =	vmul.u32 $0x1A, v16;
	[tilespmem:s31+$0xFFFFFC00] =	vst v5  }
0x18e: {  	v19 =	vadd.s32 s12, v7;
	(erf) = vpow2.f32 v9;
	[tilespmem:s31+$0x0] =	vst v8;
	v8 =	vmul.f32 $1.442695020e+00, v17;
	v9 =	vld.idx.msk [tilespmem:v18+s16+$0x0], $0xffff  }
0x18f: {  	v5 =	vld.idx.msk [tilespmem:v12+s16+$0x0], $0xffff  }
0x190: {  	v16 =	vadd.s32 s21, v3;
	(erf) = vpow2.f32 v8  }
0x191: {  	s8 =	simm.s32 $0x7;
	v8 =	vadd.s32 s26, v3;
	v17 =	vpop (erf)  }
0x192: {  	v21 =	vadd.s32 s8, v7;
	v10 =	vld.idx.msk [tilespmem:v10+s3+$0x0], $0xffff;
	v13 =	vmul.f32 v17, v13;
	v17 =	vpop (erf)  }
0x193: {  	v20 =	vld.idx.msk [tilespmem:v19+s16+$0x0], $0xffff;
	v14 =	vmul.f32 v17, v14;
	v9 =	vmul.f32 v9, v2  }
0x194: {  	v11 =	vld.idx.msk [tilespmem:v11+s3+$0x0], $0xffff;
	v5 =	vmul.f32 v5, v2;
	[tilespmem:s30+$0x10] =	vst v13  }
0x195: {  	[tilespmem:s30+$0xFFFFFC10] =	vst v14;
	v13 =	vld.idx.msk [tilespmem:v16+s16+$0x0], $0xffff;
	v9 =	vmul.f32 $1.442695020e+00, v9  }
0x196: {  	v5 =	vmul.f32 $1.442695020e+00, v5;
	v14 =	vld.idx.msk [tilespmem:v8+s16+$0x0], $0xffff  }
0x197: {  	v17 =	vld.idx.msk [tilespmem:v21+s16+$0x0], $0xffff  }
0x198: {  	v20 =	vmul.f32 v20, v6;
	v22 =	vpop (erf);
	(erf) = vpow2.f32 v5  }
0x199: {  	v23 =	vadd.s32 s10, v4;
	v10 =	vmul.f32 v22, v10;
	(erf) = vpow2.f32 v9;
	v9 =	vpop (erf)  }
0x19a: {  	v5 =	vmul.f32 $1.442695020e+00, v20;
	v20 =	vadd.s32 s7, v4;
	v9 =	vmul.f32 v9, v11  }
0x19b: {  	v12 =	vld.idx.msk [tilespmem:v12+s3+$0x0], $0xffff;
	v11 =	vmul.f32 v13, v1;
	v14 =	vmul.f32 v14, v1  }
0x19c: {  	s13 =	simm.s32 $0x8;
	s0 =	sadd.s32 $0x800, s31;
	v16 =	vld.idx.msk [tilespmem:v16+s3+$0x0], $0xffff;
	v17 =	vmul.f32 v17, v6;
	(erf) = vpow2.f32 v5  }
0x19d: {  	v13 =	vld.idx.msk [tilespmem:v18+s3+$0x0], $0xffff;
	v18 =	vadd.s32 s13, v7;
	v11 =	vmul.f32 $1.442695020e+00, v11;
	[tilespmem:s0+$0x0] =	vst v9;
	v5 =	vmul.f32 $1.442695020e+00, v14  }
0x19e: {  	s6 =	simm.s32 $0x9;
	[tilespmem:s0+$0xFFFFFC00] =	vst v10;
	v9 =	vld.idx.msk [tilespmem:v23+s16+$0x0], $0xffff  }
0x19f: {  	v22 =	vadd.s32 s6, v7;
	v10 =	vmul.f32 $1.442695020e+00, v17;
	(erf) = vpow2.f32 v11;
	v11 =	vld.idx.msk [tilespmem:v20+s16+$0x0], $0xffff  }
0x1a0: {  	v14 =	vld.idx.msk [tilespmem:v19+s3+$0x0], $0xffff;
	v19 =	vadd.s32 s17, v3;
	(erf) = vpow2.f32 v5  }
0x1a1: {  	(erf) = vpow2.f32 v10;
	v10 =	vld.idx.msk [tilespmem:v20+s3+$0x0], $0xffff;
	v5 =	vpop (erf)  }
0x1a2: {  	v17 =	vadd.s32 s4, v3;
	v20 =	vld.idx.msk [tilespmem:v18+s16+$0x0], $0xffff;
	v12 =	vmul.f32 v5, v12  }
0x1a3: {  	v8 =	vld.idx.msk [tilespmem:v8+s3+$0x0], $0xffff;
	v5 =	vpop (erf);
	v9 =	vmul.f32 v9, v2  }
0x1a4: {  	v25 =	vld.idx.msk [tilespmem:v22+s16+$0x0], $0xffff;
	v13 =	vmul.f32 v5, v13;
	v11 =	vmul.f32 v11, v2;
	[tilespmem:s31+$0x10] =	vst v12  }
0x1a5: {  	v9 =	vmul.f32 $1.442695020e+00, v9;
	v12 =	vld.idx.msk [tilespmem:v19+s16+$0x0], $0xffff  }
0x1a6: {  	v5 =	vmul.u32 $0x1A, v15;
	v15 =	vld.idx.msk [tilespmem:v21+s3+$0x0], $0xffff;
	[tilespmem:s31+$0xFFFFFC10] =	vst v13;
	v11 =	vmul.f32 $1.442695020e+00, v11  }
0x1a7: {  	v21 =	vpop (erf);
	v20 =	vmul.f32 v20, v6;
	v13 =	vld.idx.msk [tilespmem:v17+s16+$0x0], $0xffff;
	(erf) = vpow2.f32 v9  }
0x1a8: {  	v24 =	vadd.s32 s21, v5;
	v26 =	vpop (erf);
	(erf) = vpow2.f32 v11  }
0x1a9: {  	v9 =	vadd.s32 s26, v5;
	v27 =	vld.idx.msk [tilespmem:v17+s3+$0x0], $0xffff;
	v17 =	vmul.f32 $1.442695020e+00, v20;
	v11 =	vmul.f32 v26, v16;
	v16 =	vpop (erf)  }
0x1aa: {  	v28 =	vadd.s32 s8, v4;
	v8 =	vmul.f32 v16, v8;
	v12 =	vmul.f32 v12, v1  }
0x1ab: {  	v18 =	vld.idx.msk [tilespmem:v18+s3+$0x0], $0xffff;
	v20 =	vadd.s32 s12, v4;
	v26 =	vpop (erf);
	[tilespmem:s30+$0x20] =	vst v11;
	v11 =	vmul.f32 v21, v14;
	v21 =	vmul.f32 v25, v6  }
0x1ac: {  	v16 =	vld.idx.msk [tilespmem:v23+s3+$0x0], $0xffff;
	v15 =	vmul.f32 v26, v15;
	v13 =	vmul.f32 v13, v1  }
0x1ad: {  	s2 =	sadd.s32 $0x800, s0;
	[tilespmem:s30+$0xFFFFFC20] =	vst v8;
	v8 =	vld.idx.msk [tilespmem:v24+s16+$0x0], $0xffff;
	v12 =	vmul.f32 $1.442695020e+00, v12;
	v21 =	vmul.f32 $1.442695020e+00, v21  }
0x1ae: {  	s15 =	simm.s32 $0xA;
	(erf) = vpow2.f32 v17;
	[tilespmem:s2+$0x0] =	vst v15;
	v15 =	vld.idx.msk [tilespmem:v9+s16+$0x0], $0xffff;
	v23 =	vmul.f32 $1.442695020e+00, v13  }
0x1af: {  	v14 =	vadd.s32 s15, v7;
	[tilespmem:s2+$0xFFFFFC00] =	vst v11;
	v11 =	vld.idx.msk [tilespmem:v28+s16+$0x0], $0xffff;
	(erf) = vpow2.f32 v12  }
0x1b0: {  	v25 =	vld.idx.msk [tilespmem:v20+s16+$0x0], $0xffff;
	v13 =	vadd.s32 s10, v3;
	(erf) = vpow2.f32 v23  }
0x1b1: {  	s9 =	simm.s32 $0xB;
	v19 =	vld.idx.msk [tilespmem:v19+s3+$0x0], $0xffff;
	(erf) = vpow2.f32 v21;
	v21 =	vpop (erf)  }
0x1b2: {  	v29 =	vld.idx.msk [tilespmem:v9+s3+$0x0], $0xffff;
	v12 =	vadd.s32 s9, v7;
	v8 =	vmul.f32 v8, v0;
	v16 =	vmul.f32 v21, v16;
	v21 =	vpop (erf)  }
0x1b3: {  	v17 =	vld.idx.msk [tilespmem:v20+s3+$0x0], $0xffff;
	v20 =	vadd.s32 s7, v3;
	v15 =	vmul.f32 v15, v0;
	v10 =	vmul.f32 v21, v10  }
0x1b4: {  	v9 =	vld.idx.msk [tilespmem:v14+s16+$0x0], $0xffff;
	v11 =	vmul.f32 v11, v2;
	v8 =	vmul.f32 $1.442695020e+00, v8;
	[tilespmem:s0+$0x10] =	vst v16  }
0x1b5: {  	v16 =	vmul.f32 v25, v2;
	v15 =	vmul.f32 $1.442695020e+00, v15;
	[tilespmem:s0+$0xFFFFFC10] =	vst v10;
	v10 =	vld.idx.msk [tilespmem:v13+s16+$0x0], $0xffff  }
0x1b6: {  	v21 =	vld.idx.msk [tilespmem:v22+s3+$0x0], $0xffff;
	v11 =	vmul.f32 $1.442695020e+00, v11;
	(erf) = vpow2.f32 v8  }
0x1b7: {  	v25 =	vld.idx.msk [tilespmem:v12+s16+$0x0], $0xffff;
	v22 =	vmul.f32 $1.442695020e+00, v16;
	(erf) = vpow2.f32 v15  }
0x1b8: {  	v26 =	vpop (erf);
	v8 =	vadd.s32 s17, v5;
	v23 =	vld.idx.msk [tilespmem:v20+s16+$0x0], $0xffff;
	(erf) = vpow2.f32 v11  }
0x1b9: {  	v30 =	vadd.s32 s13, v4;
	v18 =	vmul.f32 v26, v18;
	v16 =	vld.idx.msk [tilespmem:v20+s3+$0x0], $0xffff;
	v20 =	vpop (erf);
	(erf) = vpow2.f32 v22  }
0x1ba: {  	v15 =	vld.idx.msk [tilespmem:v14+s3+$0x0], $0xffff;
	v11 =	vadd.s32 s4, v5;
	v19 =	vmul.f32 v20, v19;
	v20 =	vpop (erf);
	v10 =	vmul.f32 v10, v1  }
0x1bb: {  	v9 =	vmul.f32 v9, v6;
	v14 =	vadd.s32 s6, v4;
	v22 =	vpop (erf);
	v20 =	vmul.f32 v20, v27;
	v27 =	vld.idx.msk [tilespmem:v24+s3+$0x0], $0xffff  }
0x1bc: {  	s4 =	sadd.s32 $0x800, s2;
	v21 =	vmul.f32 v22, v21;
	v22 =	vld.idx.msk [tilespmem:v28+s3+$0x0], $0xffff;
	[tilespmem:s31+$0x20] =	vst v19;
	v10 =	vmul.f32 $1.442695020e+00, v10  }
0x1bd: {  	s21 =	simm.s32 $0xC;
	v9 =	vmul.f32 $1.442695020e+00, v9;
	[tilespmem:s4+$0xFFFFFC00] =	vst v18;
	v19 =	vmul.f32 v23, v1;
	v23 =	vld.idx.msk [tilespmem:v8+s16+$0x0], $0xffff  }
0x1be: {  	v18 =	vadd.s32 s21, v7;
	[tilespmem:s31+$0xFFFFFC20] =	vst v20;
	v20 =	vmul.f32 v25, v6;
	v25 =	vld.idx.msk [tilespmem:v30+s16+$0x0], $0xffff  }
0x1bf: {  	(erf) = vpow2.f32 v9;
	[tilespmem:s4+$0x0] =	vst v21;
	v26 =	vld.idx.msk [tilespmem:v11+s16+$0x0], $0xffff;
	v9 =	vmul.f32 $1.442695020e+00, v19  }
0x1c0: {  	v24 =	vld.idx.msk [tilespmem:v14+s16+$0x0], $0xffff;
	v21 =	vmul.f32 $1.442695020e+00, v20;
	(erf) = vpow2.f32 v10;
	v10 =	vpop (erf)  }
0x1c1: {  	v19 =	vld.idx.msk [tilespmem:v30+s3+$0x0], $0xffff;
	v20 =	vadd.s32 s8, v3;
	(erf) = vpow2.f32 v9;
	v10 =	vmul.f32 v10, v27;
	v28 =	vpop (erf)  }
0x1c2: {  	s14 =	simm.s32 $0xE;
	s17 =	simm.s32 $0xD;
	v9 =	vld.idx.msk [tilespmem:v11+s3+$0x0], $0xffff;
	(erf) = vpow2.f32 v21;
	v21 =	vadd.s32 s12, v3;
	v27 =	vpop (erf);
	v11 =	vmul.f32 v28, v29  }
.LBB2_8:
0x1c3: {  	p1 =	slt.u32 s14, $0x18;
	v28 =	vld.idx.msk [tilespmem:v18+s16+$0x0], $0xffff;
	v29 =	vadd.s32 s17, v7;
	v22 =	vmul.f32 v27, v22;
	v27 =	vpop (erf);
	v23 =	vmul.f32 v23, v0;
	[tilespmem:s30+$0x30] =	vst v10  }
0x1c4: {  	v26 =	vmul.f32 v26, v0;
	v10 =	vmul.f32 v27, v17;
	v27 =	vld.idx.msk [tilespmem:v13+s3+$0x0], $0xffff;
	[tilespmem:s30+$0xFFFFFC30] =	vst v11;
	v13 =	vmov v20;
	s30 =	smov.u32 s31;
	s31 =	smov.u32 s0;
	s0 =	smov.u32 s2  }
0x1c5: {  	v24 =	vmul.f32 v24, v2;
	s2 =	smov.u32 s4;
	v11 =	vld.idx.msk [tilespmem:v12+s3+$0x0], $0xffff;
	[tilespmem:s0+$0x10] =	vst v22;
	v22 =	vmul.f32 $1.442695020e+00, v23;
	v12 =	vmov v29  }
0x1c6: {  	v23 =	vmul.f32 v25, v2;
	[tilespmem:s0+$0xFFFFFC10] =	vst v10;
	v10 =	vld.idx.msk [tilespmem:v20+s16+$0x0], $0xffff;
	v20 =	vmul.f32 $1.442695020e+00, v26  }
0x1c7: {  	v30 =	vmul.f32 $1.442695020e+00, v24;
	v17 =	vmov v19;
	v25 =	vld.idx.msk [tilespmem:v21+s16+$0x0], $0xffff;
	(erf) = vpow2.f32 v22  }
0x1c8: {  	v31 =	vmul.f32 $1.442695020e+00, v23;
	v23 =	vadd.s32 s10, v5;
	s10 =	smov.u32 s8;
	s8 =	smov.u32 s6;
	s6 =	smov.u32 s9;
	v19 =	vld.idx.msk [tilespmem:v29+s16+$0x0], $0xffff;
	v26 =	vpop (erf);
	(erf) = vpow2.f32 v20  }
0x1c9: {  	s9 =	smov.u32 s17;
	v20 =	vmul.f32 v28, v6;
	v28 =	vadd.s32 s7, v5;
	s7 =	smov.u32 s12;
	s12 =	smov.u32 s13;
	(erf) = vpow2.f32 v30;
	v21 =	vld.idx.msk [tilespmem:v21+s3+$0x0], $0xffff;
	v24 =	vpop (erf)  }
0x1ca: {  	s13 =	smov.u32 s15;
	s15 =	smov.u32 s21;
	s21 =	smov.u32 s14;
	v30 =	vadd.s32 s6, v4;
	v29 =	vld.idx.msk [tilespmem:v18+s3+$0x0], $0xffff;
	(erf) = vpow2.f32 v31;
	v18 =	vmul.f32 v24, v27;
	v22 =	vpop (erf)  }
0x1cb: {  	v20 =	vmul.f32 $1.442695020e+00, v20;
	v27 =	vadd.s32 s13, v4;
	v24 =	vpop (erf);
	v16 =	vmul.f32 v22, v16;
	v31 =	vld.idx.msk [tilespmem:v8+s3+$0x0], $0xffff  }
0x1cc: {  	v10 =	vmul.f32 v10, v1;
	v8 =	vmov v23;
	v11 =	vmul.f32 v24, v11;
	v22 =	vld.idx.msk [tilespmem:v14+s3+$0x0], $0xffff;
	[tilespmem:s31+$0x20] =	vst v18  }
0x1cd: {  	s4 =	sadd.s32 $0x800, s4;
	v33 =	vmul.f32 v26, v15;
	v25 =	vmul.f32 v25, v1;
	v14 =	vmov v30;
	[tilespmem:s31+$0xFFFFFC20] =	vst v16;
	v23 =	vld.idx.msk [tilespmem:v23+s16+$0x0], $0xffff  }
.Ltmp2:
0x1ce: {  	v18 =	vadd.s32 s14, v7;
	v19 =	vmul.f32 v19, v6;
	v32 =	vmul.f32 $1.442695020e+00, v10;
	[tilespmem:s4+$0x0] =	vst v11;
	v26 =	vld.idx.msk [tilespmem:v28+s16+$0x0], $0xffff;
	(pc) =	sbr.rel @p1 .LBB2_8-.Ltmp2, $4  }
0x1cf: {  	(erf) = vpow2.f32 v20;
	[tilespmem:s4+$0xFFFFFC00] =	vst v33;
	v24 =	vld.idx.msk [tilespmem:v30+s16+$0x0], $0xffff;
	v30 =	vmul.f32 $1.442695020e+00, v25;
	v16 =	vmov v21  }
0x1d0: {  	v21 =	vmul.f32 $1.442695020e+00, v19;
	v15 =	vmov v29;
	v25 =	vld.idx.msk [tilespmem:v27+s16+$0x0], $0xffff;
	(erf) = vpow2.f32 v32;
	v10 =	vpop (erf)  }
0x1d1: {  	v20 =	vadd.s32 s8, v3;
	v19 =	vld.idx.msk [tilespmem:v27+s3+$0x0], $0xffff;
	(erf) = vpow2.f32 v30;
	v10 =	vmul.f32 v10, v31;
	v11 =	vpop (erf)  }
0x1d2: {  	s17 =	sadd.s32 $0x1, s21;
	s14 =	sadd.s32 $0x2, s14;
	(erf) = vpow2.f32 v21;
	v21 =	vadd.s32 s12, v3;
	v27 =	vpop (erf);
	v11 =	vmul.f32 v11, v9;
	v9 =	vld.idx.msk [tilespmem:v28+s3+$0x0], $0xffff  }
0x1d3: {  	_ =	sdelay $0x2  }
0x1d4: {  	v54 =	vmul.f32 v27, v22  }
0x1d5: {  	v28 =	vadd.s32 s17, v7;
	v55 =	vpop (erf);
	v23 =	vmul.f32 v23, v0;
	v56 =	vld.idx.msk [tilespmem:v18+s16+$0x0], $0xffff;
	v57 =	vmul.f32 v26, v0  }
0x1d6: {  	v17 =	vmul.f32 v55, v17;
	v24 =	vmul.f32 v24, v2  }
0x1d7: {  	v13 =	vld.idx.msk [tilespmem:v13+s3+$0x0], $0xffff;
	[tilespmem:s2+$0x10] =	vst v54;
	v58 =	vmul.f32 $1.442695020e+00, v23;
	v59 =	vmul.f32 v25, v2  }
0x1d8: {  	v22 =	vmul.f32 $1.442695020e+00, v57;
	[tilespmem:s2+$0xFFFFFC10] =	vst v17;
	v60 =	vld.idx.msk [tilespmem:v20+s16+$0x0], $0xffff;
	v24 =	vmul.f32 $1.442695020e+00, v24  }
0x1d9: {  	v61 =	vld.idx.msk [tilespmem:v21+s16+$0x0], $0xffff;
	(erf) = vpow2.f32 v58;
	v63 =	vmul.f32 $1.442695020e+00, v59  }
0x1da: {  	v62 =	vld.idx.msk [tilespmem:v28+s16+$0x0], $0xffff;
	(erf) = vpow2.f32 v22;
	v29 =	vpop (erf);
	v30 =	vmul.f32 v56, v6  }
0x1db: {  	v12 =	vld.idx.msk [tilespmem:v12+s3+$0x0], $0xffff;
	(erf) = vpow2.f32 v24;
	v15 =	vmul.f32 v29, v15  }
0x1dc: {  	v31 =	vpop (erf);
	(erf) = vpow2.f32 v63;
	v23 =	vmul.f32 $1.442695020e+00, v30  }
0x1dd: {  	v13 =	vmul.f32 v31, v13;
	v17 =	vmul.f32 v60, v1  }
0x1de: {  	v36 =	vpop (erf);
	v32 =	vmul.f32 v61, v1;
	(erf) = vpow2.f32 v23  }
0x1df: {  	v41 =	vadd.s32 s15, v4;
	v38 =	vpop (erf);
	v33 =	vmul.f32 v62, v6;
	v17 =	vmul.f32 $1.442695020e+00, v17  }
0x1e0: {  	v7 =	vadd.s32 s10, v5;
	v14 =	vld.idx.msk [tilespmem:v14+s3+$0x0], $0xffff;
	v12 =	vmul.f32 v38, v12;
	v34 =	vmul.f32 $1.442695020e+00, v32  }
0x1e1: {  	v35 =	vadd.s32 s9, v4;
	s10 =	sadd.s32 $0x800, s4;
	v52 =	vld.idx.msk [tilespmem:v18+s3+$0x0], $0xffff;
	v37 =	vmul.f32 $1.442695020e+00, v33;
	(erf) = vpow2.f32 v17  }
0x1e2: {  	v46 =	vld.idx.msk [tilespmem:v20+s3+$0x0], $0xffff;
	[tilespmem:s10+$0xFFFFFC00] =	vst v15;
	v6 =	vadd.s32 s7, v5;
	(erf) = vpow2.f32 v34  }
0x1e3: {  	v40 =	vld.idx.msk [tilespmem:v21+s3+$0x0], $0xffff;
	[tilespmem:s0+$0x20] =	vst v13;
	(erf) = vpow2.f32 v37  }
0x1e4: {  	v16 =	vmul.f32 v36, v16;
	v49 =	vld.idx.msk [tilespmem:v41+s16+$0x0], $0xffff;
	[tilespmem:s10+$0x0] =	vst v12;
	v12 =	vpop (erf)  }
0x1e5: {  	v39 =	vld.idx.msk [tilespmem:v7+s16+$0x0], $0xffff;
	v13 =	vpop (erf)  }
0x1e6: {  	v43 =	vadd.s32 s6, v3;
	[tilespmem:s0+$0xFFFFFC20] =	vst v16;
	v42 =	vld.idx.msk [tilespmem:v35+s16+$0x0], $0xffff;
	v45 =	vpop (erf)  }
0x1e7: {  	v44 =	vadd.s32 s13, v3;
	v16 =	vld.idx.msk [tilespmem:v6+s16+$0x0], $0xffff;
	v14 =	vmul.f32 v45, v14;
	v47 =	vpop (erf)  }
0x1e8: {  	v48 =	vld.idx.msk [tilespmem:v28+s3+$0x0], $0xffff;
	v56 =	vadd.s32 s21, v4;
	v15 =	vmul.f32 v47, v19  }
0x1e9: {  	v57 =	vmul.f32 v49, v2;
	v51 =	vpop (erf);
	[tilespmem:s4+$0x10] =	vst v14;
	v14 =	vadd.s32 s8, v5  }
0x1ea: {  	v25 =	vmul.f32 v39, v0;
	[tilespmem:s4+$0xFFFFFC10] =	vst v15;
	v15 =	vadd.s32 s12, v5;
	v18 =	vmul.f32 v51, v52;
	v29 =	vpop (erf)  }
0x1eb: {  	s14 =	sadd.s32 $0x800, s10;
	v54 =	vadd.s32 s17, v4;
	v22 =	vmul.f32 v42, v2;
	v30 =	vld.idx.msk [tilespmem:v43+s16+$0x0], $0xffff;
	v53 =	vpop (erf);
	v20 =	vmul.f32 v29, v46  }
0x1ec: {  	v16 =	vmul.f32 v16, v0;
	v31 =	vld.idx.msk [tilespmem:v44+s16+$0x0], $0xffff;
	[tilespmem:s14+$0xFFFFFC00] =	vst v18;
	v17 =	vmul.f32 v53, v40;
	v55 =	vpop (erf)  }
0x1ed: {  	v50 =	vmul.f32 $1.442695020e+00, v25;
	v28 =	vld.idx.msk [tilespmem:v56+s16+$0x0], $0xffff;
	v19 =	vmul.f32 v55, v48;
	[tilespmem:s2+$0x20] =	vst v20  }
0x1ee: {  	v22 =	vmul.f32 $1.442695020e+00, v22;
	v16 =	vmul.f32 $1.442695020e+00, v16;
	[tilespmem:s2+$0xFFFFFC20] =	vst v17;
	v58 =	vld.idx.msk [tilespmem:v14+s16+$0x0], $0xffff  }
0x1ef: {  	(erf) = vpow2.f32 v50;
	v20 =	vmul.f32 $1.442695020e+00, v57;
	[tilespmem:s14+$0x0] =	vst v19;
	v60 =	vld.idx.msk [tilespmem:v15+s16+$0x0], $0xffff  }
0x1f0: {  	v59 =	vmul.f32 v30, v1;
	(erf) = vpow2.f32 v16;
	v62 =	vld.idx.msk [tilespmem:v54+s16+$0x0], $0xffff  }
0x1f1: {  	v61 =	vmul.f32 v31, v1;
	(erf) = vpow2.f32 v22  }
0x1f2: {  	v63 =	vmul.f32 $1.442695020e+00, v59;
	(erf) = vpow2.f32 v20  }
0x1f3: {  	v16 =	vmul.f32 $1.442695020e+00, v61;
	v31 =	vmul.f32 v28, v2  }
0x1f4: {  	(erf) = vpow2.f32 v63;
	v17 =	vmul.f32 v58, v0  }
0x1f5: {  	v30 =	vmul.f32 v60, v0;
	v18 =	vmul.f32 v62, v2  }
0x1f6: {  	(erf) = vpow2.f32 v16;
	v17 =	vmul.f32 $1.442695020e+00, v17  }
0x1f7: {  	v16 =	vmul.f32 $1.442695020e+00, v30;
	v18 =	vmul.f32 $1.442695020e+00, v18  }
0x1f8: {  	v2 =	vmul.f32 $1.442695020e+00, v31;
	(erf) = vpow2.f32 v17  }
0x1f9: {  	v32 =	vld.idx.msk [tilespmem:v35+s3+$0x0], $0xffff;
	(erf) = vpow2.f32 v16  }
0x1fa: {  	v33 =	vld.idx.msk [tilespmem:v41+s3+$0x0], $0xffff;
	(erf) = vpow2.f32 v18  }
0x1fb: {  	v18 =	vpop (erf);
	(erf) = vpow2.f32 v2  }
0x1fc: {  	v34 =	vadd.s32 s9, v3;
	v2 =	vpop (erf)  }
0x1fd: {  	v36 =	vadd.s32 s15, v3;
	v37 =	vld.idx.msk [tilespmem:v43+s3+$0x0], $0xffff;
	v35 =	vpop (erf)  }
0x1fe: {  	v39 =	vld.idx.msk [tilespmem:v44+s3+$0x0], $0xffff;
	v38 =	vpop (erf);
	v17 =	vmul.f32 v35, v32  }
0x1ff: {  	v41 =	vld.idx.msk [tilespmem:v54+s3+$0x0], $0xffff;
	v16 =	vmul.f32 v38, v33;
	v40 =	vpop (erf)  }
0x200: {  	v4 =	vld.idx.msk [tilespmem:v56+s3+$0x0], $0xffff;
	[tilespmem:s10+$0x10] =	vst v17;
	v17 =	vadd.s32 s6, v5;
	v42 =	vpop (erf)  }
0x201: {  	v26 =	vadd.s32 s13, v5;
	[tilespmem:s10+$0xFFFFFC10] =	vst v16;
	v43 =	vld.idx.msk [tilespmem:v34+s16+$0x0], $0xffff;
	v27 =	vpop (erf)  }
0x202: {  	v45 =	vadd.s32 s17, v3;
	v20 =	vmul.f32 v40, v37;
	v44 =	vld.idx.msk [tilespmem:v36+s16+$0x0], $0xffff;
	v29 =	vpop (erf)  }
0x203: {  	v46 =	vadd.s32 s21, v3;
	v24 =	vmul.f32 v42, v39;
	v47 =	vpop (erf)  }
0x204: {  	[tilespmem:s4+$0x20] =	vst v20;
	v48 =	vmul.f32 v47, v41;
	v49 =	vpop (erf)  }
0x205: {  	[tilespmem:s4+$0xFFFFFC20] =	vst v24;
	v50 =	vld.idx.msk [tilespmem:v17+s16+$0x0], $0xffff;
	v4 =	vmul.f32 v49, v4  }
0x206: {  	v51 =	vld.idx.msk [tilespmem:v26+s16+$0x0], $0xffff;
	v16 =	vmul.f32 v43, v1;
	[tilespmem:s14+$0x10] =	vst v48  }
0x207: {  	v52 =	vmul.f32 v44, v1;
	[tilespmem:s14+$0xFFFFFC10] =	vst v4;
	v53 =	vld.idx.msk [tilespmem:v45+s16+$0x0], $0xffff  }
0x208: {  	v16 =	vmul.f32 $1.442695020e+00, v16;
	v54 =	vld.idx.msk [tilespmem:v46+s16+$0x0], $0xffff  }
0x209: {  	v20 =	vmul.f32 $1.442695020e+00, v52  }
0x20a: {  	(erf) = vpow2.f32 v16;
	v55 =	vmul.f32 v50, v0  }
0x20b: {  	v56 =	vmul.f32 v51, v0;
	(erf) = vpow2.f32 v20  }
0x20c: {  	v16 =	vmul.f32 $1.442695020e+00, v55;
	v4 =	vmul.f32 v53, v1  }
0x20d: {  	v20 =	vmul.f32 $1.442695020e+00, v56;
	v57 =	vmul.f32 v54, v1  }
0x20e: {  	(erf) = vpow2.f32 v16;
	v4 =	vmul.f32 $1.442695020e+00, v4  }
0x20f: {  	(erf) = vpow2.f32 v20;
	v1 =	vmul.f32 $1.442695020e+00, v57  }
0x210: {  	(erf) = vpow2.f32 v4  }
0x211: {  	(erf) = vpow2.f32 v1;
	_ =	sdelay $0x1  }
0x212: {  	v58 =	vld.idx.msk [tilespmem:v34+s3+$0x0], $0xffff  }
0x213: {  	v59 =	vld.idx.msk [tilespmem:v36+s3+$0x0], $0xffff  }
0x214: {  	v61 =	vld.idx.msk [tilespmem:v45+s3+$0x0], $0xffff;
	v60 =	vpop (erf)  }
0x215: {  	v62 =	vadd.s32 s9, v5;
	v3 =	vld.idx.msk [tilespmem:v46+s3+$0x0], $0xffff;
	v63 =	vpop (erf)  }
0x216: {  	v28 =	vadd.s32 s15, v5;
	v30 =	vpop (erf)  }
0x217: {  	v32 =	vadd.s32 s17, v5;
	v1 =	vmul.f32 v60, v58;
	v31 =	vpop (erf)  }
0x218: {  	v33 =	vadd.s32 s21, v5;
	v4 =	vmul.f32 v63, v59;
	v34 =	vpop (erf)  }
0x219: {  	[tilespmem:s10+$0x20] =	vst v1;
	v35 =	vmul.f32 v34, v61;
	v36 =	vpop (erf)  }
0x21a: {  	[tilespmem:s10+$0xFFFFFC20] =	vst v4;
	v37 =	vld.idx.msk [tilespmem:v62+s16+$0x0], $0xffff;
	v3 =	vmul.f32 v36, v3  }
0x21b: {  	v38 =	vld.idx.msk [tilespmem:v28+s16+$0x0], $0xffff;
	[tilespmem:s14+$0x20] =	vst v35  }
0x21c: {  	[tilespmem:s14+$0xFFFFFC20] =	vst v3;
	v1 =	vld.idx.msk [tilespmem:v32+s16+$0x0], $0xffff  }
0x21d: {  	v3 =	vld.idx.msk [tilespmem:v33+s16+$0x0], $0xffff;
	_ =	sdelay $0x1  }
0x21e: {  	v4 =	vmul.f32 v37, v0  }
0x21f: {  	v8 =	vld.idx.msk [tilespmem:v8+s3+$0x0], $0xffff;
	v19 =	vmul.f32 v38, v0  }
0x220: {  	v40 =	vld.idx.msk [tilespmem:v6+s3+$0x0], $0xffff;
	v4 =	vmul.f32 $1.442695020e+00, v4;
	v1 =	vmul.f32 v1, v0  }
0x221: {  	v19 =	vmul.f32 $1.442695020e+00, v19;
	v39 =	vmul.f32 v3, v0  }
0x222: {  	v7 =	vld.idx.msk [tilespmem:v7+s3+$0x0], $0xffff;
	(erf) = vpow2.f32 v4;
	v1 =	vmul.f32 $1.442695020e+00, v1  }
0x223: {  	v41 =	vld.idx.msk [tilespmem:v14+s3+$0x0], $0xffff;
	(erf) = vpow2.f32 v19;
	v0 =	vmul.f32 $1.442695020e+00, v39  }
0x224: {  	[tilespmem:s30+$0x30] =	vst v10;
	v42 =	vmul.f32 v12, v8;
	v43 =	vld.idx.msk [tilespmem:v15+s3+$0x0], $0xffff;
	(erf) = vpow2.f32 v1  }
0x225: {  	[tilespmem:s30+$0xFFFFFC30] =	vst v11;
	v48 =	vmul.f32 v2, v40;
	v45 =	vld.idx.msk [tilespmem:v17+s3+$0x0], $0xffff;
	(erf) = vpow2.f32 v0  }
0x226: {  	[tilespmem:s31+$0x30] =	vst v42;
	v47 =	vld.idx.msk [tilespmem:v26+s3+$0x0], $0xffff;
	v44 =	vmul.f32 v13, v9  }
0x227: {  	v46 =	vmul.f32 v18, v7;
	[tilespmem:s0+$0xFFFFFC30] =	vst v48;
	v49 =	vld.idx.msk [tilespmem:v62+s3+$0x0], $0xffff  }
0x228: {  	[tilespmem:s31+$0xFFFFFC30] =	vst v44;
	v50 =	vmul.f32 v27, v41;
	v51 =	vld.idx.msk [tilespmem:v28+s3+$0x0], $0xffff  }
0x229: {  	[tilespmem:s0+$0x30] =	vst v46;
	v52 =	vmul.f32 v29, v43;
	v53 =	vld.idx.msk [tilespmem:v32+s3+$0x0], $0xffff  }
0x22a: {  	[tilespmem:s2+$0x30] =	vst v50;
	v54 =	vmul.f32 v30, v45;
	v5 =	vld.idx.msk [tilespmem:v33+s3+$0x0], $0xffff  }
0x22b: {  	s29 =	sadd.s32 $0x1, s29;
	[tilespmem:s2+$0xFFFFFC30] =	vst v52;
	v55 =	vmul.f32 v31, v47;
	v56 =	vpop (erf)  }
0x22c: {  	p1 =	sne.s32 s29, $0x10;
	[tilespmem:s4+$0x30] =	vst v54;
	v57 =	vmul.f32 v56, v49;
	v58 =	vpop (erf)  }
.Ltmp3:
0x22d: {  	[tilespmem:s4+$0xFFFFFC30] =	vst v55;
	v59 =	vmul.f32 v58, v51;
	v60 =	vpop (erf);
	(pc) =	sbr.rel @p1 .LBB2_7-.Ltmp3, $4  }
0x22e: {  	[tilespmem:s10+$0x30] =	vst v57;
	v61 =	vmul.f32 v60, v53;
	v62 =	vpop (erf)  }
0x22f: {  	[tilespmem:s10+$0xFFFFFC30] =	vst v59;
	v63 =	vmul.f32 v62, v5  }
0x230: {  	[tilespmem:s14+$0x30] =	vst v61  }
0x231: {  	s28 =	sadd.s32 $0x40, s28;
	p0 =	por !p0, !p0;
	[tilespmem:s14+$0xFFFFFC30] =	vst v63  }
0x232: {  	s23 =	sadd.s32 $0x1, s23  }
0x233: {  	p0 =	sne.s32 s23, $0xC  }
.Ltmp4:
0x234: {  	s0 =	sshll.u32 s24, $0xF;
	(pc) =	sbr.rel @p0 .LBB2_2-.Ltmp4, $4  }
0x235: {  	s0 =	sor.u32 s5, s0  }
0x236: {  	s0 =	sshrl.u32 s0, $0x3  }
0x237: {  	s0 =	sadd.s32 s1, s0  }
0x238: {  	[hbm4b:s0+s11] =	stream.strided.scatter [tilespmem:s20], [sflag:$0x2], $0x6800, s18, s11, $0x38;
	[tilespmem:$0x19E00] =	vst v63  }
0x239: {  	s29 =	simm.s32 $0x1  }
0x23a: {  	_ =	swait.ge [sflag:s29], $0x6800  }
0x23b: {  	s23 =	simm.s32 $0x0;
	p0 =	por $0x0, $0x0;
	[sflag:s29] =	ssyncset.done $0x0  }
0x23c: {  	s24 =	simm.s32 $0x0;
	s25 =	simm.s32 $0x0;
	[sflag:s29] =	ssyncadd.s32 $0xFFFF9800  }
.LBB2_12:
0x23d: {  	s0 =	sshll.u32 s25, $0x6  }
0x23e: {  	s0 =	sand.u32 $0x3C0, s0  }
0x23f: {  	v0 =	vld [tilespmem:s0+$0xCA00];
	_ =	sdelay $0x4  }
0x240: {  	v7 =	vmul.u32 $0x1A, v0;
	_ =	sdelay $0x1  }
0x241: {  	s2 =	simm.s32 $0x1;
	v0 =	vadd.s32 s23, v7  }
0x242: {  	v1 =	vadd.s32 s2, v7;
	_ =	sdelay $0x2  }
0x243: {  	v6 =	vld [tilespmem:s0+$0x6600]  }
0x244: {  	v2 =	vld.idx.msk [tilespmem:v0+s16+$0x0], $0xffff  }
0x245: {  	v3 =	vld.idx.msk [tilespmem:v1+s16+$0x0], $0xffff;
	_ =	sdelay $0x3  }
0x246: {  	v2 =	vmul.f32 v2, v6  }
0x247: {  	v3 =	vmul.f32 v3, v6  }
0x248: {  	v2 =	vmul.f32 $1.442695020e+00, v2  }
0x249: {  	v3 =	vmul.f32 $1.442695020e+00, v3  }
0x24a: {  	s4 =	simm.s32 $0x2;
	(erf) = vpow2.f32 v2  }
0x24b: {  	s17 =	simm.s32 $0x3;
	v5 =	vadd.s32 s4, v7;
	(erf) = vpow2.f32 v3;
	v3 =	vld [tilespmem:s0+$0xCA10]  }
0x24c: {  	v8 =	vadd.s32 s17, v7;
	_ =	sdelay $0x1  }
0x24d: {  	v9 =	vld.idx.msk [tilespmem:v0+s3+$0x0], $0xffff  }
0x24e: {  	v10 =	vld.idx.msk [tilespmem:v1+s3+$0x0], $0xffff  }
0x24f: {  	v4 =	vmul.u32 $0x1A, v3;
	v3 =	vld.idx.msk [tilespmem:v5+s16+$0x0], $0xffff  }
0x250: {  	s6 =	simm.s32 $0x1;
	v11 =	vld.idx.msk [tilespmem:v8+s16+$0x0], $0xffff  }
0x251: {  	s7 =	sshll.u32 s24, $0x2;
	s6 =	simm.s32 @!p0 $0x0  }
0x252: {  	s7 =	sand.u32 $0xFFFFFE00, s7;
	s6 =	sshll.u32 s6, $0x8;
	v16 =	vld [tilespmem:s0+$0xCA20];
	v13 =	vadd.s32 s2, v4;
	v12 =	vpop (erf)  }
0x253: {  	s6 =	sor.u32 s6, s7;
	v1 =	vld [tilespmem:s0+$0x6620];
	v14 =	vadd.s32 s23, v4;
	v15 =	vpop (erf)  }
0x254: {  	s6 =	sshrl.u32 s6, $0x2;
	v0 =	vld [tilespmem:s0+$0x6630];
	v10 =	vmul.f32 v15, v10;
	v3 =	vmul.f32 v3, v6  }
0x255: {  	s26 =	sadd.s32 $0xD200, s6;
	v11 =	vmul.f32 v11, v6;
	v2 =	vld [tilespmem:s0+$0x6610];
	v9 =	vmul.f32 v12, v9  }
0x256: {  	v15 =	vld [tilespmem:s0+$0xCA30];
	[tilespmem:s26+$0x0] =	vst v10;
	v3 =	vmul.f32 $1.442695020e+00, v3  }
0x257: {  	s7 =	simm.s32 $0x4;
	v11 =	vmul.f32 $1.442695020e+00, v11;
	[tilespmem:s26+$0xFFFFFC00] =	vst v9;
	v9 =	vld.idx.msk [tilespmem:v13+s16+$0x0], $0xffff  }
0x258: {  	s10 =	simm.s32 $0x5;
	v10 =	vadd.s32 s7, v7;
	v12 =	vld.idx.msk [tilespmem:v14+s16+$0x0], $0xffff;
	(erf) = vpow2.f32 v3  }
0x259: {  	(erf) = vpow2.f32 v11;
	v11 =	vadd.s32 s10, v7;
	_ =	sdelay $0x2  }
0x25a: {  	v5 =	vld.idx.msk [tilespmem:v5+s3+$0x0], $0xffff;
	v3 =	vmul.f32 v9, v2  }
0x25b: {  	v12 =	vmul.f32 v12, v2;
	v9 =	vld.idx.msk [tilespmem:v10+s16+$0x0], $0xffff  }
0x25c: {  	v3 =	vmul.f32 $1.442695020e+00, v3;
	v17 =	vld.idx.msk [tilespmem:v11+s16+$0x0], $0xffff  }
0x25d: {  	v8 =	vld.idx.msk [tilespmem:v8+s3+$0x0], $0xffff;
	v12 =	vmul.f32 $1.442695020e+00, v12  }
0x25e: {  	(erf) = vpow2.f32 v3  }
0x25f: {  	v18 =	vadd.s32 s4, v4;
	(erf) = vpow2.f32 v12  }
0x260: {  	v12 =	vadd.s32 s17, v4;
	v9 =	vmul.f32 v9, v6;
	v3 =	vpop (erf)  }
0x261: {  	v19 =	vpop (erf);
	v17 =	vmul.f32 v17, v6;
	v5 =	vmul.f32 v3, v5  }
0x262: {  	s28 =	sadd.s32 $0x800, s26;
	v14 =	vld.idx.msk [tilespmem:v14+s3+$0x0], $0xffff;
	v9 =	vmul.f32 $1.442695020e+00, v9;
	v8 =	vmul.f32 v19, v8  }
0x263: {  	s12 =	simm.s32 $0x6;
	v13 =	vld.idx.msk [tilespmem:v13+s3+$0x0], $0xffff;
	v3 =	vmul.u32 $0x1A, v16;
	[tilespmem:s28+$0xFFFFFC00] =	vst v5  }
0x264: {  	v19 =	vadd.s32 s12, v7;
	(erf) = vpow2.f32 v9;
	[tilespmem:s28+$0x0] =	vst v8;
	v8 =	vmul.f32 $1.442695020e+00, v17;
	v9 =	vld.idx.msk [tilespmem:v18+s16+$0x0], $0xffff  }
0x265: {  	v5 =	vld.idx.msk [tilespmem:v12+s16+$0x0], $0xffff  }
0x266: {  	v16 =	vadd.s32 s2, v3;
	(erf) = vpow2.f32 v8  }
0x267: {  	s8 =	simm.s32 $0x7;
	v8 =	vadd.s32 s23, v3;
	v17 =	vpop (erf)  }
0x268: {  	v21 =	vadd.s32 s8, v7;
	v10 =	vld.idx.msk [tilespmem:v10+s3+$0x0], $0xffff;
	v13 =	vmul.f32 v17, v13;
	v17 =	vpop (erf)  }
0x269: {  	v20 =	vld.idx.msk [tilespmem:v19+s16+$0x0], $0xffff;
	v14 =	vmul.f32 v17, v14;
	v9 =	vmul.f32 v9, v2  }
0x26a: {  	v11 =	vld.idx.msk [tilespmem:v11+s3+$0x0], $0xffff;
	v5 =	vmul.f32 v5, v2;
	[tilespmem:s26+$0x10] =	vst v13  }
0x26b: {  	[tilespmem:s26+$0xFFFFFC10] =	vst v14;
	v13 =	vld.idx.msk [tilespmem:v16+s16+$0x0], $0xffff;
	v9 =	vmul.f32 $1.442695020e+00, v9  }
0x26c: {  	v5 =	vmul.f32 $1.442695020e+00, v5;
	v14 =	vld.idx.msk [tilespmem:v8+s16+$0x0], $0xffff  }
0x26d: {  	v17 =	vld.idx.msk [tilespmem:v21+s16+$0x0], $0xffff  }
0x26e: {  	v20 =	vmul.f32 v20, v6;
	v22 =	vpop (erf);
	(erf) = vpow2.f32 v5  }
0x26f: {  	v23 =	vadd.s32 s10, v4;
	v10 =	vmul.f32 v22, v10;
	(erf) = vpow2.f32 v9;
	v9 =	vpop (erf)  }
0x270: {  	v5 =	vmul.f32 $1.442695020e+00, v20;
	v20 =	vadd.s32 s7, v4;
	v9 =	vmul.f32 v9, v11  }
0x271: {  	v12 =	vld.idx.msk [tilespmem:v12+s3+$0x0], $0xffff;
	v11 =	vmul.f32 v13, v1;
	v14 =	vmul.f32 v14, v1  }
0x272: {  	s13 =	simm.s32 $0x8;
	s0 =	sadd.s32 $0x800, s28;
	v16 =	vld.idx.msk [tilespmem:v16+s3+$0x0], $0xffff;
	v17 =	vmul.f32 v17, v6;
	(erf) = vpow2.f32 v5  }
0x273: {  	v13 =	vld.idx.msk [tilespmem:v18+s3+$0x0], $0xffff;
	v18 =	vadd.s32 s13, v7;
	v11 =	vmul.f32 $1.442695020e+00, v11;
	[tilespmem:s0+$0x0] =	vst v9;
	v5 =	vmul.f32 $1.442695020e+00, v14  }
0x274: {  	s6 =	simm.s32 $0x9;
	[tilespmem:s0+$0xFFFFFC00] =	vst v10;
	v9 =	vld.idx.msk [tilespmem:v23+s16+$0x0], $0xffff  }
0x275: {  	v22 =	vadd.s32 s6, v7;
	v10 =	vmul.f32 $1.442695020e+00, v17;
	(erf) = vpow2.f32 v11;
	v11 =	vld.idx.msk [tilespmem:v20+s16+$0x0], $0xffff  }
0x276: {  	v14 =	vld.idx.msk [tilespmem:v19+s3+$0x0], $0xffff;
	v19 =	vadd.s32 s17, v3;
	(erf) = vpow2.f32 v5  }
0x277: {  	(erf) = vpow2.f32 v10;
	v10 =	vld.idx.msk [tilespmem:v20+s3+$0x0], $0xffff;
	v5 =	vpop (erf)  }
0x278: {  	v17 =	vadd.s32 s4, v3;
	v20 =	vld.idx.msk [tilespmem:v18+s16+$0x0], $0xffff;
	v12 =	vmul.f32 v5, v12  }
0x279: {  	v8 =	vld.idx.msk [tilespmem:v8+s3+$0x0], $0xffff;
	v5 =	vpop (erf);
	v9 =	vmul.f32 v9, v2  }
0x27a: {  	v25 =	vld.idx.msk [tilespmem:v22+s16+$0x0], $0xffff;
	v13 =	vmul.f32 v5, v13;
	v11 =	vmul.f32 v11, v2;
	[tilespmem:s28+$0x10] =	vst v12  }
0x27b: {  	v9 =	vmul.f32 $1.442695020e+00, v9;
	v12 =	vld.idx.msk [tilespmem:v19+s16+$0x0], $0xffff  }
0x27c: {  	v5 =	vmul.u32 $0x1A, v15;
	v15 =	vld.idx.msk [tilespmem:v21+s3+$0x0], $0xffff;
	[tilespmem:s28+$0xFFFFFC10] =	vst v13;
	v11 =	vmul.f32 $1.442695020e+00, v11  }
0x27d: {  	v21 =	vpop (erf);
	v20 =	vmul.f32 v20, v6;
	v13 =	vld.idx.msk [tilespmem:v17+s16+$0x0], $0xffff;
	(erf) = vpow2.f32 v9  }
0x27e: {  	v24 =	vadd.s32 s2, v5;
	v26 =	vpop (erf);
	(erf) = vpow2.f32 v11  }
0x27f: {  	v9 =	vadd.s32 s23, v5;
	v27 =	vld.idx.msk [tilespmem:v17+s3+$0x0], $0xffff;
	v17 =	vmul.f32 $1.442695020e+00, v20;
	v11 =	vmul.f32 v26, v16;
	v16 =	vpop (erf)  }
0x280: {  	v28 =	vadd.s32 s8, v4;
	v8 =	vmul.f32 v16, v8;
	v12 =	vmul.f32 v12, v1  }
0x281: {  	v18 =	vld.idx.msk [tilespmem:v18+s3+$0x0], $0xffff;
	v20 =	vadd.s32 s12, v4;
	v26 =	vpop (erf);
	[tilespmem:s26+$0x20] =	vst v11;
	v11 =	vmul.f32 v21, v14;
	v21 =	vmul.f32 v25, v6  }
0x282: {  	v16 =	vld.idx.msk [tilespmem:v23+s3+$0x0], $0xffff;
	v15 =	vmul.f32 v26, v15;
	v13 =	vmul.f32 v13, v1  }
0x283: {  	s2 =	sadd.s32 $0x800, s0;
	[tilespmem:s26+$0xFFFFFC20] =	vst v8;
	v8 =	vld.idx.msk [tilespmem:v24+s16+$0x0], $0xffff;
	v12 =	vmul.f32 $1.442695020e+00, v12;
	v21 =	vmul.f32 $1.442695020e+00, v21  }
0x284: {  	s15 =	simm.s32 $0xA;
	(erf) = vpow2.f32 v17;
	[tilespmem:s2+$0x0] =	vst v15;
	v15 =	vld.idx.msk [tilespmem:v9+s16+$0x0], $0xffff;
	v23 =	vmul.f32 $1.442695020e+00, v13  }
0x285: {  	v14 =	vadd.s32 s15, v7;
	[tilespmem:s2+$0xFFFFFC00] =	vst v11;
	v11 =	vld.idx.msk [tilespmem:v28+s16+$0x0], $0xffff;
	(erf) = vpow2.f32 v12  }
0x286: {  	v25 =	vld.idx.msk [tilespmem:v20+s16+$0x0], $0xffff;
	v13 =	vadd.s32 s10, v3;
	(erf) = vpow2.f32 v23  }
0x287: {  	s9 =	simm.s32 $0xB;
	v19 =	vld.idx.msk [tilespmem:v19+s3+$0x0], $0xffff;
	(erf) = vpow2.f32 v21;
	v21 =	vpop (erf)  }
0x288: {  	v29 =	vld.idx.msk [tilespmem:v9+s3+$0x0], $0xffff;
	v12 =	vadd.s32 s9, v7;
	v8 =	vmul.f32 v8, v0;
	v16 =	vmul.f32 v21, v16;
	v21 =	vpop (erf)  }
0x289: {  	v17 =	vld.idx.msk [tilespmem:v20+s3+$0x0], $0xffff;
	v20 =	vadd.s32 s7, v3;
	v15 =	vmul.f32 v15, v0;
	v10 =	vmul.f32 v21, v10  }
0x28a: {  	v9 =	vld.idx.msk [tilespmem:v14+s16+$0x0], $0xffff;
	v11 =	vmul.f32 v11, v2;
	v8 =	vmul.f32 $1.442695020e+00, v8;
	[tilespmem:s0+$0x10] =	vst v16  }
0x28b: {  	v16 =	vmul.f32 v25, v2;
	v15 =	vmul.f32 $1.442695020e+00, v15;
	[tilespmem:s0+$0xFFFFFC10] =	vst v10;
	v10 =	vld.idx.msk [tilespmem:v13+s16+$0x0], $0xffff  }
0x28c: {  	v21 =	vld.idx.msk [tilespmem:v22+s3+$0x0], $0xffff;
	v11 =	vmul.f32 $1.442695020e+00, v11;
	(erf) = vpow2.f32 v8  }
0x28d: {  	v25 =	vld.idx.msk [tilespmem:v12+s16+$0x0], $0xffff;
	v22 =	vmul.f32 $1.442695020e+00, v16;
	(erf) = vpow2.f32 v15  }
0x28e: {  	v26 =	vpop (erf);
	v8 =	vadd.s32 s17, v5;
	v23 =	vld.idx.msk [tilespmem:v20+s16+$0x0], $0xffff;
	(erf) = vpow2.f32 v11  }
0x28f: {  	v30 =	vadd.s32 s13, v4;
	v18 =	vmul.f32 v26, v18;
	v16 =	vld.idx.msk [tilespmem:v20+s3+$0x0], $0xffff;
	v20 =	vpop (erf);
	(erf) = vpow2.f32 v22  }
0x290: {  	v15 =	vld.idx.msk [tilespmem:v14+s3+$0x0], $0xffff;
	v11 =	vadd.s32 s4, v5;
	v19 =	vmul.f32 v20, v19;
	v20 =	vpop (erf);
	v10 =	vmul.f32 v10, v1  }
0x291: {  	v9 =	vmul.f32 v9, v6;
	v14 =	vadd.s32 s6, v4;
	v22 =	vpop (erf);
	v20 =	vmul.f32 v20, v27;
	v27 =	vld.idx.msk [tilespmem:v24+s3+$0x0], $0xffff  }
0x292: {  	s4 =	sadd.s32 $0x800, s2;
	v21 =	vmul.f32 v22, v21;
	v22 =	vld.idx.msk [tilespmem:v28+s3+$0x0], $0xffff;
	[tilespmem:s28+$0x20] =	vst v19;
	v10 =	vmul.f32 $1.442695020e+00, v10  }
0x293: {  	s21 =	simm.s32 $0xC;
	v9 =	vmul.f32 $1.442695020e+00, v9;
	[tilespmem:s4+$0xFFFFFC00] =	vst v18;
	v19 =	vmul.f32 v23, v1;
	v23 =	vld.idx.msk [tilespmem:v8+s16+$0x0], $0xffff  }
0x294: {  	v18 =	vadd.s32 s21, v7;
	[tilespmem:s28+$0xFFFFFC20] =	vst v20;
	v20 =	vmul.f32 v25, v6;
	v25 =	vld.idx.msk [tilespmem:v30+s16+$0x0], $0xffff  }
0x295: {  	(erf) = vpow2.f32 v9;
	[tilespmem:s4+$0x0] =	vst v21;
	v26 =	vld.idx.msk [tilespmem:v11+s16+$0x0], $0xffff;
	v9 =	vmul.f32 $1.442695020e+00, v19  }
0x296: {  	v24 =	vld.idx.msk [tilespmem:v14+s16+$0x0], $0xffff;
	v21 =	vmul.f32 $1.442695020e+00, v20;
	(erf) = vpow2.f32 v10;
	v10 =	vpop (erf)  }
0x297: {  	v19 =	vld.idx.msk [tilespmem:v30+s3+$0x0], $0xffff;
	v20 =	vadd.s32 s8, v3;
	(erf) = vpow2.f32 v9;
	v10 =	vmul.f32 v10, v27;
	v28 =	vpop (erf)  }
0x298: {  	s14 =	simm.s32 $0xE;
	s17 =	simm.s32 $0xD;
	v9 =	vld.idx.msk [tilespmem:v11+s3+$0x0], $0xffff;
	(erf) = vpow2.f32 v21;
	v21 =	vadd.s32 s12, v3;
	v27 =	vpop (erf);
	v11 =	vmul.f32 v28, v29  }
.LBB2_13:
0x299: {  	p1 =	slt.u32 s14, $0x18;
	v28 =	vld.idx.msk [tilespmem:v18+s16+$0x0], $0xffff;
	v29 =	vadd.s32 s17, v7;
	v22 =	vmul.f32 v27, v22;
	v27 =	vpop (erf);
	v23 =	vmul.f32 v23, v0;
	[tilespmem:s26+$0x30] =	vst v10  }
0x29a: {  	v26 =	vmul.f32 v26, v0;
	v10 =	vmul.f32 v27, v17;
	v27 =	vld.idx.msk [tilespmem:v13+s3+$0x0], $0xffff;
	[tilespmem:s26+$0xFFFFFC30] =	vst v11;
	v13 =	vmov v20;
	s26 =	smov.u32 s28;
	s28 =	smov.u32 s0;
	s0 =	smov.u32 s2  }
0x29b: {  	v24 =	vmul.f32 v24, v2;
	s2 =	smov.u32 s4;
	v11 =	vld.idx.msk [tilespmem:v12+s3+$0x0], $0xffff;
	[tilespmem:s0+$0x10] =	vst v22;
	v22 =	vmul.f32 $1.442695020e+00, v23;
	v12 =	vmov v29  }
0x29c: {  	v23 =	vmul.f32 v25, v2;
	[tilespmem:s0+$0xFFFFFC10] =	vst v10;
	v10 =	vld.idx.msk [tilespmem:v20+s16+$0x0], $0xffff;
	v20 =	vmul.f32 $1.442695020e+00, v26  }
0x29d: {  	v30 =	vmul.f32 $1.442695020e+00, v24;
	v17 =	vmov v19;
	v25 =	vld.idx.msk [tilespmem:v21+s16+$0x0], $0xffff;
	(erf) = vpow2.f32 v22  }
0x29e: {  	v31 =	vmul.f32 $1.442695020e+00, v23;
	v23 =	vadd.s32 s10, v5;
	s10 =	smov.u32 s8;
	s8 =	smov.u32 s6;
	s6 =	smov.u32 s9;
	v19 =	vld.idx.msk [tilespmem:v29+s16+$0x0], $0xffff;
	v26 =	vpop (erf);
	(erf) = vpow2.f32 v20  }
0x29f: {  	s9 =	smov.u32 s17;
	v20 =	vmul.f32 v28, v6;
	v28 =	vadd.s32 s7, v5;
	s7 =	smov.u32 s12;
	s12 =	smov.u32 s13;
	(erf) = vpow2.f32 v30;
	v21 =	vld.idx.msk [tilespmem:v21+s3+$0x0], $0xffff;
	v24 =	vpop (erf)  }
0x2a0: {  	s13 =	smov.u32 s15;
	s15 =	smov.u32 s21;
	s21 =	smov.u32 s14;
	v30 =	vadd.s32 s6, v4;
	v29 =	vld.idx.msk [tilespmem:v18+s3+$0x0], $0xffff;
	(erf) = vpow2.f32 v31;
	v18 =	vmul.f32 v24, v27;
	v22 =	vpop (erf)  }
0x2a1: {  	v20 =	vmul.f32 $1.442695020e+00, v20;
	v27 =	vadd.s32 s13, v4;
	v24 =	vpop (erf);
	v16 =	vmul.f32 v22, v16;
	v31 =	vld.idx.msk [tilespmem:v8+s3+$0x0], $0xffff  }
0x2a2: {  	v10 =	vmul.f32 v10, v1;
	v8 =	vmov v23;
	v11 =	vmul.f32 v24, v11;
	v22 =	vld.idx.msk [tilespmem:v14+s3+$0x0], $0xffff;
	[tilespmem:s28+$0x20] =	vst v18  }
0x2a3: {  	s4 =	sadd.s32 $0x800, s4;
	v33 =	vmul.f32 v26, v15;
	v25 =	vmul.f32 v25, v1;
	v14 =	vmov v30;
	[tilespmem:s28+$0xFFFFFC20] =	vst v16;
	v23 =	vld.idx.msk [tilespmem:v23+s16+$0x0], $0xffff  }
.Ltmp5:
0x2a4: {  	v18 =	vadd.s32 s14, v7;
	v19 =	vmul.f32 v19, v6;
	v32 =	vmul.f32 $1.442695020e+00, v10;
	[tilespmem:s4+$0x0] =	vst v11;
	v26 =	vld.idx.msk [tilespmem:v28+s16+$0x0], $0xffff;
	(pc) =	sbr.rel @p1 .LBB2_13-.Ltmp5, $4  }
0x2a5: {  	(erf) = vpow2.f32 v20;
	[tilespmem:s4+$0xFFFFFC00] =	vst v33;
	v24 =	vld.idx.msk [tilespmem:v30+s16+$0x0], $0xffff;
	v30 =	vmul.f32 $1.442695020e+00, v25;
	v16 =	vmov v21  }
0x2a6: {  	v21 =	vmul.f32 $1.442695020e+00, v19;
	v15 =	vmov v29;
	v25 =	vld.idx.msk [tilespmem:v27+s16+$0x0], $0xffff;
	(erf) = vpow2.f32 v32;
	v10 =	vpop (erf)  }
0x2a7: {  	v20 =	vadd.s32 s8, v3;
	v19 =	vld.idx.msk [tilespmem:v27+s3+$0x0], $0xffff;
	(erf) = vpow2.f32 v30;
	v10 =	vmul.f32 v10, v31;
	v11 =	vpop (erf)  }
0x2a8: {  	s17 =	sadd.s32 $0x1, s21;
	s14 =	sadd.s32 $0x2, s14;
	(erf) = vpow2.f32 v21;
	v21 =	vadd.s32 s12, v3;
	v27 =	vpop (erf);
	v11 =	vmul.f32 v11, v9;
	v9 =	vld.idx.msk [tilespmem:v28+s3+$0x0], $0xffff  }
0x2a9: {  	_ =	sdelay $0x2  }
0x2aa: {  	v54 =	vmul.f32 v27, v22  }
0x2ab: {  	v28 =	vadd.s32 s17, v7;
	v55 =	vpop (erf);
	v23 =	vmul.f32 v23, v0;
	v56 =	vld.idx.msk [tilespmem:v18+s16+$0x0], $0xffff;
	v57 =	vmul.f32 v26, v0  }
0x2ac: {  	v17 =	vmul.f32 v55, v17;
	v24 =	vmul.f32 v24, v2  }
0x2ad: {  	v13 =	vld.idx.msk [tilespmem:v13+s3+$0x0], $0xffff;
	[tilespmem:s2+$0x10] =	vst v54;
	v58 =	vmul.f32 $1.442695020e+00, v23;
	v59 =	vmul.f32 v25, v2  }
0x2ae: {  	v22 =	vmul.f32 $1.442695020e+00, v57;
	[tilespmem:s2+$0xFFFFFC10] =	vst v17;
	v60 =	vld.idx.msk [tilespmem:v20+s16+$0x0], $0xffff;
	v24 =	vmul.f32 $1.442695020e+00, v24  }
0x2af: {  	v61 =	vld.idx.msk [tilespmem:v21+s16+$0x0], $0xffff;
	(erf) = vpow2.f32 v58;
	v63 =	vmul.f32 $1.442695020e+00, v59  }
0x2b0: {  	v62 =	vld.idx.msk [tilespmem:v28+s16+$0x0], $0xffff;
	(erf) = vpow2.f32 v22;
	v29 =	vpop (erf);
	v30 =	vmul.f32 v56, v6  }
0x2b1: {  	v12 =	vld.idx.msk [tilespmem:v12+s3+$0x0], $0xffff;
	(erf) = vpow2.f32 v24;
	v15 =	vmul.f32 v29, v15  }
0x2b2: {  	v31 =	vpop (erf);
	(erf) = vpow2.f32 v63;
	v23 =	vmul.f32 $1.442695020e+00, v30  }
0x2b3: {  	v13 =	vmul.f32 v31, v13;
	v17 =	vmul.f32 v60, v1  }
0x2b4: {  	v36 =	vpop (erf);
	v32 =	vmul.f32 v61, v1;
	(erf) = vpow2.f32 v23  }
0x2b5: {  	v41 =	vadd.s32 s15, v4;
	v38 =	vpop (erf);
	v33 =	vmul.f32 v62, v6;
	v17 =	vmul.f32 $1.442695020e+00, v17  }
0x2b6: {  	v7 =	vadd.s32 s10, v5;
	v14 =	vld.idx.msk [tilespmem:v14+s3+$0x0], $0xffff;
	v12 =	vmul.f32 v38, v12;
	v34 =	vmul.f32 $1.442695020e+00, v32  }
0x2b7: {  	v35 =	vadd.s32 s9, v4;
	s30 =	sadd.s32 $0x800, s4;
	v52 =	vld.idx.msk [tilespmem:v18+s3+$0x0], $0xffff;
	v37 =	vmul.f32 $1.442695020e+00, v33;
	(erf) = vpow2.f32 v17  }
0x2b8: {  	v46 =	vld.idx.msk [tilespmem:v20+s3+$0x0], $0xffff;
	[tilespmem:s30+$0xFFFFFC00] =	vst v15;
	v6 =	vadd.s32 s7, v5;
	(erf) = vpow2.f32 v34  }
0x2b9: {  	v40 =	vld.idx.msk [tilespmem:v21+s3+$0x0], $0xffff;
	[tilespmem:s0+$0x20] =	vst v13;
	(erf) = vpow2.f32 v37  }
0x2ba: {  	v16 =	vmul.f32 v36, v16;
	v49 =	vld.idx.msk [tilespmem:v41+s16+$0x0], $0xffff;
	[tilespmem:s30+$0x0] =	vst v12;
	v12 =	vpop (erf)  }
0x2bb: {  	v39 =	vld.idx.msk [tilespmem:v7+s16+$0x0], $0xffff;
	v13 =	vpop (erf)  }
0x2bc: {  	v43 =	vadd.s32 s6, v3;
	[tilespmem:s0+$0xFFFFFC20] =	vst v16;
	v42 =	vld.idx.msk [tilespmem:v35+s16+$0x0], $0xffff;
	v45 =	vpop (erf)  }
0x2bd: {  	v44 =	vadd.s32 s13, v3;
	v16 =	vld.idx.msk [tilespmem:v6+s16+$0x0], $0xffff;
	v14 =	vmul.f32 v45, v14;
	v47 =	vpop (erf)  }
0x2be: {  	v48 =	vld.idx.msk [tilespmem:v28+s3+$0x0], $0xffff;
	v56 =	vadd.s32 s21, v4;
	v15 =	vmul.f32 v47, v19  }
0x2bf: {  	v57 =	vmul.f32 v49, v2;
	v51 =	vpop (erf);
	[tilespmem:s4+$0x10] =	vst v14;
	v14 =	vadd.s32 s8, v5  }
0x2c0: {  	v25 =	vmul.f32 v39, v0;
	[tilespmem:s4+$0xFFFFFC10] =	vst v15;
	v15 =	vadd.s32 s12, v5;
	v18 =	vmul.f32 v51, v52;
	v29 =	vpop (erf)  }
0x2c1: {  	s31 =	sadd.s32 $0x800, s30;
	v54 =	vadd.s32 s17, v4;
	v22 =	vmul.f32 v42, v2;
	v30 =	vld.idx.msk [tilespmem:v43+s16+$0x0], $0xffff;
	v53 =	vpop (erf);
	v20 =	vmul.f32 v29, v46  }
0x2c2: {  	v16 =	vmul.f32 v16, v0;
	v31 =	vld.idx.msk [tilespmem:v44+s16+$0x0], $0xffff;
	[tilespmem:s31+$0xFFFFFC00] =	vst v18;
	v17 =	vmul.f32 v53, v40;
	v55 =	vpop (erf)  }
0x2c3: {  	v50 =	vmul.f32 $1.442695020e+00, v25;
	v28 =	vld.idx.msk [tilespmem:v56+s16+$0x0], $0xffff;
	v19 =	vmul.f32 v55, v48;
	[tilespmem:s2+$0x20] =	vst v20  }
0x2c4: {  	v22 =	vmul.f32 $1.442695020e+00, v22;
	v16 =	vmul.f32 $1.442695020e+00, v16;
	[tilespmem:s2+$0xFFFFFC20] =	vst v17;
	v58 =	vld.idx.msk [tilespmem:v14+s16+$0x0], $0xffff  }
0x2c5: {  	(erf) = vpow2.f32 v50;
	v20 =	vmul.f32 $1.442695020e+00, v57;
	[tilespmem:s31+$0x0] =	vst v19;
	v60 =	vld.idx.msk [tilespmem:v15+s16+$0x0], $0xffff  }
0x2c6: {  	v59 =	vmul.f32 v30, v1;
	(erf) = vpow2.f32 v16;
	v62 =	vld.idx.msk [tilespmem:v54+s16+$0x0], $0xffff  }
0x2c7: {  	v61 =	vmul.f32 v31, v1;
	(erf) = vpow2.f32 v22  }
0x2c8: {  	v63 =	vmul.f32 $1.442695020e+00, v59;
	(erf) = vpow2.f32 v20  }
0x2c9: {  	v16 =	vmul.f32 $1.442695020e+00, v61;
	v31 =	vmul.f32 v28, v2  }
0x2ca: {  	(erf) = vpow2.f32 v63;
	v17 =	vmul.f32 v58, v0  }
0x2cb: {  	v30 =	vmul.f32 v60, v0;
	v18 =	vmul.f32 v62, v2  }
0x2cc: {  	(erf) = vpow2.f32 v16;
	v17 =	vmul.f32 $1.442695020e+00, v17  }
0x2cd: {  	v16 =	vmul.f32 $1.442695020e+00, v30;
	v18 =	vmul.f32 $1.442695020e+00, v18  }
0x2ce: {  	v2 =	vmul.f32 $1.442695020e+00, v31;
	(erf) = vpow2.f32 v17  }
0x2cf: {  	v32 =	vld.idx.msk [tilespmem:v35+s3+$0x0], $0xffff;
	(erf) = vpow2.f32 v16  }
0x2d0: {  	v33 =	vld.idx.msk [tilespmem:v41+s3+$0x0], $0xffff;
	(erf) = vpow2.f32 v18  }
0x2d1: {  	v18 =	vpop (erf);
	(erf) = vpow2.f32 v2  }
0x2d2: {  	v34 =	vadd.s32 s9, v3;
	v2 =	vpop (erf)  }
0x2d3: {  	v36 =	vadd.s32 s15, v3;
	v37 =	vld.idx.msk [tilespmem:v43+s3+$0x0], $0xffff;
	v35 =	vpop (erf)  }
0x2d4: {  	v39 =	vld.idx.msk [tilespmem:v44+s3+$0x0], $0xffff;
	v38 =	vpop (erf);
	v17 =	vmul.f32 v35, v32  }
0x2d5: {  	v41 =	vld.idx.msk [tilespmem:v54+s3+$0x0], $0xffff;
	v16 =	vmul.f32 v38, v33;
	v40 =	vpop (erf)  }
0x2d6: {  	v4 =	vld.idx.msk [tilespmem:v56+s3+$0x0], $0xffff;
	[tilespmem:s30+$0x10] =	vst v17;
	v17 =	vadd.s32 s6, v5;
	v42 =	vpop (erf)  }
0x2d7: {  	v26 =	vadd.s32 s13, v5;
	[tilespmem:s30+$0xFFFFFC10] =	vst v16;
	v43 =	vld.idx.msk [tilespmem:v34+s16+$0x0], $0xffff;
	v27 =	vpop (erf)  }
0x2d8: {  	v45 =	vadd.s32 s17, v3;
	v20 =	vmul.f32 v40, v37;
	v44 =	vld.idx.msk [tilespmem:v36+s16+$0x0], $0xffff;
	v29 =	vpop (erf)  }
0x2d9: {  	v46 =	vadd.s32 s21, v3;
	v24 =	vmul.f32 v42, v39;
	v47 =	vpop (erf)  }
0x2da: {  	[tilespmem:s4+$0x20] =	vst v20;
	v48 =	vmul.f32 v47, v41;
	v49 =	vpop (erf)  }
0x2db: {  	[tilespmem:s4+$0xFFFFFC20] =	vst v24;
	v50 =	vld.idx.msk [tilespmem:v17+s16+$0x0], $0xffff;
	v4 =	vmul.f32 v49, v4  }
0x2dc: {  	v51 =	vld.idx.msk [tilespmem:v26+s16+$0x0], $0xffff;
	v16 =	vmul.f32 v43, v1;
	[tilespmem:s31+$0x10] =	vst v48  }
0x2dd: {  	v52 =	vmul.f32 v44, v1;
	[tilespmem:s31+$0xFFFFFC10] =	vst v4;
	v53 =	vld.idx.msk [tilespmem:v45+s16+$0x0], $0xffff  }
0x2de: {  	v16 =	vmul.f32 $1.442695020e+00, v16;
	v54 =	vld.idx.msk [tilespmem:v46+s16+$0x0], $0xffff  }
0x2df: {  	v20 =	vmul.f32 $1.442695020e+00, v52  }
0x2e0: {  	(erf) = vpow2.f32 v16;
	v55 =	vmul.f32 v50, v0  }
0x2e1: {  	v56 =	vmul.f32 v51, v0;
	(erf) = vpow2.f32 v20  }
0x2e2: {  	v16 =	vmul.f32 $1.442695020e+00, v55;
	v4 =	vmul.f32 v53, v1  }
0x2e3: {  	v20 =	vmul.f32 $1.442695020e+00, v56;
	v57 =	vmul.f32 v54, v1  }
0x2e4: {  	(erf) = vpow2.f32 v16;
	v4 =	vmul.f32 $1.442695020e+00, v4  }
0x2e5: {  	(erf) = vpow2.f32 v20;
	v1 =	vmul.f32 $1.442695020e+00, v57  }
0x2e6: {  	(erf) = vpow2.f32 v4  }
0x2e7: {  	(erf) = vpow2.f32 v1;
	_ =	sdelay $0x1  }
0x2e8: {  	v58 =	vld.idx.msk [tilespmem:v34+s3+$0x0], $0xffff  }
0x2e9: {  	v59 =	vld.idx.msk [tilespmem:v36+s3+$0x0], $0xffff  }
0x2ea: {  	v61 =	vld.idx.msk [tilespmem:v45+s3+$0x0], $0xffff;
	v60 =	vpop (erf)  }
0x2eb: {  	v62 =	vadd.s32 s9, v5;
	v3 =	vld.idx.msk [tilespmem:v46+s3+$0x0], $0xffff;
	v63 =	vpop (erf)  }
0x2ec: {  	v28 =	vadd.s32 s15, v5;
	v30 =	vpop (erf)  }
0x2ed: {  	v32 =	vadd.s32 s17, v5;
	v1 =	vmul.f32 v60, v58;
	v31 =	vpop (erf)  }
0x2ee: {  	v33 =	vadd.s32 s21, v5;
	v4 =	vmul.f32 v63, v59;
	v34 =	vpop (erf)  }
0x2ef: {  	[tilespmem:s30+$0x20] =	vst v1;
	v35 =	vmul.f32 v34, v61;
	v36 =	vpop (erf)  }
0x2f0: {  	[tilespmem:s30+$0xFFFFFC20] =	vst v4;
	v37 =	vld.idx.msk [tilespmem:v62+s16+$0x0], $0xffff;
	v3 =	vmul.f32 v36, v3  }
0x2f1: {  	v38 =	vld.idx.msk [tilespmem:v28+s16+$0x0], $0xffff;
	[tilespmem:s31+$0x20] =	vst v35  }
0x2f2: {  	[tilespmem:s31+$0xFFFFFC20] =	vst v3;
	v1 =	vld.idx.msk [tilespmem:v32+s16+$0x0], $0xffff  }
0x2f3: {  	v3 =	vld.idx.msk [tilespmem:v33+s16+$0x0], $0xffff;
	_ =	sdelay $0x1  }
0x2f4: {  	v4 =	vmul.f32 v37, v0  }
0x2f5: {  	v8 =	vld.idx.msk [tilespmem:v8+s3+$0x0], $0xffff;
	v19 =	vmul.f32 v38, v0  }
0x2f6: {  	v40 =	vld.idx.msk [tilespmem:v6+s3+$0x0], $0xffff;
	v4 =	vmul.f32 $1.442695020e+00, v4;
	v1 =	vmul.f32 v1, v0  }
0x2f7: {  	v19 =	vmul.f32 $1.442695020e+00, v19;
	v39 =	vmul.f32 v3, v0  }
0x2f8: {  	v7 =	vld.idx.msk [tilespmem:v7+s3+$0x0], $0xffff;
	(erf) = vpow2.f32 v4;
	v1 =	vmul.f32 $1.442695020e+00, v1  }
0x2f9: {  	v41 =	vld.idx.msk [tilespmem:v14+s3+$0x0], $0xffff;
	(erf) = vpow2.f32 v19;
	v0 =	vmul.f32 $1.442695020e+00, v39  }
0x2fa: {  	[tilespmem:s26+$0x30] =	vst v10;
	v42 =	vmul.f32 v12, v8;
	v43 =	vld.idx.msk [tilespmem:v15+s3+$0x0], $0xffff;
	(erf) = vpow2.f32 v1  }
0x2fb: {  	[tilespmem:s26+$0xFFFFFC30] =	vst v11;
	v48 =	vmul.f32 v2, v40;
	v45 =	vld.idx.msk [tilespmem:v17+s3+$0x0], $0xffff;
	(erf) = vpow2.f32 v0  }
0x2fc: {  	[tilespmem:s28+$0x30] =	vst v42;
	v47 =	vld.idx.msk [tilespmem:v26+s3+$0x0], $0xffff;
	v44 =	vmul.f32 v13, v9  }
0x2fd: {  	v46 =	vmul.f32 v18, v7;
	[tilespmem:s0+$0xFFFFFC30] =	vst v48;
	v49 =	vld.idx.msk [tilespmem:v62+s3+$0x0], $0xffff  }
0x2fe: {  	[tilespmem:s28+$0xFFFFFC30] =	vst v44;
	v50 =	vmul.f32 v27, v41;
	v51 =	vld.idx.msk [tilespmem:v28+s3+$0x0], $0xffff  }
0x2ff: {  	[tilespmem:s0+$0x30] =	vst v46;
	v52 =	vmul.f32 v29, v43;
	v53 =	vld.idx.msk [tilespmem:v32+s3+$0x0], $0xffff  }
0x300: {  	[tilespmem:s2+$0x30] =	vst v50;
	v54 =	vmul.f32 v30, v45;
	v5 =	vld.idx.msk [tilespmem:v33+s3+$0x0], $0xffff  }
0x301: {  	s25 =	sadd.s32 $0x1, s25;
	[tilespmem:s2+$0xFFFFFC30] =	vst v52;
	v55 =	vmul.f32 v31, v47;
	v56 =	vpop (erf)  }
0x302: {  	p1 =	sne.s32 s25, $0x10;
	[tilespmem:s4+$0x30] =	vst v54;
	v57 =	vmul.f32 v56, v49;
	v58 =	vpop (erf)  }
.Ltmp6:
0x303: {  	[tilespmem:s4+$0xFFFFFC30] =	vst v55;
	v59 =	vmul.f32 v58, v51;
	v60 =	vpop (erf);
	(pc) =	sbr.rel @p1 .LBB2_12-.Ltmp6, $4  }
0x304: {  	[tilespmem:s30+$0x30] =	vst v57;
	v61 =	vmul.f32 v60, v53;
	v62 =	vpop (erf)  }
0x305: {  	[tilespmem:s30+$0xFFFFFC30] =	vst v59;
	v63 =	vmul.f32 v62, v5  }
0x306: {  	[tilespmem:s31+$0x30] =	vst v61  }
0x307: {  	s24 =	sadd.s32 $0x40, s24;
	p0 =	por !p0, !p0;
	[tilespmem:s31+$0xFFFFFC30] =	vst v63  }
0x308: {  	s0 =	rddreg [dreg:$0x9]  }
0x309: {  	[hbm4b:s0+s11] =	stream.strided.scatter [tilespmem:s19], [sflag:$0x1], $0x6800, s18, s11, $0x38;
	[tilespmem:$0x19E00] =	vst v63  }
0x30a: {  	_ =	swait.ge [sflag:s29], $0x6800  }
0x30b: {  	[sflag:s29] =	ssyncset.done $0x0  }
0x30c: {  	s2 =	simm.s32 $0x2;
	[sflag:s29] =	ssyncadd.s32 $0xFFFF9800  }
0x30d: {  	_ =	swait.ge [sflag:s2], $0x6800  }
0x30e: {  	s22 =	sadd.s32 $0x1, s22;
	s31 =	rddreg [dreg:$0xa]  }
0x30f: {  	p0 =	sne.s32 s22, s31  }
.Ltmp7:
0x310: {  	_ = 	snop;
	(pc) =	sbr.rel @p0 .LBB2_1-.Ltmp7, $3  }
0x311: {  	_ =	sdelay $0x1  }
0x312: {  	[sflag:s2] =	ssyncset.done $0x0  }
0x313: {  	[sflag:s2] =	ssyncadd.s32 $0xFFFF9800  }
0x314: {  	_ =	sfence.sel $0x180000  }
0x315: {  	[bflag:$0x0] =	sbarrier.arrive $0xFFFF  }
0x316: {  	_ =	strace $0x90000047  }
0x317: {  	s0 =	stileid.u32;
	[bflag:$0x2] =	sbarrier.arrive $0xFFFF  }
0x318: {  	p0 =	sne.s32 s0, $0x0;
	s0 =	rddreg [dreg:$0x4]  }
0x319: {  	s0 =	sadd.s32 @!p0 $0x100000, s0  }
0x31a: {  	[sflag:s0] =	ssyncadd.tile.s32 @!p0 $0x1;
	_ =	shalt  }
.Lfunc_end2:
_tile_overlayer_lowered:
.L_overlay_start_2:
0x31b: {  	(tag) =	ssettag $0x2  }
0x31c: {  	s0 =	rddreg [dreg:$0x0];
	s2 =	stileid.u32  }
0x31d: {  	s1 =	rddreg [dreg:$0x1];
	p0 =	sne.s32 s2, $0x0  }
0x31e: {  	s3 =	rddreg [dreg:$0x2];
	[bflag:$0x3] =	sbarrier.arrive $0xFFFF;
	s2 =	simm.s32 @!p0 $0x1C03  }
0x31f: {  	[timem:s3], [sflag:s2] =	dma.local @!p0 [hbm:s0], s1  }
0x320: {  	s0 =	simm.s32 @!p0 $0x3  }
0x321: {  	_ =	swait.ge @!p0 [sflag:s0], s1  }
0x322: {  	s1 =	ssub.s32 @!p0 $0x0, s1;
	[sflag:s0] =	ssyncset.done @!p0 $0x0  }
0x323: {  	[sflag:s0] =	ssyncadd.s32 @!p0 s1  }
0x324: {  	[bflag:$0x3] =	sbarrier.arrive $0xFFFF  }
0x325: {  	_ =	shalt  }

</sc_bundles>
